<compile_context>
chip_gen: v7x
topology: tpu7x:2x2x1
jax: 0.10.2.dev20260603
libtpu: 0.0.44.dev20260713+nightly
codegen_flags: <defaults>
</compile_context>

<pallas_src>
import functools

import jax
import jax.numpy as jnp
from jax import lax
from jax.experimental import pallas as pl
from jax.experimental.pallas import tpu as pltpu
from jax.experimental.pallas import tpu_sc as plsc

N = 10000
D = 256
H = 128
E = 160000
NTILES = 16
CHUNK = 64
NPH = 1
NCH = 158
EPT = NPH * NCH * CHUNK
EPAD = NTILES * EPT
NPAD = 10240
ZROWS = NPAD // NTILES
CROWS = 10240
OROWS = 1000
TN = 400


def _dot_t(a, b):
    return lax.dot_general(a, b, (((1,), (1,)), ((), ())),
                           preferred_element_type=jnp.float32)



def _tc_y_body(x_ref, wl_ref, y_ref):
    y = _dot_t(x_ref[...], wl_ref[...])
    y_ref[0] = y[:, :H]
    y_ref[1] = y[:, H:]


def _tc_y(f, wl):
    return pl.pallas_call(
        _tc_y_body,
        grid=(N // TN,),
        in_specs=[
            pl.BlockSpec((TN, D), lambda i: (i, 0)),
            pl.BlockSpec((D, D), lambda i: (0, 0)),
        ],
        out_specs=pl.BlockSpec((2, TN, H), lambda i: (0, i, 0)),
        out_shape=jax.ShapeDtypeStruct((2, N, H), jnp.float32),
    )(f, wl)


def _tc_r_body(x_ref, wr_ref, b_ref, r_ref):
    r_ref[...] = _dot_t(x_ref[...], wr_ref[...]) + b_ref[...]


def _tc_r(f, wr, b):
    return pl.pallas_call(
        _tc_r_body,
        grid=(N // TN,),
        in_specs=[
            pl.BlockSpec((TN, D), lambda i: (i, 0)),
            pl.BlockSpec((D, D), lambda i: (0, 0)),
            pl.BlockSpec((1, D), lambda i: (0, 0)),
        ],
        out_specs=pl.BlockSpec((TN, D), lambda i: (i, 0)),
        out_shape=jax.ShapeDtypeStruct((N, D), jnp.float32),
    )(f, wr, b.reshape(1, D))


def _tc_mid_body(agg_ref, cnt_ref, r_ref, wl_ref, wr_ref, b_ref,
                 y_ref, r2_ref):
    recip = 1.0 / jnp.maximum(cnt_ref[...], 1.0)
    hb = jnp.concatenate([agg_ref[0], agg_ref[1]], axis=1) * recip + r_ref[...]
    y = _dot_t(hb, wl_ref[...])
    y_ref[0] = y[:, :H]
    y_ref[1] = y[:, H:]
    r2_ref[...] = _dot_t(hb, wr_ref[...]) + b_ref[...]


def _tc_mid(agg, cnt, r, wl, wr, b):
    return pl.pallas_call(
        _tc_mid_body,
        grid=(N // TN,),
        in_specs=[
            pl.BlockSpec((2, TN, H), lambda i: (0, i, 0)),
            pl.BlockSpec((TN, 1), lambda i: (i, 0)),
            pl.BlockSpec((TN, D), lambda i: (i, 0)),
            pl.BlockSpec((D, D), lambda i: (0, 0)),
            pl.BlockSpec((D, D), lambda i: (0, 0)),
            pl.BlockSpec((1, D), lambda i: (0, 0)),
        ],
        out_specs=[
            pl.BlockSpec((2, TN, H), lambda i: (0, i, 0)),
            pl.BlockSpec((TN, D), lambda i: (i, 0)),
        ],
        out_shape=[
            jax.ShapeDtypeStruct((2, N, H), jnp.float32),
            jax.ShapeDtypeStruct((N, D), jnp.float32),
        ],
    )(agg, cnt, r, wl, wr, b.reshape(1, D))


def _tc_post_body(agg_ref, cnt_ref, r_ref, o_ref):
    recip = 1.0 / jnp.maximum(cnt_ref[...], 1.0)
    o_ref[...] = (jnp.concatenate([agg_ref[0], agg_ref[1]], axis=1) * recip
                  + r_ref[...])


def _tc_post(agg, cnt, r):
    return pl.pallas_call(
        _tc_post_body,
        grid=(N // TN,),
        in_specs=[
            pl.BlockSpec((2, TN, H), lambda i: (0, i, 0)),
            pl.BlockSpec((TN, 1), lambda i: (i, 0)),
            pl.BlockSpec((TN, D), lambda i: (i, 0)),
        ],
        out_specs=pl.BlockSpec((TN, D), lambda i: (i, 0)),
        out_shape=jax.ShapeDtypeStruct((N, D), jnp.float32),
    )(agg, cnt, r)



def _make_sc_agg(with_cnt: bool):
    mesh = plsc.VectorSubcoreMesh(core_axis_name="c", subcore_axis_name="s")
    out_type = [jax.ShapeDtypeStruct((2, N, H), jnp.float32)]
    if with_cnt:
        out_type.append(jax.ShapeDtypeStruct((N,), jnp.float32))

    def body(y_hbm, srcs_hbm, dsts_hbm, agg_hbm, *rest):
        if with_cnt:
            cnt_hbm = rest[0]
            (src_v, dst_v, rows_v, ones_v, cnt_v, acc, cnt_acc,
             gsems) = rest[1:]
        else:
            (src_v, dst_v, rows_v, ones_v, cnt_v, acc, cnt_acc,
             gsems) = rest

        c = lax.axis_index("c")
        s = lax.axis_index("s")

        zv = jnp.zeros((16,), jnp.float32)

        def zbody(i, _):
            for k in range(H // 16):
                rows_v[0, i, pl.ds(k * 16, 16)] = zv
            return 0

        lax.fori_loop(0, CHUNK, zbody, 0)
        for t in range(ZROWS // CHUNK):
            pltpu.sync_copy(rows_v.at[0],
                            acc.at[pl.ds(s * ZROWS + t * CHUNK, CHUNK)])
        _zrem = ZROWS % CHUNK
        if _zrem:
            pltpu.sync_copy(
                rows_v.at[0, pl.ds(0, _zrem)],
                acc.at[pl.ds(s * ZROWS + (ZROWS // CHUNK) * CHUNK, _zrem)])
        if with_cnt:
            for k in range(1024 // 16):
                cnt_v[pl.ds(k * 16, 16)] = zv

            @pl.when(jnp.logical_and(c == 0, s < CROWS // 1024))
            def _():
                pltpu.sync_copy(cnt_v, cnt_acc.at[pl.ds(s * 1024, 1024)])

        pltpu.sync_copy(srcs_hbm.at[s], src_v)

        off = c * N

        def off_body(i, _):
            sl = pl.ds(i * 16, 16)
            src_v[sl] = src_v[sl] + off
            return 0

        lax.fori_loop(0, EPT // 16, off_body, 0)

        if with_cnt:
            for k in range(CHUNK // 16):
                ones_v[pl.ds(k * 16, 16)] = jnp.full((16,), 1.0, jnp.float32)

        plsc.subcore_barrier()

        def g_desc(p, j, b):
            idx = src_v.at[pl.ds((p * NCH + j) * CHUNK, CHUNK)]
            return pltpu.make_async_copy(y_hbm.at[idx], rows_v.at[b],
                                         gsems.at[b])

        for p in range(NPH):
            pltpu.sync_copy(dsts_hbm.at[s, p], dst_v)
            g_desc(p, 0, 0).start()

            def pair_body(jj, _, p=p):
                j0 = 2 * jj
                g_desc(p, j0, 0).wait()
                g_desc(p, j0 + 1, 1).start()
                pltpu.sync_copy(rows_v.at[0], acc.at[dst_v.at[j0]], add=True)
                g_desc(p, j0 + 1, 1).wait()

                @pl.when(jj + 1 < NCH // 2)
                def _():
                    g_desc(p, j0 + 2, 0).start()

                pltpu.sync_copy(rows_v.at[1], acc.at[dst_v.at[j0 + 1]],
                                add=True)
                return 0

            lax.fori_loop(0, NCH // 2, pair_body, 0)

            if with_cnt:
                @pl.when(c == 0)
                def _():
                    def cnt_body(j, _):
                        pltpu.sync_copy(ones_v, cnt_acc.at[dst_v.at[j]],
                                        add=True)
                        return 0
                    lax.fori_loop(0, NCH, cnt_body, 0)

        plsc.subcore_barrier()

        @pl.when(s < 10)
        def _():
            pltpu.sync_copy(acc.at[pl.ds(s * OROWS, OROWS)],
                            agg_hbm.at[c, pl.ds(s * OROWS, OROWS)])
        if with_cnt:
            @pl.when(jnp.logical_and(c == 0, s < 10))
            def _():
                pltpu.sync_copy(cnt_acc.at[pl.ds(s * 1000, 1000)],
                                cnt_v.at[pl.ds(0, 1000)])
                pltpu.sync_copy(cnt_v.at[pl.ds(0, 1000)],
                                cnt_hbm.at[pl.ds(s * 1000, 1000)])

    return pl.kernel(
        body,
        out_type=out_type,
        mesh=mesh,
        scratch_types=[
            pltpu.VMEM((EPT,), jnp.int32),
            pltpu.VMEM((NCH, CHUNK), jnp.int32),
            pltpu.VMEM((2, CHUNK, H), jnp.float32),
            pltpu.VMEM((CHUNK,), jnp.float32),
            pltpu.VMEM((1024,), jnp.float32),
            pltpu.VMEM_SHARED((NPAD, H), jnp.float32),
            pltpu.VMEM_SHARED((CROWS,), jnp.float32),
            pltpu.SemaphoreType.DMA((2,)),
        ],
    )


_sc_agg_cnt = _make_sc_agg(True)
_sc_agg = _make_sc_agg(False)



def kernel(x, edge_index, W1_l, b1, W1_r, W2_l, b2, W2_r):
    src = edge_index[0].astype(jnp.int32)
    dst = edge_index[1].astype(jnp.int32)
    pad = EPAD - E
    src_p = jnp.concatenate([src, jnp.zeros((pad,), jnp.int32)])
    dst_p = jnp.concatenate([dst, jnp.full((pad,), N, jnp.int32)])
    srcs = src_p.reshape(NTILES, EPT)
    dsts = dst_p.reshape(NTILES, NPH, NCH, CHUNK)

    y1 = _tc_y(x, W1_l)
    r1 = _tc_r(x, W1_r, b1)
    agg1, cnt = _sc_agg_cnt(y1.reshape(2 * N, H), srcs, dsts)
    cnt2 = cnt.reshape(N, 1)
    y2, r2 = _tc_mid(agg1, cnt2, r1, W2_l, W2_r, b2)
    (agg2,) = _sc_agg(y2.reshape(2 * N, H), srcs, dsts)
    return _tc_post(agg2, cnt2, r2)

# --- scband reference (transcript-rebuilt; emitter-appended) ---
"""Pipeline reference for scband-graph-sage-38439957299732 (READ-ONLY COPY).

The authoritative reference and input builder live on the scoring server;
editing this copy changes nothing except your own understanding.
"""

import jax, jax.numpy as jnp
import numpy as np

N = 10000
E = 160000
D_IN = 256
D_HID = 256
D_OUT = 256


def _sage_conv(x, edge_index, W_l, b_l, W_r):
    # PyG-style SAGEConv with mean aggregation:
    # out = lin_l(mean_{j in N(i)} x_j) + lin_r(x_i)
    src = edge_index[0]
    dst = edge_index[1]
    msg = x[src]  # gather source-node features per edge
    summed = jax.ops.segment_sum(msg, dst, num_segments=x.shape[0])
    cnt = jax.ops.segment_sum(jnp.ones((edge_index.shape[1],), x.dtype), dst, num_segments=x.shape[0])
    mean = summed / jnp.maximum(cnt, 1.0)[:, None]
    return mean @ W_l.T + b_l + x @ W_r.T


def setup_inputs(seed: int = 0) -> dict:
    key = jax.random.key(seed)
    k_x, k_ei, k1, k2, k3, k4, k5 = jax.random.split(key, 7)
    x = jax.random.normal(k_x, (N, D_IN), dtype=jnp.float32)
    edge_index = jax.random.randint(k_ei, (2, E), 0, N, dtype=jnp.int64)
    s1 = 1.0 / np.sqrt(D_IN)
    s2 = 1.0 / np.sqrt(D_HID)
    W1_l = jax.random.uniform(k1, (D_HID, D_IN), jnp.float32, -s1, s1)
    W1_r = jax.random.uniform(k2, (D_HID, D_IN), jnp.float32, -s1, s1)
    b1 = jnp.zeros((D_HID,), jnp.float32)
    W2_l = jax.random.uniform(k3, (D_OUT, D_HID), jnp.float32, -s2, s2)
    W2_r = jax.random.uniform(k4, (D_OUT, D_HID), jnp.float32, -s2, s2)
    b2 = jnp.zeros((D_OUT,), jnp.float32)
    return {"x": x, "edge_index": edge_index, "W1_l": W1_l, "b1": b1, "W1_r": W1_r, "W2_l": W2_l, "b2": b2, "W2_r": W2_r}


def reference(x, edge_index, W1_l, b1, W1_r, W2_l, b2, W2_r):
    h = _sage_conv(x, edge_index, W1_l, b1, W1_r)
    out = _sage_conv(h, edge_index, W2_l, b2, W2_r)
    return out

if __name__ == "__main__":
    import jax
    _d = setup_inputs()
    print(jax.jit(kernel)(*tuple(_d.values())))

</pallas_src>

<mosaic_0001>
#map = affine_map<(d0, d1) -> (0, 0)>
#map1 = affine_map<(d0, d1) -> (0, 0, 0, 0)>
#map2 = affine_map<(d0, d1) -> (0, 0, 0)>
module attributes {stable_mosaic.version = 14 : i64} {
  func.func @body(%arg0: i32, %arg1: i32, %arg2: memref<20000x128xf32, #tpu.memory_space<hbm>>, %arg3: memref<16x10112xi32, #tpu.memory_space<hbm>>, %arg4: memref<16x1x158x64xi32, #tpu.memory_space<hbm>>, %arg5: memref<2x10000x128xf32, #tpu.memory_space<hbm>>, %arg6: memref<10112xi32, #tpu.memory_space<vmem>>, %arg7: memref<158x64xi32, #tpu.memory_space<vmem>>, %arg8: memref<2x64x128xf32, #tpu.memory_space<vmem>>, %arg9: memref<64xf32, #tpu.memory_space<vmem>>, %arg10: memref<1024xf32, #tpu.memory_space<vmem>>, %arg11: memref<10240x128xf32, #tpu.memory_space<vmem_shared>>, %arg12: memref<10240xf32, #tpu.memory_space<vmem_shared>>, %arg13: memref<2x!tpu.dma_semaphore, #tpu.memory_space<semaphore_mem>>) attributes {dimension_semantics = [#tpu.dimension_semantics<core_parallel>, #tpu.dimension_semantics<subcore_parallel>], iteration_bounds = array<i64: 2, 16>, scalar_prefetch = 0 : i64, scratch_operands = 8 : i64, tpu.core_type = #tpu.core_type<sc_vector_subcore>, window_params = [{transform_indices = #map}, {transform_indices = #map}, {transform_indices = #map1}, {transform_indices = #map2}]} {
    %broadcast_in_dim3A = arith.constant 0.000000e+00 : f32
    %broadcast_in_dim3A_0 = vector.broadcast %broadcast_in_dim3A : f32 to vector<16xf32>
    %scan3A = arith.constant 0 : i32
    %scan3A_1 = arith.constant 0 : i32
    %scan3A_2 = arith.constant 64 : i32
    %scan3A_3 = arith.addi %scan3A_1, %scan3A_2 : i32
    %scan3A_4 = arith.constant 1 : i32
    %scan3A_5 = scf.for %scan3A_86 = %scan3A_1 to %scan3A_3 step %scan3A_4 iter_args(%scan3A_87 = %scan3A) -> (i32)  : i32 {
      %swap3A = arith.constant 0 : i32
      %swap3A_88 = arith.index_cast %swap3A : i32 to index
      %swap3A_89 = arith.index_cast %scan3A_86 : i32 to index
      %swap3A_90 = arith.constant 0 : index
      %swap3A_91 = tpu.vector_load %arg8[%swap3A_88, %swap3A_89, %swap3A_90] {strides = array<i32>} : memref<2x64x128xf32, #tpu.memory_space<vmem>>, vector<1x1x16xf32>,
      %swap3A_92 = vector.shape_cast %swap3A_91 : vector<1x1x16xf32> to vector<16xf32>
      %swap3A_93 = vector.shape_cast %broadcast_in_dim3A_0 : vector<16xf32> to vector<1x1x16xf32>
      tpu.vector_store %arg8[%swap3A_88, %swap3A_89, %swap3A_90], %swap3A_93 {strides = array<i32>} : memref<2x64x128xf32, #tpu.memory_space<vmem>>, vector<1x1x16xf32>,
      %swap3A_94 = arith.constant 0 : i32
      %swap3A_95 = arith.index_cast %swap3A_94 : i32 to index
      %swap3A_96 = arith.index_cast %scan3A_86 : i32 to index
      %swap3A_97 = arith.constant 16 : index
      %swap3A_98 = tpu.vector_load %arg8[%swap3A_95, %swap3A_96, %swap3A_97] {strides = array<i32>} : memref<2x64x128xf32, #tpu.memory_space<vmem>>, vector<1x1x16xf32>,
      %swap3A_99 = vector.shape_cast %swap3A_98 : vector<1x1x16xf32> to vector<16xf32>
      %swap3A_100 = vector.shape_cast %broadcast_in_dim3A_0 : vector<16xf32> to vector<1x1x16xf32>
      tpu.vector_store %arg8[%swap3A_95, %swap3A_96, %swap3A_97], %swap3A_100 {strides = array<i32>} : memref<2x64x128xf32, #tpu.memory_space<vmem>>, vector<1x1x16xf32>,
      %swap3A_101 = arith.constant 0 : i32
      %swap3A_102 = arith.index_cast %swap3A_101 : i32 to index
      %swap3A_103 = arith.index_cast %scan3A_86 : i32 to index
      %swap3A_104 = arith.constant 32 : index
      %swap3A_105 = tpu.vector_load %arg8[%swap3A_102, %swap3A_103, %swap3A_104] {strides = array<i32>} : memref<2x64x128xf32, #tpu.memory_space<vmem>>, vector<1x1x16xf32>,
      %swap3A_106 = vector.shape_cast %swap3A_105 : vector<1x1x16xf32> to vector<16xf32>
      %swap3A_107 = vector.shape_cast %broadcast_in_dim3A_0 : vector<16xf32> to vector<1x1x16xf32>
      tpu.vector_store %arg8[%swap3A_102, %swap3A_103, %swap3A_104], %swap3A_107 {strides = array<i32>} : memref<2x64x128xf32, #tpu.memory_space<vmem>>, vector<1x1x16xf32>,
      %swap3A_108 = arith.constant 0 : i32
      %swap3A_109 = arith.index_cast %swap3A_108 : i32 to index
      %swap3A_110 = arith.index_cast %scan3A_86 : i32 to index
      %swap3A_111 = arith.constant 48 : index
      %swap3A_112 = tpu.vector_load %arg8[%swap3A_109, %swap3A_110, %swap3A_111] {strides = array<i32>} : memref<2x64x128xf32, #tpu.memory_space<vmem>>, vector<1x1x16xf32>,
      %swap3A_113 = vector.shape_cast %swap3A_112 : vector<1x1x16xf32> to vector<16xf32>
      %swap3A_114 = vector.shape_cast %broadcast_in_dim3A_0 : vector<16xf32> to vector<1x1x16xf32>
      tpu.vector_store %arg8[%swap3A_109, %swap3A_110, %swap3A_111], %swap3A_114 {strides = array<i32>} : memref<2x64x128xf32, #tpu.memory_space<vmem>>, vector<1x1x16xf32>,
      %swap3A_115 = arith.constant 0 : i32
      %swap3A_116 = arith.index_cast %swap3A_115 : i32 to index
      %swap3A_117 = arith.index_cast %scan3A_86 : i32 to index
      %swap3A_118 = arith.constant 64 : index
      %swap3A_119 = tpu.vector_load %arg8[%swap3A_116, %swap3A_117, %swap3A_118] {strides = array<i32>} : memref<2x64x128xf32, #tpu.memory_space<vmem>>, vector<1x1x16xf32>,
      %swap3A_120 = vector.shape_cast %swap3A_119 : vector<1x1x16xf32> to vector<16xf32>
      %swap3A_121 = vector.shape_cast %broadcast_in_dim3A_0 : vector<16xf32> to vector<1x1x16xf32>
      tpu.vector_store %arg8[%swap3A_116, %swap3A_117, %swap3A_118], %swap3A_121 {strides = array<i32>} : memref<2x64x128xf32, #tpu.memory_space<vmem>>, vector<1x1x16xf32>,
      %swap3A_122 = arith.constant 0 : i32
      %swap3A_123 = arith.index_cast %swap3A_122 : i32 to index
      %swap3A_124 = arith.index_cast %scan3A_86 : i32 to index
      %swap3A_125 = arith.constant 80 : index
      %swap3A_126 = tpu.vector_load %arg8[%swap3A_123, %swap3A_124, %swap3A_125] {strides = array<i32>} : memref<2x64x128xf32, #tpu.memory_space<vmem>>, vector<1x1x16xf32>,
      %swap3A_127 = vector.shape_cast %swap3A_126 : vector<1x1x16xf32> to vector<16xf32>
      %swap3A_128 = vector.shape_cast %broadcast_in_dim3A_0 : vector<16xf32> to vector<1x1x16xf32>
      tpu.vector_store %arg8[%swap3A_123, %swap3A_124, %swap3A_125], %swap3A_128 {strides = array<i32>} : memref<2x64x128xf32, #tpu.memory_space<vmem>>, vector<1x1x16xf32>,
      %swap3A_129 = arith.constant 0 : i32
      %swap3A_130 = arith.index_cast %swap3A_129 : i32 to index
      %swap3A_131 = arith.index_cast %scan3A_86 : i32 to index
      %swap3A_132 = arith.constant 96 : index
      %swap3A_133 = tpu.vector_load %arg8[%swap3A_130, %swap3A_131, %swap3A_132] {strides = array<i32>} : memref<2x64x128xf32, #tpu.memory_space<vmem>>, vector<1x1x16xf32>,
      %swap3A_134 = vector.shape_cast %swap3A_133 : vector<1x1x16xf32> to vector<16xf32>
      %swap3A_135 = vector.shape_cast %broadcast_in_dim3A_0 : vector<16xf32> to vector<1x1x16xf32>
      tpu.vector_store %arg8[%swap3A_130, %swap3A_131, %swap3A_132], %swap3A_135 {strides = array<i32>} : memref<2x64x128xf32, #tpu.memory_space<vmem>>, vector<1x1x16xf32>,
      %swap3A_136 = arith.constant 0 : i32
      %swap3A_137 = arith.index_cast %swap3A_136 : i32 to index
      %swap3A_138 = arith.index_cast %scan3A_86 : i32 to index
      %swap3A_139 = arith.constant 112 : index
      %swap3A_140 = tpu.vector_load %arg8[%swap3A_137, %swap3A_138, %swap3A_139] {strides = array<i32>} : memref<2x64x128xf32, #tpu.memory_space<vmem>>, vector<1x1x16xf32>,
      %swap3A_141 = vector.shape_cast %swap3A_140 : vector<1x1x16xf32> to vector<16xf32>
      %swap3A_142 = vector.shape_cast %broadcast_in_dim3A_0 : vector<16xf32> to vector<1x1x16xf32>
      tpu.vector_store %arg8[%swap3A_137, %swap3A_138, %swap3A_139], %swap3A_142 {strides = array<i32>} : memref<2x64x128xf32, #tpu.memory_space<vmem>>, vector<1x1x16xf32>,
      %scan3A_143 = arith.constant 0 : i32
      scf.yield %scan3A_143 : i32
    }
    %scan3A_6 = arith.constant 64 : i32
    %mul3A = arith.constant 640 : i32
    %mul3A_7 = arith.muli %arg1, %mul3A : i32
    %add3A = arith.constant 0 : i32
    %add3A_8 = arith.addi %mul3A_7, %add3A : i32
    %run_scoped3A = arith.constant 0 : i32
    "tpu.region"() ({
      %run_scoped3A_86 = tpu.sem_alloc : memref<!tpu.dma_semaphore, #tpu.memory_space<semaphore_mem>>
      %dma_start3A_87 = arith.constant 0 : i32
      %dma_start3A_88 = arith.constant 0 : i32
      %dma_start3A_89 = tpu.memref_slice %arg8[%run_scoped3A, %dma_start3A_87, %dma_start3A_88] : memref<2x64x128xf32, #tpu.memory_space<vmem>> -> memref<1x64x128xf32, #tpu.memory_space<vmem>>
      %dma_start3A_90 = tpu.memref_squeeze %dma_start3A_89 : memref<1x64x128xf32, #tpu.memory_space<vmem>> -> memref<64x128xf32, #tpu.memory_space<vmem>>
      %dma_start3A_91 = arith.constant 0 : i32
      %dma_start3A_92 = tpu.memref_slice %arg11[%add3A_8, %dma_start3A_91] : memref<10240x128xf32, #tpu.memory_space<vmem_shared>> -> memref<64x128xf32, #tpu.memory_space<vmem_shared>>
      %dma_start3A_93 = arith.constant 0 : i32
      %dma_start3A_94 = tpu.memref_slice %arg11[%add3A_8, %dma_start3A_93] : memref<10240x128xf32, #tpu.memory_space<vmem_shared>> -> memref<64x128xf32, #tpu.memory_space<vmem_shared>>
      %dma_start3A_95 = arith.constant 0 : i32
      %dma_start3A_96 = arith.constant 0 : i32
      %dma_start3A_97 = tpu.memref_slice %arg8[%run_scoped3A, %dma_start3A_95, %dma_start3A_96] : memref<2x64x128xf32, #tpu.memory_space<vmem>> -> memref<1x64x128xf32, #tpu.memory_space<vmem>>
      %dma_start3A_98 = tpu.memref_squeeze %dma_start3A_97 : memref<1x64x128xf32, #tpu.memory_space<vmem>> -> memref<64x128xf32, #tpu.memory_space<vmem>>
      tpu.enqueue_dma source(%dma_start3A_98 : memref<64x128xf32, #tpu.memory_space<vmem>>) target(%dma_start3A_94 : memref<64x128xf32, #tpu.memory_space<vmem_shared>>) target_semaphore(%run_scoped3A_86 : memref<!tpu.dma_semaphore, #tpu.memory_space<semaphore_mem>>)
      %dma_wait3A = arith.constant 0 : i32
      %dma_wait3A_99 = arith.constant 0 : i32
      %dma_wait3A_100 = tpu.memref_slice %arg8[%run_scoped3A, %dma_wait3A, %dma_wait3A_99] : memref<2x64x128xf32, #tpu.memory_space<vmem>> -> memref<1x64x128xf32, #tpu.memory_space<vmem>>
      %dma_wait3A_101 = tpu.memref_squeeze %dma_wait3A_100 : memref<1x64x128xf32, #tpu.memory_space<vmem>> -> memref<64x128xf32, #tpu.memory_space<vmem>>
      %dma_wait3A_102 = arith.constant 0 : i32
      %dma_wait3A_103 = tpu.memref_slice %arg11[%add3A_8, %dma_wait3A_102] : memref<10240x128xf32, #tpu.memory_space<vmem_shared>> -> memref<64x128xf32, #tpu.memory_space<vmem_shared>>
      %dma_wait3A_104 = arith.constant 0 : i32
      %dma_wait3A_105 = tpu.memref_slice %arg11[%add3A_8, %dma_wait3A_104] : memref<10240x128xf32, #tpu.memory_space<vmem_shared>> -> memref<64x128xf32, #tpu.memory_space<vmem_shared>>
      %dma_wait3A_106 = arith.constant 0 : i32
      %dma_wait3A_107 = arith.constant 0 : i32
      %dma_wait3A_108 = tpu.memref_slice %arg8[%run_scoped3A, %dma_wait3A_106, %dma_wait3A_107] : memref<2x64x128xf32, #tpu.memory_space<vmem>> -> memref<1x64x128xf32, #tpu.memory_space<vmem>>
      %dma_wait3A_109 = tpu.memref_squeeze %dma_wait3A_108 : memref<1x64x128xf32, #tpu.memory_space<vmem>> -> memref<64x128xf32, #tpu.memory_space<vmem>>
      tpu.wait_dma2 semaphore(%run_scoped3A_86 : memref<!tpu.dma_semaphore, #tpu.memory_space<semaphore_mem>>) src(%dma_wait3A_109 : memref<64x128xf32, #tpu.memory_space<vmem>>) dst(%dma_wait3A_105 : memref<64x128xf32, #tpu.memory_space<vmem_shared>>)
      tpu.yield
    }) : () -> ()
    %mul3A_9 = arith.constant 640 : i32
    %mul3A_10 = arith.muli %arg1, %mul3A_9 : i32
    %add3A_11 = arith.constant 64 : i32
    %add3A_12 = arith.addi %mul3A_10, %add3A_11 : i32
    %run_scoped3A_13 = arith.constant 0 : i32
    "tpu.region"() ({
      %run_scoped3A_86 = tpu.sem_alloc : memref<!tpu.dma_semaphore, #tpu.memory_space<semaphore_mem>>
      %dma_start3A_87 = arith.constant 0 : i32
      %dma_start3A_88 = arith.constant 0 : i32
      %dma_start3A_89 = tpu.memref_slice %arg8[%run_scoped3A_13, %dma_start3A_87, %dma_start3A_88] : memref<2x64x128xf32, #tpu.memory_space<vmem>> -> memref<1x64x128xf32, #tpu.memory_space<vmem>>
      %dma_start3A_90 = tpu.memref_squeeze %dma_start3A_89 : memref<1x64x128xf32, #tpu.memory_space<vmem>> -> memref<64x128xf32, #tpu.memory_space<vmem>>
      %dma_start3A_91 = arith.constant 0 : i32
      %dma_start3A_92 = tpu.memref_slice %arg11[%add3A_12, %dma_start3A_91] : memref<10240x128xf32, #tpu.memory_space<vmem_shared>> -> memref<64x128xf32, #tpu.memory_space<vmem_shared>>
      %dma_start3A_93 = arith.constant 0 : i32
      %dma_start3A_94 = tpu.memref_slice %arg11[%add3A_12, %dma_start3A_93] : memref<10240x128xf32, #tpu.memory_space<vmem_shared>> -> memref<64x128xf32, #tpu.memory_space<vmem_shared>>
      %dma_start3A_95 = arith.constant 0 : i32
      %dma_start3A_96 = arith.constant 0 : i32
      %dma_start3A_97 = tpu.memref_slice %arg8[%run_scoped3A_13, %dma_start3A_95, %dma_start3A_96] : memref<2x64x128xf32, #tpu.memory_space<vmem>> -> memref<1x64x128xf32, #tpu.memory_space<vmem>>
      %dma_start3A_98 = tpu.memref_squeeze %dma_start3A_97 : memref<1x64x128xf32, #tpu.memory_space<vmem>> -> memref<64x128xf32, #tpu.memory_space<vmem>>
      tpu.enqueue_dma source(%dma_start3A_98 : memref<64x128xf32, #tpu.memory_space<vmem>>) target(%dma_start3A_94 : memref<64x128xf32, #tpu.memory_space<vmem_shared>>) target_semaphore(%run_scoped3A_86 : memref<!tpu.dma_semaphore, #tpu.memory_space<semaphore_mem>>)
      %dma_wait3A = arith.constant 0 : i32
      %dma_wait3A_99 = arith.constant 0 : i32
      %dma_wait3A_100 = tpu.memref_slice %arg8[%run_scoped3A_13, %dma_wait3A, %dma_wait3A_99] : memref<2x64x128xf32, #tpu.memory_space<vmem>> -> memref<1x64x128xf32, #tpu.memory_space<vmem>>
      %dma_wait3A_101 = tpu.memref_squeeze %dma_wait3A_100 : memref<1x64x128xf32, #tpu.memory_space<vmem>> -> memref<64x128xf32, #tpu.memory_space<vmem>>
      %dma_wait3A_102 = arith.constant 0 : i32
      %dma_wait3A_103 = tpu.memref_slice %arg11[%add3A_12, %dma_wait3A_102] : memref<10240x128xf32, #tpu.memory_space<vmem_shared>> -> memref<64x128xf32, #tpu.memory_space<vmem_shared>>
      %dma_wait3A_104 = arith.constant 0 : i32
      %dma_wait3A_105 = tpu.memref_slice %arg11[%add3A_12, %dma_wait3A_104] : memref<10240x128xf32, #tpu.memory_space<vmem_shared>> -> memref<64x128xf32, #tpu.memory_space<vmem_shared>>
      %dma_wait3A_106 = arith.constant 0 : i32
      %dma_wait3A_107 = arith.constant 0 : i32
      %dma_wait3A_108 = tpu.memref_slice %arg8[%run_scoped3A_13, %dma_wait3A_106, %dma_wait3A_107] : memref<2x64x128xf32, #tpu.memory_space<vmem>> -> memref<1x64x128xf32, #tpu.memory_space<vmem>>
      %dma_wait3A_109 = tpu.memref_squeeze %dma_wait3A_108 : memref<1x64x128xf32, #tpu.memory_space<vmem>> -> memref<64x128xf32, #tpu.memory_space<vmem>>
      tpu.wait_dma2 semaphore(%run_scoped3A_86 : memref<!tpu.dma_semaphore, #tpu.memory_space<semaphore_mem>>) src(%dma_wait3A_109 : memref<64x128xf32, #tpu.memory_space<vmem>>) dst(%dma_wait3A_105 : memref<64x128xf32, #tpu.memory_space<vmem_shared>>)
      tpu.yield
    }) : () -> ()
    %mul3A_14 = arith.constant 640 : i32
    %mul3A_15 = arith.muli %arg1, %mul3A_14 : i32
    %add3A_16 = arith.constant 128 : i32
    %add3A_17 = arith.addi %mul3A_15, %add3A_16 : i32
    %run_scoped3A_18 = arith.constant 0 : i32
    "tpu.region"() ({
      %run_scoped3A_86 = tpu.sem_alloc : memref<!tpu.dma_semaphore, #tpu.memory_space<semaphore_mem>>
      %dma_start3A_87 = arith.constant 0 : i32
      %dma_start3A_88 = arith.constant 0 : i32
      %dma_start3A_89 = tpu.memref_slice %arg8[%run_scoped3A_18, %dma_start3A_87, %dma_start3A_88] : memref<2x64x128xf32, #tpu.memory_space<vmem>> -> memref<1x64x128xf32, #tpu.memory_space<vmem>>
      %dma_start3A_90 = tpu.memref_squeeze %dma_start3A_89 : memref<1x64x128xf32, #tpu.memory_space<vmem>> -> memref<64x128xf32, #tpu.memory_space<vmem>>
      %dma_start3A_91 = arith.constant 0 : i32
      %dma_start3A_92 = tpu.memref_slice %arg11[%add3A_17, %dma_start3A_91] : memref<10240x128xf32, #tpu.memory_space<vmem_shared>> -> memref<64x128xf32, #tpu.memory_space<vmem_shared>>
      %dma_start3A_93 = arith.constant 0 : i32
      %dma_start3A_94 = tpu.memref_slice %arg11[%add3A_17, %dma_start3A_93] : memref<10240x128xf32, #tpu.memory_space<vmem_shared>> -> memref<64x128xf32, #tpu.memory_space<vmem_shared>>
      %dma_start3A_95 = arith.constant 0 : i32
      %dma_start3A_96 = arith.constant 0 : i32
      %dma_start3A_97 = tpu.memref_slice %arg8[%run_scoped3A_18, %dma_start3A_95, %dma_start3A_96] : memref<2x64x128xf32, #tpu.memory_space<vmem>> -> memref<1x64x128xf32, #tpu.memory_space<vmem>>
      %dma_start3A_98 = tpu.memref_squeeze %dma_start3A_97 : memref<1x64x128xf32, #tpu.memory_space<vmem>> -> memref<64x128xf32, #tpu.memory_space<vmem>>
      tpu.enqueue_dma source(%dma_start3A_98 : memref<64x128xf32, #tpu.memory_space<vmem>>) target(%dma_start3A_94 : memref<64x128xf32, #tpu.memory_space<vmem_shared>>) target_semaphore(%run_scoped3A_86 : memref<!tpu.dma_semaphore, #tpu.memory_space<semaphore_mem>>)
      %dma_wait3A = arith.constant 0 : i32
      %dma_wait3A_99 = arith.constant 0 : i32
      %dma_wait3A_100 = tpu.memref_slice %arg8[%run_scoped3A_18, %dma_wait3A, %dma_wait3A_99] : memref<2x64x128xf32, #tpu.memory_space<vmem>> -> memref<1x64x128xf32, #tpu.memory_space<vmem>>
      %dma_wait3A_101 = tpu.memref_squeeze %dma_wait3A_100 : memref<1x64x128xf32, #tpu.memory_space<vmem>> -> memref<64x128xf32, #tpu.memory_space<vmem>>
      %dma_wait3A_102 = arith.constant 0 : i32
      %dma_wait3A_103 = tpu.memref_slice %arg11[%add3A_17, %dma_wait3A_102] : memref<10240x128xf32, #tpu.memory_space<vmem_shared>> -> memref<64x128xf32, #tpu.memory_space<vmem_shared>>
      %dma_wait3A_104 = arith.constant 0 : i32
      %dma_wait3A_105 = tpu.memref_slice %arg11[%add3A_17, %dma_wait3A_104] : memref<10240x128xf32, #tpu.memory_space<vmem_shared>> -> memref<64x128xf32, #tpu.memory_space<vmem_shared>>
      %dma_wait3A_106 = arith.constant 0 : i32
      %dma_wait3A_107 = arith.constant 0 : i32
      %dma_wait3A_108 = tpu.memref_slice %arg8[%run_scoped3A_18, %dma_wait3A_106, %dma_wait3A_107] : memref<2x64x128xf32, #tpu.memory_space<vmem>> -> memref<1x64x128xf32, #tpu.memory_space<vmem>>
      %dma_wait3A_109 = tpu.memref_squeeze %dma_wait3A_108 : memref<1x64x128xf32, #tpu.memory_space<vmem>> -> memref<64x128xf32, #tpu.memory_space<vmem>>
      tpu.wait_dma2 semaphore(%run_scoped3A_86 : memref<!tpu.dma_semaphore, #tpu.memory_space<semaphore_mem>>) src(%dma_wait3A_109 : memref<64x128xf32, #tpu.memory_space<vmem>>) dst(%dma_wait3A_105 : memref<64x128xf32, #tpu.memory_space<vmem_shared>>)
      tpu.yield
    }) : () -> ()
    %mul3A_19 = arith.constant 640 : i32
    %mul3A_20 = arith.muli %arg1, %mul3A_19 : i32
    %add3A_21 = arith.constant 192 : i32
    %add3A_22 = arith.addi %mul3A_20, %add3A_21 : i32
    %run_scoped3A_23 = arith.constant 0 : i32
    "tpu.region"() ({
      %run_scoped3A_86 = tpu.sem_alloc : memref<!tpu.dma_semaphore, #tpu.memory_space<semaphore_mem>>
      %dma_start3A_87 = arith.constant 0 : i32
      %dma_start3A_88 = arith.constant 0 : i32
      %dma_start3A_89 = tpu.memref_slice %arg8[%run_scoped3A_23, %dma_start3A_87, %dma_start3A_88] : memref<2x64x128xf32, #tpu.memory_space<vmem>> -> memref<1x64x128xf32, #tpu.memory_space<vmem>>
      %dma_start3A_90 = tpu.memref_squeeze %dma_start3A_89 : memref<1x64x128xf32, #tpu.memory_space<vmem>> -> memref<64x128xf32, #tpu.memory_space<vmem>>
      %dma_start3A_91 = arith.constant 0 : i32
      %dma_start3A_92 = tpu.memref_slice %arg11[%add3A_22, %dma_start3A_91] : memref<10240x128xf32, #tpu.memory_space<vmem_shared>> -> memref<64x128xf32, #tpu.memory_space<vmem_shared>>
      %dma_start3A_93 = arith.constant 0 : i32
      %dma_start3A_94 = tpu.memref_slice %arg11[%add3A_22, %dma_start3A_93] : memref<10240x128xf32, #tpu.memory_space<vmem_shared>> -> memref<64x128xf32, #tpu.memory_space<vmem_shared>>
      %dma_start3A_95 = arith.constant 0 : i32
      %dma_start3A_96 = arith.constant 0 : i32
      %dma_start3A_97 = tpu.memref_slice %arg8[%run_scoped3A_23, %dma_start3A_95, %dma_start3A_96] : memref<2x64x128xf32, #tpu.memory_space<vmem>> -> memref<1x64x128xf32, #tpu.memory_space<vmem>>
      %dma_start3A_98 = tpu.memref_squeeze %dma_start3A_97 : memref<1x64x128xf32, #tpu.memory_space<vmem>> -> memref<64x128xf32, #tpu.memory_space<vmem>>
      tpu.enqueue_dma source(%dma_start3A_98 : memref<64x128xf32, #tpu.memory_space<vmem>>) target(%dma_start3A_94 : memref<64x128xf32, #tpu.memory_space<vmem_shared>>) target_semaphore(%run_scoped3A_86 : memref<!tpu.dma_semaphore, #tpu.memory_space<semaphore_mem>>)
      %dma_wait3A = arith.constant 0 : i32
      %dma_wait3A_99 = arith.constant 0 : i32
      %dma_wait3A_100 = tpu.memref_slice %arg8[%run_scoped3A_23, %dma_wait3A, %dma_wait3A_99] : memref<2x64x128xf32, #tpu.memory_space<vmem>> -> memref<1x64x128xf32, #tpu.memory_space<vmem>>
      %dma_wait3A_101 = tpu.memref_squeeze %dma_wait3A_100 : memref<1x64x128xf32, #tpu.memory_space<vmem>> -> memref<64x128xf32, #tpu.memory_space<vmem>>
      %dma_wait3A_102 = arith.constant 0 : i32
      %dma_wait3A_103 = tpu.memref_slice %arg11[%add3A_22, %dma_wait3A_102] : memref<10240x128xf32, #tpu.memory_space<vmem_shared>> -> memref<64x128xf32, #tpu.memory_space<vmem_shared>>
      %dma_wait3A_104 = arith.constant 0 : i32
      %dma_wait3A_105 = tpu.memref_slice %arg11[%add3A_22, %dma_wait3A_104] : memref<10240x128xf32, #tpu.memory_space<vmem_shared>> -> memref<64x128xf32, #tpu.memory_space<vmem_shared>>
      %dma_wait3A_106 = arith.constant 0 : i32
      %dma_wait3A_107 = arith.constant 0 : i32
      %dma_wait3A_108 = tpu.memref_slice %arg8[%run_scoped3A_23, %dma_wait3A_106, %dma_wait3A_107] : memref<2x64x128xf32, #tpu.memory_space<vmem>> -> memref<1x64x128xf32, #tpu.memory_space<vmem>>
      %dma_wait3A_109 = tpu.memref_squeeze %dma_wait3A_108 : memref<1x64x128xf32, #tpu.memory_space<vmem>> -> memref<64x128xf32, #tpu.memory_space<vmem>>
      tpu.wait_dma2 semaphore(%run_scoped3A_86 : memref<!tpu.dma_semaphore, #tpu.memory_space<semaphore_mem>>) src(%dma_wait3A_109 : memref<64x128xf32, #tpu.memory_space<vmem>>) dst(%dma_wait3A_105 : memref<64x128xf32, #tpu.memory_space<vmem_shared>>)
      tpu.yield
    }) : () -> ()
    %mul3A_24 = arith.constant 640 : i32
    %mul3A_25 = arith.muli %arg1, %mul3A_24 : i32
    %add3A_26 = arith.constant 256 : i32
    %add3A_27 = arith.addi %mul3A_25, %add3A_26 : i32
    %run_scoped3A_28 = arith.constant 0 : i32
    "tpu.region"() ({
      %run_scoped3A_86 = tpu.sem_alloc : memref<!tpu.dma_semaphore, #tpu.memory_space<semaphore_mem>>
      %dma_start3A_87 = arith.constant 0 : i32
      %dma_start3A_88 = arith.constant 0 : i32
      %dma_start3A_89 = tpu.memref_slice %arg8[%run_scoped3A_28, %dma_start3A_87, %dma_start3A_88] : memref<2x64x128xf32, #tpu.memory_space<vmem>> -> memref<1x64x128xf32, #tpu.memory_space<vmem>>
      %dma_start3A_90 = tpu.memref_squeeze %dma_start3A_89 : memref<1x64x128xf32, #tpu.memory_space<vmem>> -> memref<64x128xf32, #tpu.memory_space<vmem>>
      %dma_start3A_91 = arith.constant 0 : i32
      %dma_start3A_92 = tpu.memref_slice %arg11[%add3A_27, %dma_start3A_91] : memref<10240x128xf32, #tpu.memory_space<vmem_shared>> -> memref<64x128xf32, #tpu.memory_space<vmem_shared>>
      %dma_start3A_93 = arith.constant 0 : i32
      %dma_start3A_94 = tpu.memref_slice %arg11[%add3A_27, %dma_start3A_93] : memref<10240x128xf32, #tpu.memory_space<vmem_shared>> -> memref<64x128xf32, #tpu.memory_space<vmem_shared>>
      %dma_start3A_95 = arith.constant 0 : i32
      %dma_start3A_96 = arith.constant 0 : i32
      %dma_start3A_97 = tpu.memref_slice %arg8[%run_scoped3A_28, %dma_start3A_95, %dma_start3A_96] : memref<2x64x128xf32, #tpu.memory_space<vmem>> -> memref<1x64x128xf32, #tpu.memory_space<vmem>>
      %dma_start3A_98 = tpu.memref_squeeze %dma_start3A_97 : memref<1x64x128xf32, #tpu.memory_space<vmem>> -> memref<64x128xf32, #tpu.memory_space<vmem>>
      tpu.enqueue_dma source(%dma_start3A_98 : memref<64x128xf32, #tpu.memory_space<vmem>>) target(%dma_start3A_94 : memref<64x128xf32, #tpu.memory_space<vmem_shared>>) target_semaphore(%run_scoped3A_86 : memref<!tpu.dma_semaphore, #tpu.memory_space<semaphore_mem>>)
      %dma_wait3A = arith.constant 0 : i32
      %dma_wait3A_99 = arith.constant 0 : i32
      %dma_wait3A_100 = tpu.memref_slice %arg8[%run_scoped3A_28, %dma_wait3A, %dma_wait3A_99] : memref<2x64x128xf32, #tpu.memory_space<vmem>> -> memref<1x64x128xf32, #tpu.memory_space<vmem>>
      %dma_wait3A_101 = tpu.memref_squeeze %dma_wait3A_100 : memref<1x64x128xf32, #tpu.memory_space<vmem>> -> memref<64x128xf32, #tpu.memory_space<vmem>>
      %dma_wait3A_102 = arith.constant 0 : i32
      %dma_wait3A_103 = tpu.memref_slice %arg11[%add3A_27, %dma_wait3A_102] : memref<10240x128xf32, #tpu.memory_space<vmem_shared>> -> memref<64x128xf32, #tpu.memory_space<vmem_shared>>
      %dma_wait3A_104 = arith.constant 0 : i32
      %dma_wait3A_105 = tpu.memref_slice %arg11[%add3A_27, %dma_wait3A_104] : memref<10240x128xf32, #tpu.memory_space<vmem_shared>> -> memref<64x128xf32, #tpu.memory_space<vmem_shared>>
      %dma_wait3A_106 = arith.constant 0 : i32
      %dma_wait3A_107 = arith.constant 0 : i32
      %dma_wait3A_108 = tpu.memref_slice %arg8[%run_scoped3A_28, %dma_wait3A_106, %dma_wait3A_107] : memref<2x64x128xf32, #tpu.memory_space<vmem>> -> memref<1x64x128xf32, #tpu.memory_space<vmem>>
      %dma_wait3A_109 = tpu.memref_squeeze %dma_wait3A_108 : memref<1x64x128xf32, #tpu.memory_space<vmem>> -> memref<64x128xf32, #tpu.memory_space<vmem>>
      tpu.wait_dma2 semaphore(%run_scoped3A_86 : memref<!tpu.dma_semaphore, #tpu.memory_space<semaphore_mem>>) src(%dma_wait3A_109 : memref<64x128xf32, #tpu.memory_space<vmem>>) dst(%dma_wait3A_105 : memref<64x128xf32, #tpu.memory_space<vmem_shared>>)
      tpu.yield
    }) : () -> ()
    %mul3A_29 = arith.constant 640 : i32
    %mul3A_30 = arith.muli %arg1, %mul3A_29 : i32
    %add3A_31 = arith.constant 320 : i32
    %add3A_32 = arith.addi %mul3A_30, %add3A_31 : i32
    %run_scoped3A_33 = arith.constant 0 : i32
    "tpu.region"() ({
      %run_scoped3A_86 = tpu.sem_alloc : memref<!tpu.dma_semaphore, #tpu.memory_space<semaphore_mem>>
      %dma_start3A_87 = arith.constant 0 : i32
      %dma_start3A_88 = arith.constant 0 : i32
      %dma_start3A_89 = tpu.memref_slice %arg8[%run_scoped3A_33, %dma_start3A_87, %dma_start3A_88] : memref<2x64x128xf32, #tpu.memory_space<vmem>> -> memref<1x64x128xf32, #tpu.memory_space<vmem>>
      %dma_start3A_90 = tpu.memref_squeeze %dma_start3A_89 : memref<1x64x128xf32, #tpu.memory_space<vmem>> -> memref<64x128xf32, #tpu.memory_space<vmem>>
      %dma_start3A_91 = arith.constant 0 : i32
      %dma_start3A_92 = tpu.memref_slice %arg11[%add3A_32, %dma_start3A_91] : memref<10240x128xf32, #tpu.memory_space<vmem_shared>> -> memref<64x128xf32, #tpu.memory_space<vmem_shared>>
      %dma_start3A_93 = arith.constant 0 : i32
      %dma_start3A_94 = tpu.memref_slice %arg11[%add3A_32, %dma_start3A_93] : memref<10240x128xf32, #tpu.memory_space<vmem_shared>> -> memref<64x128xf32, #tpu.memory_space<vmem_shared>>
      %dma_start3A_95 = arith.constant 0 : i32
      %dma_start3A_96 = arith.constant 0 : i32
      %dma_start3A_97 = tpu.memref_slice %arg8[%run_scoped3A_33, %dma_start3A_95, %dma_start3A_96] : memref<2x64x128xf32, #tpu.memory_space<vmem>> -> memref<1x64x128xf32, #tpu.memory_space<vmem>>
      %dma_start3A_98 = tpu.memref_squeeze %dma_start3A_97 : memref<1x64x128xf32, #tpu.memory_space<vmem>> -> memref<64x128xf32, #tpu.memory_space<vmem>>
      tpu.enqueue_dma source(%dma_start3A_98 : memref<64x128xf32, #tpu.memory_space<vmem>>) target(%dma_start3A_94 : memref<64x128xf32, #tpu.memory_space<vmem_shared>>) target_semaphore(%run_scoped3A_86 : memref<!tpu.dma_semaphore, #tpu.memory_space<semaphore_mem>>)
      %dma_wait3A = arith.constant 0 : i32
      %dma_wait3A_99 = arith.constant 0 : i32
      %dma_wait3A_100 = tpu.memref_slice %arg8[%run_scoped3A_33, %dma_wait3A, %dma_wait3A_99] : memref<2x64x128xf32, #tpu.memory_space<vmem>> -> memref<1x64x128xf32, #tpu.memory_space<vmem>>
      %dma_wait3A_101 = tpu.memref_squeeze %dma_wait3A_100 : memref<1x64x128xf32, #tpu.memory_space<vmem>> -> memref<64x128xf32, #tpu.memory_space<vmem>>
      %dma_wait3A_102 = arith.constant 0 : i32
      %dma_wait3A_103 = tpu.memref_slice %arg11[%add3A_32, %dma_wait3A_102] : memref<10240x128xf32, #tpu.memory_space<vmem_shared>> -> memref<64x128xf32, #tpu.memory_space<vmem_shared>>
      %dma_wait3A_104 = arith.constant 0 : i32
      %dma_wait3A_105 = tpu.memref_slice %arg11[%add3A_32, %dma_wait3A_104] : memref<10240x128xf32, #tpu.memory_space<vmem_shared>> -> memref<64x128xf32, #tpu.memory_space<vmem_shared>>
      %dma_wait3A_106 = arith.constant 0 : i32
      %dma_wait3A_107 = arith.constant 0 : i32
      %dma_wait3A_108 = tpu.memref_slice %arg8[%run_scoped3A_33, %dma_wait3A_106, %dma_wait3A_107] : memref<2x64x128xf32, #tpu.memory_space<vmem>> -> memref<1x64x128xf32, #tpu.memory_space<vmem>>
      %dma_wait3A_109 = tpu.memref_squeeze %dma_wait3A_108 : memref<1x64x128xf32, #tpu.memory_space<vmem>> -> memref<64x128xf32, #tpu.memory_space<vmem>>
      tpu.wait_dma2 semaphore(%run_scoped3A_86 : memref<!tpu.dma_semaphore, #tpu.memory_space<semaphore_mem>>) src(%dma_wait3A_109 : memref<64x128xf32, #tpu.memory_space<vmem>>) dst(%dma_wait3A_105 : memref<64x128xf32, #tpu.memory_space<vmem_shared>>)
      tpu.yield
    }) : () -> ()
    %mul3A_34 = arith.constant 640 : i32
    %mul3A_35 = arith.muli %arg1, %mul3A_34 : i32
    %add3A_36 = arith.constant 384 : i32
    %add3A_37 = arith.addi %mul3A_35, %add3A_36 : i32
    %run_scoped3A_38 = arith.constant 0 : i32
    "tpu.region"() ({
      %run_scoped3A_86 = tpu.sem_alloc : memref<!tpu.dma_semaphore, #tpu.memory_space<semaphore_mem>>
      %dma_start3A_87 = arith.constant 0 : i32
      %dma_start3A_88 = arith.constant 0 : i32
      %dma_start3A_89 = tpu.memref_slice %arg8[%run_scoped3A_38, %dma_start3A_87, %dma_start3A_88] : memref<2x64x128xf32, #tpu.memory_space<vmem>> -> memref<1x64x128xf32, #tpu.memory_space<vmem>>
      %dma_start3A_90 = tpu.memref_squeeze %dma_start3A_89 : memref<1x64x128xf32, #tpu.memory_space<vmem>> -> memref<64x128xf32, #tpu.memory_space<vmem>>
      %dma_start3A_91 = arith.constant 0 : i32
      %dma_start3A_92 = tpu.memref_slice %arg11[%add3A_37, %dma_start3A_91] : memref<10240x128xf32, #tpu.memory_space<vmem_shared>> -> memref<64x128xf32, #tpu.memory_space<vmem_shared>>
      %dma_start3A_93 = arith.constant 0 : i32
      %dma_start3A_94 = tpu.memref_slice %arg11[%add3A_37, %dma_start3A_93] : memref<10240x128xf32, #tpu.memory_space<vmem_shared>> -> memref<64x128xf32, #tpu.memory_space<vmem_shared>>
      %dma_start3A_95 = arith.constant 0 : i32
      %dma_start3A_96 = arith.constant 0 : i32
      %dma_start3A_97 = tpu.memref_slice %arg8[%run_scoped3A_38, %dma_start3A_95, %dma_start3A_96] : memref<2x64x128xf32, #tpu.memory_space<vmem>> -> memref<1x64x128xf32, #tpu.memory_space<vmem>>
      %dma_start3A_98 = tpu.memref_squeeze %dma_start3A_97 : memref<1x64x128xf32, #tpu.memory_space<vmem>> -> memref<64x128xf32, #tpu.memory_space<vmem>>
      tpu.enqueue_dma source(%dma_start3A_98 : memref<64x128xf32, #tpu.memory_space<vmem>>) target(%dma_start3A_94 : memref<64x128xf32, #tpu.memory_space<vmem_shared>>) target_semaphore(%run_scoped3A_86 : memref<!tpu.dma_semaphore, #tpu.memory_space<semaphore_mem>>)
      %dma_wait3A = arith.constant 0 : i32
      %dma_wait3A_99 = arith.constant 0 : i32
      %dma_wait3A_100 = tpu.memref_slice %arg8[%run_scoped3A_38, %dma_wait3A, %dma_wait3A_99] : memref<2x64x128xf32, #tpu.memory_space<vmem>> -> memref<1x64x128xf32, #tpu.memory_space<vmem>>
      %dma_wait3A_101 = tpu.memref_squeeze %dma_wait3A_100 : memref<1x64x128xf32, #tpu.memory_space<vmem>> -> memref<64x128xf32, #tpu.memory_space<vmem>>
      %dma_wait3A_102 = arith.constant 0 : i32
      %dma_wait3A_103 = tpu.memref_slice %arg11[%add3A_37, %dma_wait3A_102] : memref<10240x128xf32, #tpu.memory_space<vmem_shared>> -> memref<64x128xf32, #tpu.memory_space<vmem_shared>>
      %dma_wait3A_104 = arith.constant 0 : i32
      %dma_wait3A_105 = tpu.memref_slice %arg11[%add3A_37, %dma_wait3A_104] : memref<10240x128xf32, #tpu.memory_space<vmem_shared>> -> memref<64x128xf32, #tpu.memory_space<vmem_shared>>
      %dma_wait3A_106 = arith.constant 0 : i32
      %dma_wait3A_107 = arith.constant 0 : i32
      %dma_wait3A_108 = tpu.memref_slice %arg8[%run_scoped3A_38, %dma_wait3A_106, %dma_wait3A_107] : memref<2x64x128xf32, #tpu.memory_space<vmem>> -> memref<1x64x128xf32, #tpu.memory_space<vmem>>
      %dma_wait3A_109 = tpu.memref_squeeze %dma_wait3A_108 : memref<1x64x128xf32, #tpu.memory_space<vmem>> -> memref<64x128xf32, #tpu.memory_space<vmem>>
      tpu.wait_dma2 semaphore(%run_scoped3A_86 : memref<!tpu.dma_semaphore, #tpu.memory_space<semaphore_mem>>) src(%dma_wait3A_109 : memref<64x128xf32, #tpu.memory_space<vmem>>) dst(%dma_wait3A_105 : memref<64x128xf32, #tpu.memory_space<vmem_shared>>)
      tpu.yield
    }) : () -> ()
    %mul3A_39 = arith.constant 640 : i32
    %mul3A_40 = arith.muli %arg1, %mul3A_39 : i32
    %add3A_41 = arith.constant 448 : i32
    %add3A_42 = arith.addi %mul3A_40, %add3A_41 : i32
    %run_scoped3A_43 = arith.constant 0 : i32
    "tpu.region"() ({
      %run_scoped3A_86 = tpu.sem_alloc : memref<!tpu.dma_semaphore, #tpu.memory_space<semaphore_mem>>
      %dma_start3A_87 = arith.constant 0 : i32
      %dma_start3A_88 = arith.constant 0 : i32
      %dma_start3A_89 = tpu.memref_slice %arg8[%run_scoped3A_43, %dma_start3A_87, %dma_start3A_88] : memref<2x64x128xf32, #tpu.memory_space<vmem>> -> memref<1x64x128xf32, #tpu.memory_space<vmem>>
      %dma_start3A_90 = tpu.memref_squeeze %dma_start3A_89 : memref<1x64x128xf32, #tpu.memory_space<vmem>> -> memref<64x128xf32, #tpu.memory_space<vmem>>
      %dma_start3A_91 = arith.constant 0 : i32
      %dma_start3A_92 = tpu.memref_slice %arg11[%add3A_42, %dma_start3A_91] : memref<10240x128xf32, #tpu.memory_space<vmem_shared>> -> memref<64x128xf32, #tpu.memory_space<vmem_shared>>
      %dma_start3A_93 = arith.constant 0 : i32
      %dma_start3A_94 = tpu.memref_slice %arg11[%add3A_42, %dma_start3A_93] : memref<10240x128xf32, #tpu.memory_space<vmem_shared>> -> memref<64x128xf32, #tpu.memory_space<vmem_shared>>
      %dma_start3A_95 = arith.constant 0 : i32
      %dma_start3A_96 = arith.constant 0 : i32
      %dma_start3A_97 = tpu.memref_slice %arg8[%run_scoped3A_43, %dma_start3A_95, %dma_start3A_96] : memref<2x64x128xf32, #tpu.memory_space<vmem>> -> memref<1x64x128xf32, #tpu.memory_space<vmem>>
      %dma_start3A_98 = tpu.memref_squeeze %dma_start3A_97 : memref<1x64x128xf32, #tpu.memory_space<vmem>> -> memref<64x128xf32, #tpu.memory_space<vmem>>
      tpu.enqueue_dma source(%dma_start3A_98 : memref<64x128xf32, #tpu.memory_space<vmem>>) target(%dma_start3A_94 : memref<64x128xf32, #tpu.memory_space<vmem_shared>>) target_semaphore(%run_scoped3A_86 : memref<!tpu.dma_semaphore, #tpu.memory_space<semaphore_mem>>)
      %dma_wait3A = arith.constant 0 : i32
      %dma_wait3A_99 = arith.constant 0 : i32
      %dma_wait3A_100 = tpu.memref_slice %arg8[%run_scoped3A_43, %dma_wait3A, %dma_wait3A_99] : memref<2x64x128xf32, #tpu.memory_space<vmem>> -> memref<1x64x128xf32, #tpu.memory_space<vmem>>
      %dma_wait3A_101 = tpu.memref_squeeze %dma_wait3A_100 : memref<1x64x128xf32, #tpu.memory_space<vmem>> -> memref<64x128xf32, #tpu.memory_space<vmem>>
      %dma_wait3A_102 = arith.constant 0 : i32
      %dma_wait3A_103 = tpu.memref_slice %arg11[%add3A_42, %dma_wait3A_102] : memref<10240x128xf32, #tpu.memory_space<vmem_shared>> -> memref<64x128xf32, #tpu.memory_space<vmem_shared>>
      %dma_wait3A_104 = arith.constant 0 : i32
      %dma_wait3A_105 = tpu.memref_slice %arg11[%add3A_42, %dma_wait3A_104] : memref<10240x128xf32, #tpu.memory_space<vmem_shared>> -> memref<64x128xf32, #tpu.memory_space<vmem_shared>>
      %dma_wait3A_106 = arith.constant 0 : i32
      %dma_wait3A_107 = arith.constant 0 : i32
      %dma_wait3A_108 = tpu.memref_slice %arg8[%run_scoped3A_43, %dma_wait3A_106, %dma_wait3A_107] : memref<2x64x128xf32, #tpu.memory_space<vmem>> -> memref<1x64x128xf32, #tpu.memory_space<vmem>>
      %dma_wait3A_109 = tpu.memref_squeeze %dma_wait3A_108 : memref<1x64x128xf32, #tpu.memory_space<vmem>> -> memref<64x128xf32, #tpu.memory_space<vmem>>
      tpu.wait_dma2 semaphore(%run_scoped3A_86 : memref<!tpu.dma_semaphore, #tpu.memory_space<semaphore_mem>>) src(%dma_wait3A_109 : memref<64x128xf32, #tpu.memory_space<vmem>>) dst(%dma_wait3A_105 : memref<64x128xf32, #tpu.memory_space<vmem_shared>>)
      tpu.yield
    }) : () -> ()
    %mul3A_44 = arith.constant 640 : i32
    %mul3A_45 = arith.muli %arg1, %mul3A_44 : i32
    %add3A_46 = arith.constant 512 : i32
    %add3A_47 = arith.addi %mul3A_45, %add3A_46 : i32
    %run_scoped3A_48 = arith.constant 0 : i32
    "tpu.region"() ({
      %run_scoped3A_86 = tpu.sem_alloc : memref<!tpu.dma_semaphore, #tpu.memory_space<semaphore_mem>>
      %dma_start3A_87 = arith.constant 0 : i32
      %dma_start3A_88 = arith.constant 0 : i32
      %dma_start3A_89 = tpu.memref_slice %arg8[%run_scoped3A_48, %dma_start3A_87, %dma_start3A_88] : memref<2x64x128xf32, #tpu.memory_space<vmem>> -> memref<1x64x128xf32, #tpu.memory_space<vmem>>
      %dma_start3A_90 = tpu.memref_squeeze %dma_start3A_89 : memref<1x64x128xf32, #tpu.memory_space<vmem>> -> memref<64x128xf32, #tpu.memory_space<vmem>>
      %dma_start3A_91 = arith.constant 0 : i32
      %dma_start3A_92 = tpu.memref_slice %arg11[%add3A_47, %dma_start3A_91] : memref<10240x128xf32, #tpu.memory_space<vmem_shared>> -> memref<64x128xf32, #tpu.memory_space<vmem_shared>>
      %dma_start3A_93 = arith.constant 0 : i32
      %dma_start3A_94 = tpu.memref_slice %arg11[%add3A_47, %dma_start3A_93] : memref<10240x128xf32, #tpu.memory_space<vmem_shared>> -> memref<64x128xf32, #tpu.memory_space<vmem_shared>>
      %dma_start3A_95 = arith.constant 0 : i32
      %dma_start3A_96 = arith.constant 0 : i32
      %dma_start3A_97 = tpu.memref_slice %arg8[%run_scoped3A_48, %dma_start3A_95, %dma_start3A_96] : memref<2x64x128xf32, #tpu.memory_space<vmem>> -> memref<1x64x128xf32, #tpu.memory_space<vmem>>
      %dma_start3A_98 = tpu.memref_squeeze %dma_start3A_97 : memref<1x64x128xf32, #tpu.memory_space<vmem>> -> memref<64x128xf32, #tpu.memory_space<vmem>>
      tpu.enqueue_dma source(%dma_start3A_98 : memref<64x128xf32, #tpu.memory_space<vmem>>) target(%dma_start3A_94 : memref<64x128xf32, #tpu.memory_space<vmem_shared>>) target_semaphore(%run_scoped3A_86 : memref<!tpu.dma_semaphore, #tpu.memory_space<semaphore_mem>>)
      %dma_wait3A = arith.constant 0 : i32
      %dma_wait3A_99 = arith.constant 0 : i32
      %dma_wait3A_100 = tpu.memref_slice %arg8[%run_scoped3A_48, %dma_wait3A, %dma_wait3A_99] : memref<2x64x128xf32, #tpu.memory_space<vmem>> -> memref<1x64x128xf32, #tpu.memory_space<vmem>>
      %dma_wait3A_101 = tpu.memref_squeeze %dma_wait3A_100 : memref<1x64x128xf32, #tpu.memory_space<vmem>> -> memref<64x128xf32, #tpu.memory_space<vmem>>
      %dma_wait3A_102 = arith.constant 0 : i32
      %dma_wait3A_103 = tpu.memref_slice %arg11[%add3A_47, %dma_wait3A_102] : memref<10240x128xf32, #tpu.memory_space<vmem_shared>> -> memref<64x128xf32, #tpu.memory_space<vmem_shared>>
      %dma_wait3A_104 = arith.constant 0 : i32
      %dma_wait3A_105 = tpu.memref_slice %arg11[%add3A_47, %dma_wait3A_104] : memref<10240x128xf32, #tpu.memory_space<vmem_shared>> -> memref<64x128xf32, #tpu.memory_space<vmem_shared>>
      %dma_wait3A_106 = arith.constant 0 : i32
      %dma_wait3A_107 = arith.constant 0 : i32
      %dma_wait3A_108 = tpu.memref_slice %arg8[%run_scoped3A_48, %dma_wait3A_106, %dma_wait3A_107] : memref<2x64x128xf32, #tpu.memory_space<vmem>> -> memref<1x64x128xf32, #tpu.memory_space<vmem>>
      %dma_wait3A_109 = tpu.memref_squeeze %dma_wait3A_108 : memref<1x64x128xf32, #tpu.memory_space<vmem>> -> memref<64x128xf32, #tpu.memory_space<vmem>>
      tpu.wait_dma2 semaphore(%run_scoped3A_86 : memref<!tpu.dma_semaphore, #tpu.memory_space<semaphore_mem>>) src(%dma_wait3A_109 : memref<64x128xf32, #tpu.memory_space<vmem>>) dst(%dma_wait3A_105 : memref<64x128xf32, #tpu.memory_space<vmem_shared>>)
      tpu.yield
    }) : () -> ()
    %mul3A_49 = arith.constant 640 : i32
    %mul3A_50 = arith.muli %arg1, %mul3A_49 : i32
    %add3A_51 = arith.constant 576 : i32
    %add3A_52 = arith.addi %mul3A_50, %add3A_51 : i32
    %run_scoped3A_53 = arith.constant 0 : i32
    "tpu.region"() ({
      %run_scoped3A_86 = tpu.sem_alloc : memref<!tpu.dma_semaphore, #tpu.memory_space<semaphore_mem>>
      %dma_start3A_87 = arith.constant 0 : i32
      %dma_start3A_88 = arith.constant 0 : i32
      %dma_start3A_89 = tpu.memref_slice %arg8[%run_scoped3A_53, %dma_start3A_87, %dma_start3A_88] : memref<2x64x128xf32, #tpu.memory_space<vmem>> -> memref<1x64x128xf32, #tpu.memory_space<vmem>>
      %dma_start3A_90 = tpu.memref_squeeze %dma_start3A_89 : memref<1x64x128xf32, #tpu.memory_space<vmem>> -> memref<64x128xf32, #tpu.memory_space<vmem>>
      %dma_start3A_91 = arith.constant 0 : i32
      %dma_start3A_92 = tpu.memref_slice %arg11[%add3A_52, %dma_start3A_91] : memref<10240x128xf32, #tpu.memory_space<vmem_shared>> -> memref<64x128xf32, #tpu.memory_space<vmem_shared>>
      %dma_start3A_93 = arith.constant 0 : i32
      %dma_start3A_94 = tpu.memref_slice %arg11[%add3A_52, %dma_start3A_93] : memref<10240x128xf32, #tpu.memory_space<vmem_shared>> -> memref<64x128xf32, #tpu.memory_space<vmem_shared>>
      %dma_start3A_95 = arith.constant 0 : i32
      %dma_start3A_96 = arith.constant 0 : i32
      %dma_start3A_97 = tpu.memref_slice %arg8[%run_scoped3A_53, %dma_start3A_95, %dma_start3A_96] : memref<2x64x128xf32, #tpu.memory_space<vmem>> -> memref<1x64x128xf32, #tpu.memory_space<vmem>>
      %dma_start3A_98 = tpu.memref_squeeze %dma_start3A_97 : memref<1x64x128xf32, #tpu.memory_space<vmem>> -> memref<64x128xf32, #tpu.memory_space<vmem>>
      tpu.enqueue_dma source(%dma_start3A_98 : memref<64x128xf32, #tpu.memory_space<vmem>>) target(%dma_start3A_94 : memref<64x128xf32, #tpu.memory_space<vmem_shared>>) target_semaphore(%run_scoped3A_86 : memref<!tpu.dma_semaphore, #tpu.memory_space<semaphore_mem>>)
      %dma_wait3A = arith.constant 0 : i32
      %dma_wait3A_99 = arith.constant 0 : i32
      %dma_wait3A_100 = tpu.memref_slice %arg8[%run_scoped3A_53, %dma_wait3A, %dma_wait3A_99] : memref<2x64x128xf32, #tpu.memory_space<vmem>> -> memref<1x64x128xf32, #tpu.memory_space<vmem>>
      %dma_wait3A_101 = tpu.memref_squeeze %dma_wait3A_100 : memref<1x64x128xf32, #tpu.memory_space<vmem>> -> memref<64x128xf32, #tpu.memory_space<vmem>>
      %dma_wait3A_102 = arith.constant 0 : i32
      %dma_wait3A_103 = tpu.memref_slice %arg11[%add3A_52, %dma_wait3A_102] : memref<10240x128xf32, #tpu.memory_space<vmem_shared>> -> memref<64x128xf32, #tpu.memory_space<vmem_shared>>
      %dma_wait3A_104 = arith.constant 0 : i32
      %dma_wait3A_105 = tpu.memref_slice %arg11[%add3A_52, %dma_wait3A_104] : memref<10240x128xf32, #tpu.memory_space<vmem_shared>> -> memref<64x128xf32, #tpu.memory_space<vmem_shared>>
      %dma_wait3A_106 = arith.constant 0 : i32
      %dma_wait3A_107 = arith.constant 0 : i32
      %dma_wait3A_108 = tpu.memref_slice %arg8[%run_scoped3A_53, %dma_wait3A_106, %dma_wait3A_107] : memref<2x64x128xf32, #tpu.memory_space<vmem>> -> memref<1x64x128xf32, #tpu.memory_space<vmem>>
      %dma_wait3A_109 = tpu.memref_squeeze %dma_wait3A_108 : memref<1x64x128xf32, #tpu.memory_space<vmem>> -> memref<64x128xf32, #tpu.memory_space<vmem>>
      tpu.wait_dma2 semaphore(%run_scoped3A_86 : memref<!tpu.dma_semaphore, #tpu.memory_space<semaphore_mem>>) src(%dma_wait3A_109 : memref<64x128xf32, #tpu.memory_space<vmem>>) dst(%dma_wait3A_105 : memref<64x128xf32, #tpu.memory_space<vmem_shared>>)
      tpu.yield
    }) : () -> ()
    "tpu.region"() ({
      %run_scoped3A_86 = tpu.sem_alloc : memref<!tpu.dma_semaphore, #tpu.memory_space<semaphore_mem>>
      %dma_start3A_87 = arith.constant 0 : i32
      %dma_start3A_88 = tpu.memref_slice %arg3[%arg1, %dma_start3A_87] : memref<16x10112xi32, #tpu.memory_space<hbm>> -> memref<1x10112xi32, #tpu.memory_space<hbm>>
      %dma_start3A_89 = tpu.memref_squeeze %dma_start3A_88 : memref<1x10112xi32, #tpu.memory_space<hbm>> -> memref<10112xi32, #tpu.memory_space<hbm>>
      %dma_start3A_90 = arith.constant 0 : i32
      %dma_start3A_91 = tpu.memref_slice %arg3[%arg1, %dma_start3A_90] : memref<16x10112xi32, #tpu.memory_space<hbm>> -> memref<1x10112xi32, #tpu.memory_space<hbm>>
      %dma_start3A_92 = tpu.memref_squeeze %dma_start3A_91 : memref<1x10112xi32, #tpu.memory_space<hbm>> -> memref<10112xi32, #tpu.memory_space<hbm>>
      tpu.enqueue_dma source(%dma_start3A_92 : memref<10112xi32, #tpu.memory_space<hbm>>) target(%arg6 : memref<10112xi32, #tpu.memory_space<vmem>>) target_semaphore(%run_scoped3A_86 : memref<!tpu.dma_semaphore, #tpu.memory_space<semaphore_mem>>)
      %dma_wait3A = arith.constant 0 : i32
      %dma_wait3A_93 = tpu.memref_slice %arg3[%arg1, %dma_wait3A] : memref<16x10112xi32, #tpu.memory_space<hbm>> -> memref<1x10112xi32, #tpu.memory_space<hbm>>
      %dma_wait3A_94 = tpu.memref_squeeze %dma_wait3A_93 : memref<1x10112xi32, #tpu.memory_space<hbm>> -> memref<10112xi32, #tpu.memory_space<hbm>>
      %dma_wait3A_95 = arith.constant 0 : i32
      %dma_wait3A_96 = tpu.memref_slice %arg3[%arg1, %dma_wait3A_95] : memref<16x10112xi32, #tpu.memory_space<hbm>> -> memref<1x10112xi32, #tpu.memory_space<hbm>>
      %dma_wait3A_97 = tpu.memref_squeeze %dma_wait3A_96 : memref<1x10112xi32, #tpu.memory_space<hbm>> -> memref<10112xi32, #tpu.memory_space<hbm>>
      tpu.wait_dma2 semaphore(%run_scoped3A_86 : memref<!tpu.dma_semaphore, #tpu.memory_space<semaphore_mem>>) src(%dma_wait3A_97 : memref<10112xi32, #tpu.memory_space<hbm>>) dst(%arg6 : memref<10112xi32, #tpu.memory_space<vmem>>)
      tpu.yield
    }) : () -> ()
    %mul3A_54 = arith.constant 10000 : i32
    %mul3A_55 = arith.muli %arg0, %mul3A_54 : i32
    %scan3A_56 = arith.constant 0 : i32
    %scan3A_57 = arith.constant 0 : i32
    %scan3A_58 = arith.constant 632 : i32
    %scan3A_59 = arith.addi %scan3A_57, %scan3A_58 : i32
    %scan3A_60 = arith.constant 1 : i32
    %scan3A_61 = scf.for %scan3A_86 = %scan3A_57 to %scan3A_59 step %scan3A_60 iter_args(%scan3A_87 = %scan3A_56) -> (i32)  : i32 {
      %mul3A_88 = arith.constant 16 : i32
      %mul3A_89 = arith.muli %scan3A_86, %mul3A_88 : i32
      %get3A = arith.index_cast %mul3A_89 : i32 to index
      %get3A_90 = tpu.vector_load %arg6[%get3A] {strides = array<i32>} : memref<10112xi32, #tpu.memory_space<vmem>>, vector<16xi32>,
      %get3A_91 = vector.shape_cast %get3A_90 : vector<16xi32> to vector<16xi32>
      %add3A_92 = vector.broadcast %mul3A_55 : i32 to vector<16xi32>
      %add3A_93 = arith.addi %get3A_91, %add3A_92 : vector<16xi32>
      %swap3A = arith.index_cast %mul3A_89 : i32 to index
      %swap3A_94 = tpu.vector_load %arg6[%swap3A] {strides = array<i32>} : memref<10112xi32, #tpu.memory_space<vmem>>, vector<16xi32>,
      %swap3A_95 = vector.shape_cast %swap3A_94 : vector<16xi32> to vector<16xi32>
      %swap3A_96 = vector.shape_cast %add3A_93 : vector<16xi32> to vector<16xi32>
      tpu.vector_store %arg6[%swap3A], %swap3A_96 {strides = array<i32>} : memref<10112xi32, #tpu.memory_space<vmem>>, vector<16xi32>,
      %scan3A_97 = arith.constant 0 : i32
      scf.yield %scan3A_97 : i32
    }
    %scan3A_62 = arith.constant 632 : i32
    %barrier3A = arith.constant 0 : index
    tpu.barrier barrier_id(%barrier3A)
    %run_scoped3A_63 = arith.constant 0 : i32
    "tpu.region"() ({
      %run_scoped3A_86 = tpu.sem_alloc : memref<!tpu.dma_semaphore, #tpu.memory_space<semaphore_mem>>
      %dma_start3A_87 = arith.constant 0 : i32
      %dma_start3A_88 = arith.constant 0 : i32
      %dma_start3A_89 = tpu.memref_slice %arg4[%arg1, %run_scoped3A_63, %dma_start3A_87, %dma_start3A_88] : memref<16x1x158x64xi32, #tpu.memory_space<hbm>> -> memref<1x1x158x64xi32, #tpu.memory_space<hbm>>
      %dma_start3A_90 = tpu.memref_squeeze %dma_start3A_89 : memref<1x1x158x64xi32, #tpu.memory_space<hbm>> -> memref<158x64xi32, #tpu.memory_space<hbm>>
      %dma_start3A_91 = arith.constant 0 : i32
      %dma_start3A_92 = arith.constant 0 : i32
      %dma_start3A_93 = tpu.memref_slice %arg4[%arg1, %run_scoped3A_63, %dma_start3A_91, %dma_start3A_92] : memref<16x1x158x64xi32, #tpu.memory_space<hbm>> -> memref<1x1x158x64xi32, #tpu.memory_space<hbm>>
      %dma_start3A_94 = tpu.memref_squeeze %dma_start3A_93 : memref<1x1x158x64xi32, #tpu.memory_space<hbm>> -> memref<158x64xi32, #tpu.memory_space<hbm>>
      tpu.enqueue_dma source(%dma_start3A_94 : memref<158x64xi32, #tpu.memory_space<hbm>>) target(%arg7 : memref<158x64xi32, #tpu.memory_space<vmem>>) target_semaphore(%run_scoped3A_86 : memref<!tpu.dma_semaphore, #tpu.memory_space<semaphore_mem>>)
      %dma_wait3A = arith.constant 0 : i32
      %dma_wait3A_95 = arith.constant 0 : i32
      %dma_wait3A_96 = tpu.memref_slice %arg4[%arg1, %run_scoped3A_63, %dma_wait3A, %dma_wait3A_95] : memref<16x1x158x64xi32, #tpu.memory_space<hbm>> -> memref<1x1x158x64xi32, #tpu.memory_space<hbm>>
      %dma_wait3A_97 = tpu.memref_squeeze %dma_wait3A_96 : memref<1x1x158x64xi32, #tpu.memory_space<hbm>> -> memref<158x64xi32, #tpu.memory_space<hbm>>
      %dma_wait3A_98 = arith.constant 0 : i32
      %dma_wait3A_99 = arith.constant 0 : i32
      %dma_wait3A_100 = tpu.memref_slice %arg4[%arg1, %run_scoped3A_63, %dma_wait3A_98, %dma_wait3A_99] : memref<16x1x158x64xi32, #tpu.memory_space<hbm>> -> memref<1x1x158x64xi32, #tpu.memory_space<hbm>>
      %dma_wait3A_101 = tpu.memref_squeeze %dma_wait3A_100 : memref<1x1x158x64xi32, #tpu.memory_space<hbm>> -> memref<158x64xi32, #tpu.memory_space<hbm>>
      tpu.wait_dma2 semaphore(%run_scoped3A_86 : memref<!tpu.dma_semaphore, #tpu.memory_space<semaphore_mem>>) src(%dma_wait3A_101 : memref<158x64xi32, #tpu.memory_space<hbm>>) dst(%arg7 : memref<158x64xi32, #tpu.memory_space<vmem>>)
      tpu.yield
    }) : () -> ()
    %dma_start3A = arith.constant 0 : i32
    %dma_start3A_64 = arith.constant 0 : i32
    %dma_start3A_65 = arith.constant 0 : i32
    %dma_start3A_66 = arith.constant 0 : i32
    %dma_start3A_67 = tpu.memref_slice %arg8[%dma_start3A, %dma_start3A_65, %dma_start3A_66] : memref<2x64x128xf32, #tpu.memory_space<vmem>> -> memref<1x64x128xf32, #tpu.memory_space<vmem>>
    %dma_start3A_68 = tpu.memref_squeeze %dma_start3A_67 : memref<1x64x128xf32, #tpu.memory_space<vmem>> -> memref<64x128xf32, #tpu.memory_space<vmem>>
    %dma_start3A_69 = arith.constant 0 : i32
    %dma_start3A_70 = tpu.memref_slice %arg6[%dma_start3A_69] : memref<10112xi32, #tpu.memory_space<vmem>> -> memref<64xi32, #tpu.memory_space<vmem>>
    %dma_start3A_71 = arith.constant 0 : i32
    %dma_start3A_72 = arith.constant 0 : i32
    %dma_start3A_73 = tpu.memref_slice %arg2[%dma_start3A_71, %dma_start3A_72] : memref<20000x128xf32, #tpu.memory_space<hbm>> -> memref<20000x128xf32, #tpu.memory_space<hbm>>
    %dma_start3A_74 = tpu.memref_slice %arg13[%dma_start3A_64] : memref<2x!tpu.dma_semaphore, #tpu.memory_space<semaphore_mem>> -> memref<1x!tpu.dma_semaphore, #tpu.memory_space<semaphore_mem>>
    %dma_start3A_75 = tpu.memref_squeeze %dma_start3A_74 : memref<1x!tpu.dma_semaphore, #tpu.memory_space<semaphore_mem>> -> memref<!tpu.dma_semaphore, #tpu.memory_space<semaphore_mem>>
    tpu.enqueue_indirect_dma source(%dma_start3A_73 : memref<20000x128xf32, #tpu.memory_space<hbm>>) target(%dma_start3A_68 : memref<64x128xf32, #tpu.memory_space<vmem>>) offsets(%dma_start3A_70 : memref<64xi32, #tpu.memory_space<vmem>>) semaphore(%dma_start3A_75 : memref<!tpu.dma_semaphore, #tpu.memory_space<semaphore_mem>>)
    %scan3A_76 = arith.constant 0 : i32
    %scan3A_77 = arith.constant 0 : i32
    %scan3A_78 = arith.constant 79 : i32
    %scan3A_79 = arith.addi %scan3A_77, %scan3A_78 : i32
    %scan3A_80 = arith.constant 1 : i32
    %scan3A_81 = scf.for %scan3A_86 = %scan3A_77 to %scan3A_79 step %scan3A_80 iter_args(%scan3A_87 = %scan3A_76) -> (i32)  : i32 {
      %mul3A_88 = arith.constant 2 : i32
      %mul3A_89 = arith.muli %mul3A_88, %scan3A_86 : i32
      %add3A_90 = arith.constant 0 : i32
      %add3A_91 = arith.addi %add3A_90, %mul3A_89 : i32
      %mul3A_92 = arith.constant 64 : i32
      %mul3A_93 = arith.muli %add3A_91, %mul3A_92 : i32
      %dma_wait3A = arith.constant 0 : i32
      %dma_wait3A_94 = arith.constant 0 : i32
      %dma_wait3A_95 = arith.constant 0 : i32
      %dma_wait3A_96 = arith.constant 0 : i32
      %dma_wait3A_97 = tpu.memref_slice %arg8[%dma_wait3A, %dma_wait3A_95, %dma_wait3A_96] : memref<2x64x128xf32, #tpu.memory_space<vmem>> -> memref<1x64x128xf32, #tpu.memory_space<vmem>>
      %dma_wait3A_98 = tpu.memref_squeeze %dma_wait3A_97 : memref<1x64x128xf32, #tpu.memory_space<vmem>> -> memref<64x128xf32, #tpu.memory_space<vmem>>
      %dma_wait3A_99 = tpu.memref_slice %arg6[%mul3A_93] : memref<10112xi32, #tpu.memory_space<vmem>> -> memref<64xi32, #tpu.memory_space<vmem>>
      %dma_wait3A_100 = arith.constant 0 : i32
      %dma_wait3A_101 = arith.constant 0 : i32
      %dma_wait3A_102 = tpu.memref_slice %arg2[%dma_wait3A_100, %dma_wait3A_101] : memref<20000x128xf32, #tpu.memory_space<hbm>> -> memref<20000x128xf32, #tpu.memory_space<hbm>>
      %dma_wait3A_103 = tpu.memref_slice %arg13[%dma_wait3A_94] : memref<2x!tpu.dma_semaphore, #tpu.memory_space<semaphore_mem>> -> memref<1x!tpu.dma_semaphore, #tpu.memory_space<semaphore_mem>>
      %dma_wait3A_104 = tpu.memref_squeeze %dma_wait3A_103 : memref<1x!tpu.dma_semaphore, #tpu.memory_space<semaphore_mem>> -> memref<!tpu.dma_semaphore, #tpu.memory_space<semaphore_mem>>
      tpu.wait_indirect_dma semaphore(%dma_wait3A_104 : memref<!tpu.dma_semaphore, #tpu.memory_space<semaphore_mem>>) src(%dma_wait3A_102 : memref<20000x128xf32, #tpu.memory_space<hbm>>) dst(%dma_wait3A_98 : memref<64x128xf32, #tpu.memory_space<vmem>>)
      %add3A_105 = arith.constant 1 : i32
      %add3A_106 = arith.addi %mul3A_89, %add3A_105 : i32
      %add3A_107 = arith.constant 0 : i32
      %add3A_108 = arith.addi %add3A_107, %add3A_106 : i32
      %mul3A_109 = arith.constant 64 : i32
      %mul3A_110 = arith.muli %add3A_108, %mul3A_109 : i32
      %dma_start3A_111 = arith.constant 1 : i32
      %dma_start3A_112 = arith.constant 1 : i32
      %dma_start3A_113 = arith.constant 0 : i32
      %dma_start3A_114 = arith.constant 0 : i32
      %dma_start3A_115 = tpu.memref_slice %arg8[%dma_start3A_111, %dma_start3A_113, %dma_start3A_114] : memref<2x64x128xf32, #tpu.memory_space<vmem>> -> memref<1x64x128xf32, #tpu.memory_space<vmem>>
      %dma_start3A_116 = tpu.memref_squeeze %dma_start3A_115 : memref<1x64x128xf32, #tpu.memory_space<vmem>> -> memref<64x128xf32, #tpu.memory_space<vmem>>
      %dma_start3A_117 = tpu.memref_slice %arg6[%mul3A_110] : memref<10112xi32, #tpu.memory_space<vmem>> -> memref<64xi32, #tpu.memory_space<vmem>>
      %dma_start3A_118 = arith.constant 0 : i32
      %dma_start3A_119 = arith.constant 0 : i32
      %dma_start3A_120 = tpu.memref_slice %arg2[%dma_start3A_118, %dma_start3A_119] : memref<20000x128xf32, #tpu.memory_space<hbm>> -> memref<20000x128xf32, #tpu.memory_space<hbm>>
      %dma_start3A_121 = tpu.memref_slice %arg13[%dma_start3A_112] : memref<2x!tpu.dma_semaphore, #tpu.memory_space<semaphore_mem>> -> memref<1x!tpu.dma_semaphore, #tpu.memory_space<semaphore_mem>>
      %dma_start3A_122 = tpu.memref_squeeze %dma_start3A_121 : memref<1x!tpu.dma_semaphore, #tpu.memory_space<semaphore_mem>> -> memref<!tpu.dma_semaphore, #tpu.memory_space<semaphore_mem>>
      tpu.enqueue_indirect_dma source(%dma_start3A_120 : memref<20000x128xf32, #tpu.memory_space<hbm>>) target(%dma_start3A_116 : memref<64x128xf32, #tpu.memory_space<vmem>>) offsets(%dma_start3A_117 : memref<64xi32, #tpu.memory_space<vmem>>) semaphore(%dma_start3A_122 : memref<!tpu.dma_semaphore, #tpu.memory_space<semaphore_mem>>)
      %run_scoped3A_123 = arith.constant 0 : i32
      "tpu.region"() ({
        %run_scoped3A_153 = tpu.sem_alloc : memref<!tpu.dma_semaphore, #tpu.memory_space<semaphore_mem>>
        %dma_start3A_154 = arith.constant 0 : i32
        %dma_start3A_155 = arith.constant 0 : i32
        %dma_start3A_156 = tpu.memref_slice %arg8[%run_scoped3A_123, %dma_start3A_154, %dma_start3A_155] : memref<2x64x128xf32, #tpu.memory_space<vmem>> -> memref<1x64x128xf32, #tpu.memory_space<vmem>>
        %dma_start3A_157 = tpu.memref_squeeze %dma_start3A_156 : memref<1x64x128xf32, #tpu.memory_space<vmem>> -> memref<64x128xf32, #tpu.memory_space<vmem>>
        %dma_start3A_158 = arith.constant 0 : i32
        %dma_start3A_159 = tpu.memref_slice %arg7[%mul3A_89, %dma_start3A_158] : memref<158x64xi32, #tpu.memory_space<vmem>> -> memref<1x64xi32, #tpu.memory_space<vmem>>
        %dma_start3A_160 = tpu.memref_squeeze %dma_start3A_159 : memref<1x64xi32, #tpu.memory_space<vmem>> -> memref<64xi32, #tpu.memory_space<vmem>>
        %dma_start3A_161 = arith.constant 0 : i32
        %dma_start3A_162 = arith.constant 0 : i32
        %dma_start3A_163 = tpu.memref_slice %arg11[%dma_start3A_161, %dma_start3A_162] : memref<10240x128xf32, #tpu.memory_space<vmem_shared>> -> memref<10240x128xf32, #tpu.memory_space<vmem_shared>>
        tpu.enqueue_indirect_dma source(%dma_start3A_157 : memref<64x128xf32, #tpu.memory_space<vmem>>) target(%dma_start3A_163 : memref<10240x128xf32, #tpu.memory_space<vmem_shared>>) offsets(%dma_start3A_160 : memref<64xi32, #tpu.memory_space<vmem>>) semaphore(%run_scoped3A_153 : memref<!tpu.dma_semaphore, #tpu.memory_space<semaphore_mem>>) {add = true}
        %dma_wait3A_164 = arith.constant 0 : i32
        %dma_wait3A_165 = arith.constant 0 : i32
        %dma_wait3A_166 = tpu.memref_slice %arg8[%run_scoped3A_123, %dma_wait3A_164, %dma_wait3A_165] : memref<2x64x128xf32, #tpu.memory_space<vmem>> -> memref<1x64x128xf32, #tpu.memory_space<vmem>>
        %dma_wait3A_167 = tpu.memref_squeeze %dma_wait3A_166 : memref<1x64x128xf32, #tpu.memory_space<vmem>> -> memref<64x128xf32, #tpu.memory_space<vmem>>
        %dma_wait3A_168 = arith.constant 0 : i32
        %dma_wait3A_169 = tpu.memref_slice %arg7[%mul3A_89, %dma_wait3A_168] : memref<158x64xi32, #tpu.memory_space<vmem>> -> memref<1x64xi32, #tpu.memory_space<vmem>>
        %dma_wait3A_170 = tpu.memref_squeeze %dma_wait3A_169 : memref<1x64xi32, #tpu.memory_space<vmem>> -> memref<64xi32, #tpu.memory_space<vmem>>
        %dma_wait3A_171 = arith.constant 0 : i32
        %dma_wait3A_172 = arith.constant 0 : i32
        %dma_wait3A_173 = tpu.memref_slice %arg11[%dma_wait3A_171, %dma_wait3A_172] : memref<10240x128xf32, #tpu.memory_space<vmem_shared>> -> memref<10240x128xf32, #tpu.memory_space<vmem_shared>>
        tpu.wait_indirect_dma semaphore(%run_scoped3A_153 : memref<!tpu.dma_semaphore, #tpu.memory_space<semaphore_mem>>) src(%dma_wait3A_167 : memref<64x128xf32, #tpu.memory_space<vmem>>) dst(%dma_wait3A_173 : memref<10240x128xf32, #tpu.memory_space<vmem_shared>>)
        tpu.yield
      }) : () -> ()
      %add3A_124 = arith.constant 1 : i32
      %add3A_125 = arith.addi %mul3A_89, %add3A_124 : i32
      %add3A_126 = arith.constant 0 : i32
      %add3A_127 = arith.addi %add3A_126, %add3A_125 : i32
      %mul3A_128 = arith.constant 64 : i32
      %mul3A_129 = arith.muli %add3A_127, %mul3A_128 : i32
      %dma_wait3A_130 = arith.constant 1 : i32
      %dma_wait3A_131 = arith.constant 1 : i32
      %dma_wait3A_132 = arith.constant 0 : i32
      %dma_wait3A_133 = arith.constant 0 : i32
      %dma_wait3A_134 = tpu.memref_slice %arg8[%dma_wait3A_130, %dma_wait3A_132, %dma_wait3A_133] : memref<2x64x128xf32, #tpu.memory_space<vmem>> -> memref<1x64x128xf32, #tpu.memory_space<vmem>>
      %dma_wait3A_135 = tpu.memref_squeeze %dma_wait3A_134 : memref<1x64x128xf32, #tpu.memory_space<vmem>> -> memref<64x128xf32, #tpu.memory_space<vmem>>
      %dma_wait3A_136 = tpu.memref_slice %arg6[%mul3A_129] : memref<10112xi32, #tpu.memory_space<vmem>> -> memref<64xi32, #tpu.memory_space<vmem>>
      %dma_wait3A_137 = arith.constant 0 : i32
      %dma_wait3A_138 = arith.constant 0 : i32
      %dma_wait3A_139 = tpu.memref_slice %arg2[%dma_wait3A_137, %dma_wait3A_138] : memref<20000x128xf32, #tpu.memory_space<hbm>> -> memref<20000x128xf32, #tpu.memory_space<hbm>>
      %dma_wait3A_140 = tpu.memref_slice %arg13[%dma_wait3A_131] : memref<2x!tpu.dma_semaphore, #tpu.memory_space<semaphore_mem>> -> memref<1x!tpu.dma_semaphore, #tpu.memory_space<semaphore_mem>>
      %dma_wait3A_141 = tpu.memref_squeeze %dma_wait3A_140 : memref<1x!tpu.dma_semaphore, #tpu.memory_space<semaphore_mem>> -> memref<!tpu.dma_semaphore, #tpu.memory_space<semaphore_mem>>
      tpu.wait_indirect_dma semaphore(%dma_wait3A_141 : memref<!tpu.dma_semaphore, #tpu.memory_space<semaphore_mem>>) src(%dma_wait3A_139 : memref<20000x128xf32, #tpu.memory_space<hbm>>) dst(%dma_wait3A_135 : memref<64x128xf32, #tpu.memory_space<vmem>>)
      %add3A_142 = arith.constant 1 : i32
      %add3A_143 = arith.addi %scan3A_86, %add3A_142 : i32
      %lt3A_144 = arith.constant 79 : i32
      %lt3A_145 = arith.cmpi slt, %add3A_143, %lt3A_144 : i32
      %convert_element_type3A_146 = arith.extui %lt3A_145 : i1 to i32
      %cond3A_147 = arith.constant 0 : i32
      %cond3A_148 = arith.cmpi ne, %convert_element_type3A_146, %cond3A_147 : i32
      scf.if %cond3A_148 {
        %add3A_153 = arith.constant 2 : i32
        %add3A_154 = arith.addi %mul3A_89, %add3A_153 : i32
        %add3A_155 = arith.constant 0 : i32
        %add3A_156 = arith.addi %add3A_155, %add3A_154 : i32
        %mul3A_157 = arith.constant 64 : i32
        %mul3A_158 = arith.muli %add3A_156, %mul3A_157 : i32
        %dma_start3A_159 = arith.constant 0 : i32
        %dma_start3A_160 = arith.constant 0 : i32
        %dma_start3A_161 = arith.constant 0 : i32
        %dma_start3A_162 = arith.constant 0 : i32
        %dma_start3A_163 = tpu.memref_slice %arg8[%dma_start3A_159, %dma_start3A_161, %dma_start3A_162] : memref<2x64x128xf32, #tpu.memory_space<vmem>> -> memref<1x64x128xf32, #tpu.memory_space<vmem>>
        %dma_start3A_164 = tpu.memref_squeeze %dma_start3A_163 : memref<1x64x128xf32, #tpu.memory_space<vmem>> -> memref<64x128xf32, #tpu.memory_space<vmem>>
        %dma_start3A_165 = tpu.memref_slice %arg6[%mul3A_158] : memref<10112xi32, #tpu.memory_space<vmem>> -> memref<64xi32, #tpu.memory_space<vmem>>
        %dma_start3A_166 = arith.constant 0 : i32
        %dma_start3A_167 = arith.constant 0 : i32
        %dma_start3A_168 = tpu.memref_slice %arg2[%dma_start3A_166, %dma_start3A_167] : memref<20000x128xf32, #tpu.memory_space<hbm>> -> memref<20000x128xf32, #tpu.memory_space<hbm>>
        %dma_start3A_169 = tpu.memref_slice %arg13[%dma_start3A_160] : memref<2x!tpu.dma_semaphore, #tpu.memory_space<semaphore_mem>> -> memref<1x!tpu.dma_semaphore, #tpu.memory_space<semaphore_mem>>
        %dma_start3A_170 = tpu.memref_squeeze %dma_start3A_169 : memref<1x!tpu.dma_semaphore, #tpu.memory_space<semaphore_mem>> -> memref<!tpu.dma_semaphore, #tpu.memory_space<semaphore_mem>>
        tpu.enqueue_indirect_dma source(%dma_start3A_168 : memref<20000x128xf32, #tpu.memory_space<hbm>>) target(%dma_start3A_164 : memref<64x128xf32, #tpu.memory_space<vmem>>) offsets(%dma_start3A_165 : memref<64xi32, #tpu.memory_space<vmem>>) semaphore(%dma_start3A_170 : memref<!tpu.dma_semaphore, #tpu.memory_space<semaphore_mem>>)
      } else {
      }
      %add3A_149 = arith.constant 1 : i32
      %add3A_150 = arith.addi %mul3A_89, %add3A_149 : i32
      %run_scoped3A_151 = arith.constant 1 : i32
      "tpu.region"() ({
        %run_scoped3A_153 = tpu.sem_alloc : memref<!tpu.dma_semaphore, #tpu.memory_space<semaphore_mem>>
        %dma_start3A_154 = arith.constant 0 : i32
        %dma_start3A_155 = arith.constant 0 : i32
        %dma_start3A_156 = tpu.memref_slice %arg8[%run_scoped3A_151, %dma_start3A_154, %dma_start3A_155] : memref<2x64x128xf32, #tpu.memory_space<vmem>> -> memref<1x64x128xf32, #tpu.memory_space<vmem>>
        %dma_start3A_157 = tpu.memref_squeeze %dma_start3A_156 : memref<1x64x128xf32, #tpu.memory_space<vmem>> -> memref<64x128xf32, #tpu.memory_space<vmem>>
        %dma_start3A_158 = arith.constant 0 : i32
        %dma_start3A_159 = tpu.memref_slice %arg7[%add3A_150, %dma_start3A_158] : memref<158x64xi32, #tpu.memory_space<vmem>> -> memref<1x64xi32, #tpu.memory_space<vmem>>
        %dma_start3A_160 = tpu.memref_squeeze %dma_start3A_159 : memref<1x64xi32, #tpu.memory_space<vmem>> -> memref<64xi32, #tpu.memory_space<vmem>>
        %dma_start3A_161 = arith.constant 0 : i32
        %dma_start3A_162 = arith.constant 0 : i32
        %dma_start3A_163 = tpu.memref_slice %arg11[%dma_start3A_161, %dma_start3A_162] : memref<10240x128xf32, #tpu.memory_space<vmem_shared>> -> memref<10240x128xf32, #tpu.memory_space<vmem_shared>>
        tpu.enqueue_indirect_dma source(%dma_start3A_157 : memref<64x128xf32, #tpu.memory_space<vmem>>) target(%dma_start3A_163 : memref<10240x128xf32, #tpu.memory_space<vmem_shared>>) offsets(%dma_start3A_160 : memref<64xi32, #tpu.memory_space<vmem>>) semaphore(%run_scoped3A_153 : memref<!tpu.dma_semaphore, #tpu.memory_space<semaphore_mem>>) {add = true}
        %dma_wait3A_164 = arith.constant 0 : i32
        %dma_wait3A_165 = arith.constant 0 : i32
        %dma_wait3A_166 = tpu.memref_slice %arg8[%run_scoped3A_151, %dma_wait3A_164, %dma_wait3A_165] : memref<2x64x128xf32, #tpu.memory_space<vmem>> -> memref<1x64x128xf32, #tpu.memory_space<vmem>>
        %dma_wait3A_167 = tpu.memref_squeeze %dma_wait3A_166 : memref<1x64x128xf32, #tpu.memory_space<vmem>> -> memref<64x128xf32, #tpu.memory_space<vmem>>
        %dma_wait3A_168 = arith.constant 0 : i32
        %dma_wait3A_169 = tpu.memref_slice %arg7[%add3A_150, %dma_wait3A_168] : memref<158x64xi32, #tpu.memory_space<vmem>> -> memref<1x64xi32, #tpu.memory_space<vmem>>
        %dma_wait3A_170 = tpu.memref_squeeze %dma_wait3A_169 : memref<1x64xi32, #tpu.memory_space<vmem>> -> memref<64xi32, #tpu.memory_space<vmem>>
        %dma_wait3A_171 = arith.constant 0 : i32
        %dma_wait3A_172 = arith.constant 0 : i32
        %dma_wait3A_173 = tpu.memref_slice %arg11[%dma_wait3A_171, %dma_wait3A_172] : memref<10240x128xf32, #tpu.memory_space<vmem_shared>> -> memref<10240x128xf32, #tpu.memory_space<vmem_shared>>
        tpu.wait_indirect_dma semaphore(%run_scoped3A_153 : memref<!tpu.dma_semaphore, #tpu.memory_space<semaphore_mem>>) src(%dma_wait3A_167 : memref<64x128xf32, #tpu.memory_space<vmem>>) dst(%dma_wait3A_173 : memref<10240x128xf32, #tpu.memory_space<vmem_shared>>)
        tpu.yield
      }) : () -> ()
      %scan3A_152 = arith.constant 0 : i32
      scf.yield %scan3A_152 : i32
    }
    %scan3A_82 = arith.constant 79 : i32
    %barrier3A_83 = arith.constant 0 : index
    tpu.barrier barrier_id(%barrier3A_83)
    %lt3A = arith.constant 10 : i32
    %lt3A_84 = arith.cmpi slt, %arg1, %lt3A : i32
    %convert_element_type3A = arith.extui %lt3A_84 : i1 to i32
    %cond3A = arith.constant 0 : i32
    %cond3A_85 = arith.cmpi ne, %convert_element_type3A, %cond3A : i32
    scf.if %cond3A_85 {
      %mul3A_86 = arith.constant 1000 : i32
      %mul3A_87 = arith.muli %arg1, %mul3A_86 : i32
      %mul3A_88 = arith.constant 1000 : i32
      %mul3A_89 = arith.muli %arg1, %mul3A_88 : i32
      "tpu.region"() ({
        %run_scoped3A_90 = tpu.sem_alloc : memref<!tpu.dma_semaphore, #tpu.memory_space<semaphore_mem>>
        %dma_start3A_91 = arith.constant 0 : i32
        %dma_start3A_92 = tpu.memref_slice %arg5[%arg0, %mul3A_89, %dma_start3A_91] : memref<2x10000x128xf32, #tpu.memory_space<hbm>> -> memref<1x1000x128xf32, #tpu.memory_space<hbm>>
        %dma_start3A_93 = tpu.memref_squeeze %dma_start3A_92 : memref<1x1000x128xf32, #tpu.memory_space<hbm>> -> memref<1000x128xf32, #tpu.memory_space<hbm>>
        %dma_start3A_94 = arith.constant 0 : i32
        %dma_start3A_95 = tpu.memref_slice %arg11[%mul3A_87, %dma_start3A_94] : memref<10240x128xf32, #tpu.memory_space<vmem_shared>> -> memref<1000x128xf32, #tpu.memory_space<vmem_shared>>
        tpu.enqueue_dma source(%dma_start3A_95 : memref<1000x128xf32, #tpu.memory_space<vmem_shared>>) target(%dma_start3A_93 : memref<1000x128xf32, #tpu.memory_space<hbm>>) target_semaphore(%run_scoped3A_90 : memref<!tpu.dma_semaphore, #tpu.memory_space<semaphore_mem>>)
        %dma_wait3A = arith.constant 0 : i32
        %dma_wait3A_96 = tpu.memref_slice %arg5[%arg0, %mul3A_89, %dma_wait3A] : memref<2x10000x128xf32, #tpu.memory_space<hbm>> -> memref<1x1000x128xf32, #tpu.memory_space<hbm>>
        %dma_wait3A_97 = tpu.memref_squeeze %dma_wait3A_96 : memref<1x1000x128xf32, #tpu.memory_space<hbm>> -> memref<1000x128xf32, #tpu.memory_space<hbm>>
        %dma_wait3A_98 = arith.constant 0 : i32
        %dma_wait3A_99 = tpu.memref_slice %arg11[%mul3A_87, %dma_wait3A_98] : memref<10240x128xf32, #tpu.memory_space<vmem_shared>> -> memref<1000x128xf32, #tpu.memory_space<vmem_shared>>
        tpu.wait_dma2 semaphore(%run_scoped3A_90 : memref<!tpu.dma_semaphore, #tpu.memory_space<semaphore_mem>>) src(%dma_wait3A_99 : memref<1000x128xf32, #tpu.memory_space<vmem_shared>>) dst(%dma_wait3A_97 : memref<1000x128xf32, #tpu.memory_space<hbm>>)
        tpu.yield
      }) : () -> ()
    } else {
    }
    return
  }
}

#map = affine_map<(d0, d1) -> (0, 0)>
#map1 = affine_map<(d0, d1) -> (0, 0, 0, 0)>
#map2 = affine_map<(d0, d1) -> (0, 0, 0)>
#map3 = affine_map<(d0, d1) -> (0)>
module attributes {stable_mosaic.version = 14 : i64} {
  func.func @body(%arg0: i32, %arg1: i32, %arg2: memref<20000x128xf32, #tpu.memory_space<hbm>>, %arg3: memref<16x10112xi32, #tpu.memory_space<hbm>>, %arg4: memref<16x1x158x64xi32, #tpu.memory_space<hbm>>, %arg5: memref<2x10000x128xf32, #tpu.memory_space<hbm>>, %arg6: memref<10000xf32, #tpu.memory_space<hbm>>, %arg7: memref<10112xi32, #tpu.memory_space<vmem>>, %arg8: memref<158x64xi32, #tpu.memory_space<vmem>>, %arg9: memref<2x64x128xf32, #tpu.memory_space<vmem>>, %arg10: memref<64xf32, #tpu.memory_space<vmem>>, %arg11: memref<1024xf32, #tpu.memory_space<vmem>>, %arg12: memref<10240x128xf32, #tpu.memory_space<vmem_shared>>, %arg13: memref<10240xf32, #tpu.memory_space<vmem_shared>>, %arg14: memref<2x!tpu.dma_semaphore, #tpu.memory_space<semaphore_mem>>) attributes {dimension_semantics = [#tpu.dimension_semantics<core_parallel>, #tpu.dimension_semantics<subcore_parallel>], iteration_bounds = array<i64: 2, 16>, scalar_prefetch = 0 : i64, scratch_operands = 8 : i64, tpu.core_type = #tpu.core_type<sc_vector_subcore>, window_params = [{transform_indices = #map}, {transform_indices = #map}, {transform_indices = #map1}, {transform_indices = #map2}, {transform_indices = #map3}]} {
    %broadcast_in_dim3A = arith.constant 0.000000e+00 : f32
    %broadcast_in_dim3A_0 = vector.broadcast %broadcast_in_dim3A : f32 to vector<16xf32>
    %scan3A = arith.constant 0 : i32
    %scan3A_1 = arith.constant 0 : i32
    %scan3A_2 = arith.constant 64 : i32
    %scan3A_3 = arith.addi %scan3A_1, %scan3A_2 : i32
    %scan3A_4 = arith.constant 1 : i32
    %scan3A_5 = scf.for %scan3A_384 = %scan3A_1 to %scan3A_3 step %scan3A_4 iter_args(%scan3A_385 = %scan3A) -> (i32)  : i32 {
      %swap3A_386 = arith.constant 0 : i32
      %swap3A_387 = arith.index_cast %swap3A_386 : i32 to index
      %swap3A_388 = arith.index_cast %scan3A_384 : i32 to index
      %swap3A_389 = arith.constant 0 : index
      %swap3A_390 = tpu.vector_load %arg9[%swap3A_387, %swap3A_388, %swap3A_389] {strides = array<i32>} : memref<2x64x128xf32, #tpu.memory_space<vmem>>, vector<1x1x16xf32>,
      %swap3A_391 = vector.shape_cast %swap3A_390 : vector<1x1x16xf32> to vector<16xf32>
      %swap3A_392 = vector.shape_cast %broadcast_in_dim3A_0 : vector<16xf32> to vector<1x1x16xf32>
      tpu.vector_store %arg9[%swap3A_387, %swap3A_388, %swap3A_389], %swap3A_392 {strides = array<i32>} : memref<2x64x128xf32, #tpu.memory_space<vmem>>, vector<1x1x16xf32>,
      %swap3A_393 = arith.constant 0 : i32
      %swap3A_394 = arith.index_cast %swap3A_393 : i32 to index
      %swap3A_395 = arith.index_cast %scan3A_384 : i32 to index
      %swap3A_396 = arith.constant 16 : index
      %swap3A_397 = tpu.vector_load %arg9[%swap3A_394, %swap3A_395, %swap3A_396] {strides = array<i32>} : memref<2x64x128xf32, #tpu.memory_space<vmem>>, vector<1x1x16xf32>,
      %swap3A_398 = vector.shape_cast %swap3A_397 : vector<1x1x16xf32> to vector<16xf32>
      %swap3A_399 = vector.shape_cast %broadcast_in_dim3A_0 : vector<16xf32> to vector<1x1x16xf32>
      tpu.vector_store %arg9[%swap3A_394, %swap3A_395, %swap3A_396], %swap3A_399 {strides = array<i32>} : memref<2x64x128xf32, #tpu.memory_space<vmem>>, vector<1x1x16xf32>,
      %swap3A_400 = arith.constant 0 : i32
      %swap3A_401 = arith.index_cast %swap3A_400 : i32 to index
      %swap3A_402 = arith.index_cast %scan3A_384 : i32 to index
      %swap3A_403 = arith.constant 32 : index
      %swap3A_404 = tpu.vector_load %arg9[%swap3A_401, %swap3A_402, %swap3A_403] {strides = array<i32>} : memref<2x64x128xf32, #tpu.memory_space<vmem>>, vector<1x1x16xf32>,
      %swap3A_405 = vector.shape_cast %swap3A_404 : vector<1x1x16xf32> to vector<16xf32>
      %swap3A_406 = vector.shape_cast %broadcast_in_dim3A_0 : vector<16xf32> to vector<1x1x16xf32>
      tpu.vector_store %arg9[%swap3A_401, %swap3A_402, %swap3A_403], %swap3A_406 {strides = array<i32>} : memref<2x64x128xf32, #tpu.memory_space<vmem>>, vector<1x1x16xf32>,
      %swap3A_407 = arith.constant 0 : i32
      %swap3A_408 = arith.index_cast %swap3A_407 : i32 to index
      %swap3A_409 = arith.index_cast %scan3A_384 : i32 to index
      %swap3A_410 = arith.constant 48 : index
      %swap3A_411 = tpu.vector_load %arg9[%swap3A_408, %swap3A_409, %swap3A_410] {strides = array<i32>} : memref<2x64x128xf32, #tpu.memory_space<vmem>>, vector<1x1x16xf32>,
      %swap3A_412 = vector.shape_cast %swap3A_411 : vector<1x1x16xf32> to vector<16xf32>
      %swap3A_413 = vector.shape_cast %broadcast_in_dim3A_0 : vector<16xf32> to vector<1x1x16xf32>
      tpu.vector_store %arg9[%swap3A_408, %swap3A_409, %swap3A_410], %swap3A_413 {strides = array<i32>} : memref<2x64x128xf32, #tpu.memory_space<vmem>>, vector<1x1x16xf32>,
      %swap3A_414 = arith.constant 0 : i32
      %swap3A_415 = arith.index_cast %swap3A_414 : i32 to index
      %swap3A_416 = arith.index_cast %scan3A_384 : i32 to index
      %swap3A_417 = arith.constant 64 : index
      %swap3A_418 = tpu.vector_load %arg9[%swap3A_415, %swap3A_416, %swap3A_417] {strides = array<i32>} : memref<2x64x128xf32, #tpu.memory_space<vmem>>, vector<1x1x16xf32>,
      %swap3A_419 = vector.shape_cast %swap3A_418 : vector<1x1x16xf32> to vector<16xf32>
      %swap3A_420 = vector.shape_cast %broadcast_in_dim3A_0 : vector<16xf32> to vector<1x1x16xf32>
      tpu.vector_store %arg9[%swap3A_415, %swap3A_416, %swap3A_417], %swap3A_420 {strides = array<i32>} : memref<2x64x128xf32, #tpu.memory_space<vmem>>, vector<1x1x16xf32>,
      %swap3A_421 = arith.constant 0 : i32
      %swap3A_422 = arith.index_cast %swap3A_421 : i32 to index
      %swap3A_423 = arith.index_cast %scan3A_384 : i32 to index
      %swap3A_424 = arith.constant 80 : index
      %swap3A_425 = tpu.vector_load %arg9[%swap3A_422, %swap3A_423, %swap3A_424] {strides = array<i32>} : memref<2x64x128xf32, #tpu.memory_space<vmem>>, vector<1x1x16xf32>,
      %swap3A_426 = vector.shape_cast %swap3A_425 : vector<1x1x16xf32> to vector<16xf32>
      %swap3A_427 = vector.shape_cast %broadcast_in_dim3A_0 : vector<16xf32> to vector<1x1x16xf32>
      tpu.vector_store %arg9[%swap3A_422, %swap3A_423, %swap3A_424], %swap3A_427 {strides = array<i32>} : memref<2x64x128xf32, #tpu.memory_space<vmem>>, vector<1x1x16xf32>,
      %swap3A_428 = arith.constant 0 : i32
      %swap3A_429 = arith.index_cast %swap3A_428 : i32 to index
      %swap3A_430 = arith.index_cast %scan3A_384 : i32 to index
      %swap3A_431 = arith.constant 96 : index
      %swap3A_432 = tpu.vector_load %arg9[%swap3A_429, %swap3A_430, %swap3A_431] {strides = array<i32>} : memref<2x64x128xf32, #tpu.memory_space<vmem>>, vector<1x1x16xf32>,
      %swap3A_433 = vector.shape_cast %swap3A_432 : vector<1x1x16xf32> to vector<16xf32>
      %swap3A_434 = vector.shape_cast %broadcast_in_dim3A_0 : vector<16xf32> to vector<1x1x16xf32>
      tpu.vector_store %arg9[%swap3A_429, %swap3A_430, %swap3A_431], %swap3A_434 {strides = array<i32>} : memref<2x64x128xf32, #tpu.memory_space<vmem>>, vector<1x1x16xf32>,
      %swap3A_435 = arith.constant 0 : i32
      %swap3A_436 = arith.index_cast %swap3A_435 : i32 to index
      %swap3A_437 = arith.index_cast %scan3A_384 : i32 to index
      %swap3A_438 = arith.constant 112 : index
      %swap3A_439 = tpu.vector_load %arg9[%swap3A_436, %swap3A_437, %swap3A_438] {strides = array<i32>} : memref<2x64x128xf32, #tpu.memory_space<vmem>>, vector<1x1x16xf32>,
      %swap3A_440 = vector.shape_cast %swap3A_439 : vector<1x1x16xf32> to vector<16xf32>
      %swap3A_441 = vector.shape_cast %broadcast_in_dim3A_0 : vector<16xf32> to vector<1x1x16xf32>
      tpu.vector_store %arg9[%swap3A_436, %swap3A_437, %swap3A_438], %swap3A_441 {strides = array<i32>} : memref<2x64x128xf32, #tpu.memory_space<vmem>>, vector<1x1x16xf32>,
      %scan3A_442 = arith.constant 0 : i32
      scf.yield %scan3A_442 : i32
    }
    %scan3A_6 = arith.constant 64 : i32
    %mul3A = arith.constant 640 : i32
    %mul3A_7 = arith.muli %arg1, %mul3A : i32
    %add3A = arith.constant 0 : i32
    %add3A_8 = arith.addi %mul3A_7, %add3A : i32
    %run_scoped3A = arith.constant 0 : i32
    "tpu.region"() ({
      %run_scoped3A_384 = tpu.sem_alloc : memref<!tpu.dma_semaphore, #tpu.memory_space<semaphore_mem>>
      %dma_start3A_385 = arith.constant 0 : i32
      %dma_start3A_386 = arith.constant 0 : i32
      %dma_start3A_387 = tpu.memref_slice %arg9[%run_scoped3A, %dma_start3A_385, %dma_start3A_386] : memref<2x64x128xf32, #tpu.memory_space<vmem>> -> memref<1x64x128xf32, #tpu.memory_space<vmem>>
      %dma_start3A_388 = tpu.memref_squeeze %dma_start3A_387 : memref<1x64x128xf32, #tpu.memory_space<vmem>> -> memref<64x128xf32, #tpu.memory_space<vmem>>
      %dma_start3A_389 = arith.constant 0 : i32
      %dma_start3A_390 = tpu.memref_slice %arg12[%add3A_8, %dma_start3A_389] : memref<10240x128xf32, #tpu.memory_space<vmem_shared>> -> memref<64x128xf32, #tpu.memory_space<vmem_shared>>
      %dma_start3A_391 = arith.constant 0 : i32
      %dma_start3A_392 = tpu.memref_slice %arg12[%add3A_8, %dma_start3A_391] : memref<10240x128xf32, #tpu.memory_space<vmem_shared>> -> memref<64x128xf32, #tpu.memory_space<vmem_shared>>
      %dma_start3A_393 = arith.constant 0 : i32
      %dma_start3A_394 = arith.constant 0 : i32
      %dma_start3A_395 = tpu.memref_slice %arg9[%run_scoped3A, %dma_start3A_393, %dma_start3A_394] : memref<2x64x128xf32, #tpu.memory_space<vmem>> -> memref<1x64x128xf32, #tpu.memory_space<vmem>>
      %dma_start3A_396 = tpu.memref_squeeze %dma_start3A_395 : memref<1x64x128xf32, #tpu.memory_space<vmem>> -> memref<64x128xf32, #tpu.memory_space<vmem>>
      tpu.enqueue_dma source(%dma_start3A_396 : memref<64x128xf32, #tpu.memory_space<vmem>>) target(%dma_start3A_392 : memref<64x128xf32, #tpu.memory_space<vmem_shared>>) target_semaphore(%run_scoped3A_384 : memref<!tpu.dma_semaphore, #tpu.memory_space<semaphore_mem>>)
      %dma_wait3A = arith.constant 0 : i32
      %dma_wait3A_397 = arith.constant 0 : i32
      %dma_wait3A_398 = tpu.memref_slice %arg9[%run_scoped3A, %dma_wait3A, %dma_wait3A_397] : memref<2x64x128xf32, #tpu.memory_space<vmem>> -> memref<1x64x128xf32, #tpu.memory_space<vmem>>
      %dma_wait3A_399 = tpu.memref_squeeze %dma_wait3A_398 : memref<1x64x128xf32, #tpu.memory_space<vmem>> -> memref<64x128xf32, #tpu.memory_space<vmem>>
      %dma_wait3A_400 = arith.constant 0 : i32
      %dma_wait3A_401 = tpu.memref_slice %arg12[%add3A_8, %dma_wait3A_400] : memref<10240x128xf32, #tpu.memory_space<vmem_shared>> -> memref<64x128xf32, #tpu.memory_space<vmem_shared>>
      %dma_wait3A_402 = arith.constant 0 : i32
      %dma_wait3A_403 = tpu.memref_slice %arg12[%add3A_8, %dma_wait3A_402] : memref<10240x128xf32, #tpu.memory_space<vmem_shared>> -> memref<64x128xf32, #tpu.memory_space<vmem_shared>>
      %dma_wait3A_404 = arith.constant 0 : i32
      %dma_wait3A_405 = arith.constant 0 : i32
      %dma_wait3A_406 = tpu.memref_slice %arg9[%run_scoped3A, %dma_wait3A_404, %dma_wait3A_405] : memref<2x64x128xf32, #tpu.memory_space<vmem>> -> memref<1x64x128xf32, #tpu.memory_space<vmem>>
      %dma_wait3A_407 = tpu.memref_squeeze %dma_wait3A_406 : memref<1x64x128xf32, #tpu.memory_space<vmem>> -> memref<64x128xf32, #tpu.memory_space<vmem>>
      tpu.wait_dma2 semaphore(%run_scoped3A_384 : memref<!tpu.dma_semaphore, #tpu.memory_space<semaphore_mem>>) src(%dma_wait3A_407 : memref<64x128xf32, #tpu.memory_space<vmem>>) dst(%dma_wait3A_403 : memref<64x128xf32, #tpu.memory_space<vmem_shared>>)
      tpu.yield
    }) : () -> ()
    %mul3A_9 = arith.constant 640 : i32
    %mul3A_10 = arith.muli %arg1, %mul3A_9 : i32
    %add3A_11 = arith.constant 64 : i32
    %add3A_12 = arith.addi %mul3A_10, %add3A_11 : i32
    %run_scoped3A_13 = arith.constant 0 : i32
    "tpu.region"() ({
      %run_scoped3A_384 = tpu.sem_alloc : memref<!tpu.dma_semaphore, #tpu.memory_space<semaphore_mem>>
      %dma_start3A_385 = arith.constant 0 : i32
      %dma_start3A_386 = arith.constant 0 : i32
      %dma_start3A_387 = tpu.memref_slice %arg9[%run_scoped3A_13, %dma_start3A_385, %dma_start3A_386] : memref<2x64x128xf32, #tpu.memory_space<vmem>> -> memref<1x64x128xf32, #tpu.memory_space<vmem>>
      %dma_start3A_388 = tpu.memref_squeeze %dma_start3A_387 : memref<1x64x128xf32, #tpu.memory_space<vmem>> -> memref<64x128xf32, #tpu.memory_space<vmem>>
      %dma_start3A_389 = arith.constant 0 : i32
      %dma_start3A_390 = tpu.memref_slice %arg12[%add3A_12, %dma_start3A_389] : memref<10240x128xf32, #tpu.memory_space<vmem_shared>> -> memref<64x128xf32, #tpu.memory_space<vmem_shared>>
      %dma_start3A_391 = arith.constant 0 : i32
      %dma_start3A_392 = tpu.memref_slice %arg12[%add3A_12, %dma_start3A_391] : memref<10240x128xf32, #tpu.memory_space<vmem_shared>> -> memref<64x128xf32, #tpu.memory_space<vmem_shared>>
      %dma_start3A_393 = arith.constant 0 : i32
      %dma_start3A_394 = arith.constant 0 : i32
      %dma_start3A_395 = tpu.memref_slice %arg9[%run_scoped3A_13, %dma_start3A_393, %dma_start3A_394] : memref<2x64x128xf32, #tpu.memory_space<vmem>> -> memref<1x64x128xf32, #tpu.memory_space<vmem>>
      %dma_start3A_396 = tpu.memref_squeeze %dma_start3A_395 : memref<1x64x128xf32, #tpu.memory_space<vmem>> -> memref<64x128xf32, #tpu.memory_space<vmem>>
      tpu.enqueue_dma source(%dma_start3A_396 : memref<64x128xf32, #tpu.memory_space<vmem>>) target(%dma_start3A_392 : memref<64x128xf32, #tpu.memory_space<vmem_shared>>) target_semaphore(%run_scoped3A_384 : memref<!tpu.dma_semaphore, #tpu.memory_space<semaphore_mem>>)
      %dma_wait3A = arith.constant 0 : i32
      %dma_wait3A_397 = arith.constant 0 : i32
      %dma_wait3A_398 = tpu.memref_slice %arg9[%run_scoped3A_13, %dma_wait3A, %dma_wait3A_397] : memref<2x64x128xf32, #tpu.memory_space<vmem>> -> memref<1x64x128xf32, #tpu.memory_space<vmem>>
      %dma_wait3A_399 = tpu.memref_squeeze %dma_wait3A_398 : memref<1x64x128xf32, #tpu.memory_space<vmem>> -> memref<64x128xf32, #tpu.memory_space<vmem>>
      %dma_wait3A_400 = arith.constant 0 : i32
      %dma_wait3A_401 = tpu.memref_slice %arg12[%add3A_12, %dma_wait3A_400] : memref<10240x128xf32, #tpu.memory_space<vmem_shared>> -> memref<64x128xf32, #tpu.memory_space<vmem_shared>>
      %dma_wait3A_402 = arith.constant 0 : i32
      %dma_wait3A_403 = tpu.memref_slice %arg12[%add3A_12, %dma_wait3A_402] : memref<10240x128xf32, #tpu.memory_space<vmem_shared>> -> memref<64x128xf32, #tpu.memory_space<vmem_shared>>
      %dma_wait3A_404 = arith.constant 0 : i32
      %dma_wait3A_405 = arith.constant 0 : i32
      %dma_wait3A_406 = tpu.memref_slice %arg9[%run_scoped3A_13, %dma_wait3A_404, %dma_wait3A_405] : memref<2x64x128xf32, #tpu.memory_space<vmem>> -> memref<1x64x128xf32, #tpu.memory_space<vmem>>
      %dma_wait3A_407 = tpu.memref_squeeze %dma_wait3A_406 : memref<1x64x128xf32, #tpu.memory_space<vmem>> -> memref<64x128xf32, #tpu.memory_space<vmem>>
      tpu.wait_dma2 semaphore(%run_scoped3A_384 : memref<!tpu.dma_semaphore, #tpu.memory_space<semaphore_mem>>) src(%dma_wait3A_407 : memref<64x128xf32, #tpu.memory_space<vmem>>) dst(%dma_wait3A_403 : memref<64x128xf32, #tpu.memory_space<vmem_shared>>)
      tpu.yield
    }) : () -> ()
    %mul3A_14 = arith.constant 640 : i32
    %mul3A_15 = arith.muli %arg1, %mul3A_14 : i32
    %add3A_16 = arith.constant 128 : i32
    %add3A_17 = arith.addi %mul3A_15, %add3A_16 : i32
    %run_scoped3A_18 = arith.constant 0 : i32
    "tpu.region"() ({
      %run_scoped3A_384 = tpu.sem_alloc : memref<!tpu.dma_semaphore, #tpu.memory_space<semaphore_mem>>
      %dma_start3A_385 = arith.constant 0 : i32
      %dma_start3A_386 = arith.constant 0 : i32
      %dma_start3A_387 = tpu.memref_slice %arg9[%run_scoped3A_18, %dma_start3A_385, %dma_start3A_386] : memref<2x64x128xf32, #tpu.memory_space<vmem>> -> memref<1x64x128xf32, #tpu.memory_space<vmem>>
      %dma_start3A_388 = tpu.memref_squeeze %dma_start3A_387 : memref<1x64x128xf32, #tpu.memory_space<vmem>> -> memref<64x128xf32, #tpu.memory_space<vmem>>
      %dma_start3A_389 = arith.constant 0 : i32
      %dma_start3A_390 = tpu.memref_slice %arg12[%add3A_17, %dma_start3A_389] : memref<10240x128xf32, #tpu.memory_space<vmem_shared>> -> memref<64x128xf32, #tpu.memory_space<vmem_shared>>
      %dma_start3A_391 = arith.constant 0 : i32
      %dma_start3A_392 = tpu.memref_slice %arg12[%add3A_17, %dma_start3A_391] : memref<10240x128xf32, #tpu.memory_space<vmem_shared>> -> memref<64x128xf32, #tpu.memory_space<vmem_shared>>
      %dma_start3A_393 = arith.constant 0 : i32
      %dma_start3A_394 = arith.constant 0 : i32
      %dma_start3A_395 = tpu.memref_slice %arg9[%run_scoped3A_18, %dma_start3A_393, %dma_start3A_394] : memref<2x64x128xf32, #tpu.memory_space<vmem>> -> memref<1x64x128xf32, #tpu.memory_space<vmem>>
      %dma_start3A_396 = tpu.memref_squeeze %dma_start3A_395 : memref<1x64x128xf32, #tpu.memory_space<vmem>> -> memref<64x128xf32, #tpu.memory_space<vmem>>
      tpu.enqueue_dma source(%dma_start3A_396 : memref<64x128xf32, #tpu.memory_space<vmem>>) target(%dma_start3A_392 : memref<64x128xf32, #tpu.memory_space<vmem_shared>>) target_semaphore(%run_scoped3A_384 : memref<!tpu.dma_semaphore, #tpu.memory_space<semaphore_mem>>)
      %dma_wait3A = arith.constant 0 : i32
      %dma_wait3A_397 = arith.constant 0 : i32
      %dma_wait3A_398 = tpu.memref_slice %arg9[%run_scoped3A_18, %dma_wait3A, %dma_wait3A_397] : memref<2x64x128xf32, #tpu.memory_space<vmem>> -> memref<1x64x128xf32, #tpu.memory_space<vmem>>
      %dma_wait3A_399 = tpu.memref_squeeze %dma_wait3A_398 : memref<1x64x128xf32, #tpu.memory_space<vmem>> -> memref<64x128xf32, #tpu.memory_space<vmem>>
      %dma_wait3A_400 = arith.constant 0 : i32
      %dma_wait3A_401 = tpu.memref_slice %arg12[%add3A_17, %dma_wait3A_400] : memref<10240x128xf32, #tpu.memory_space<vmem_shared>> -> memref<64x128xf32, #tpu.memory_space<vmem_shared>>
      %dma_wait3A_402 = arith.constant 0 : i32
      %dma_wait3A_403 = tpu.memref_slice %arg12[%add3A_17, %dma_wait3A_402] : memref<10240x128xf32, #tpu.memory_space<vmem_shared>> -> memref<64x128xf32, #tpu.memory_space<vmem_shared>>
      %dma_wait3A_404 = arith.constant 0 : i32
      %dma_wait3A_405 = arith.constant 0 : i32
      %dma_wait3A_406 = tpu.memref_slice %arg9[%run_scoped3A_18, %dma_wait3A_404, %dma_wait3A_405] : memref<2x64x128xf32, #tpu.memory_space<vmem>> -> memref<1x64x128xf32, #tpu.memory_space<vmem>>
      %dma_wait3A_407 = tpu.memref_squeeze %dma_wait3A_406 : memref<1x64x128xf32, #tpu.memory_space<vmem>> -> memref<64x128xf32, #tpu.memory_space<vmem>>
      tpu.wait_dma2 semaphore(%run_scoped3A_384 : memref<!tpu.dma_semaphore, #tpu.memory_space<semaphore_mem>>) src(%dma_wait3A_407 : memref<64x128xf32, #tpu.memory_space<vmem>>) dst(%dma_wait3A_403 : memref<64x128xf32, #tpu.memory_space<vmem_shared>>)
      tpu.yield
    }) : () -> ()
    %mul3A_19 = arith.constant 640 : i32
    %mul3A_20 = arith.muli %arg1, %mul3A_19 : i32
    %add3A_21 = arith.constant 192 : i32
    %add3A_22 = arith.addi %mul3A_20, %add3A_21 : i32
    %run_scoped3A_23 = arith.constant 0 : i32
    "tpu.region"() ({
      %run_scoped3A_384 = tpu.sem_alloc : memref<!tpu.dma_semaphore, #tpu.memory_space<semaphore_mem>>
      %dma_start3A_385 = arith.constant 0 : i32
      %dma_start3A_386 = arith.constant 0 : i32
      %dma_start3A_387 = tpu.memref_slice %arg9[%run_scoped3A_23, %dma_start3A_385, %dma_start3A_386] : memref<2x64x128xf32, #tpu.memory_space<vmem>> -> memref<1x64x128xf32, #tpu.memory_space<vmem>>
      %dma_start3A_388 = tpu.memref_squeeze %dma_start3A_387 : memref<1x64x128xf32, #tpu.memory_space<vmem>> -> memref<64x128xf32, #tpu.memory_space<vmem>>
      %dma_start3A_389 = arith.constant 0 : i32
      %dma_start3A_390 = tpu.memref_slice %arg12[%add3A_22, %dma_start3A_389] : memref<10240x128xf32, #tpu.memory_space<vmem_shared>> -> memref<64x128xf32, #tpu.memory_space<vmem_shared>>
      %dma_start3A_391 = arith.constant 0 : i32
      %dma_start3A_392 = tpu.memref_slice %arg12[%add3A_22, %dma_start3A_391] : memref<10240x128xf32, #tpu.memory_space<vmem_shared>> -> memref<64x128xf32, #tpu.memory_space<vmem_shared>>
      %dma_start3A_393 = arith.constant 0 : i32
      %dma_start3A_394 = arith.constant 0 : i32
      %dma_start3A_395 = tpu.memref_slice %arg9[%run_scoped3A_23, %dma_start3A_393, %dma_start3A_394] : memref<2x64x128xf32, #tpu.memory_space<vmem>> -> memref<1x64x128xf32, #tpu.memory_space<vmem>>
      %dma_start3A_396 = tpu.memref_squeeze %dma_start3A_395 : memref<1x64x128xf32, #tpu.memory_space<vmem>> -> memref<64x128xf32, #tpu.memory_space<vmem>>
      tpu.enqueue_dma source(%dma_start3A_396 : memref<64x128xf32, #tpu.memory_space<vmem>>) target(%dma_start3A_392 : memref<64x128xf32, #tpu.memory_space<vmem_shared>>) target_semaphore(%run_scoped3A_384 : memref<!tpu.dma_semaphore, #tpu.memory_space<semaphore_mem>>)
      %dma_wait3A = arith.constant 0 : i32
      %dma_wait3A_397 = arith.constant 0 : i32
      %dma_wait3A_398 = tpu.memref_slice %arg9[%run_scoped3A_23, %dma_wait3A, %dma_wait3A_397] : memref<2x64x128xf32, #tpu.memory_space<vmem>> -> memref<1x64x128xf32, #tpu.memory_space<vmem>>
      %dma_wait3A_399 = tpu.memref_squeeze %dma_wait3A_398 : memref<1x64x128xf32, #tpu.memory_space<vmem>> -> memref<64x128xf32, #tpu.memory_space<vmem>>
      %dma_wait3A_400 = arith.constant 0 : i32
      %dma_wait3A_401 = tpu.memref_slice %arg12[%add3A_22, %dma_wait3A_400] : memref<10240x128xf32, #tpu.memory_space<vmem_shared>> -> memref<64x128xf32, #tpu.memory_space<vmem_shared>>
      %dma_wait3A_402 = arith.constant 0 : i32
      %dma_wait3A_403 = tpu.memref_slice %arg12[%add3A_22, %dma_wait3A_402] : memref<10240x128xf32, #tpu.memory_space<vmem_shared>> -> memref<64x128xf32, #tpu.memory_space<vmem_shared>>
      %dma_wait3A_404 = arith.constant 0 : i32
      %dma_wait3A_405 = arith.constant 0 : i32
      %dma_wait3A_406 = tpu.memref_slice %arg9[%run_scoped3A_23, %dma_wait3A_404, %dma_wait3A_405] : memref<2x64x128xf32, #tpu.memory_space<vmem>> -> memref<1x64x128xf32, #tpu.memory_space<vmem>>
      %dma_wait3A_407 = tpu.memref_squeeze %dma_wait3A_406 : memref<1x64x128xf32, #tpu.memory_space<vmem>> -> memref<64x128xf32, #tpu.memory_space<vmem>>
      tpu.wait_dma2 semaphore(%run_scoped3A_384 : memref<!tpu.dma_semaphore, #tpu.memory_space<semaphore_mem>>) src(%dma_wait3A_407 : memref<64x128xf32, #tpu.memory_space<vmem>>) dst(%dma_wait3A_403 : memref<64x128xf32, #tpu.memory_space<vmem_shared>>)
      tpu.yield
    }) : () -> ()
    %mul3A_24 = arith.constant 640 : i32
    %mul3A_25 = arith.muli %arg1, %mul3A_24 : i32
    %add3A_26 = arith.constant 256 : i32
    %add3A_27 = arith.addi %mul3A_25, %add3A_26 : i32
    %run_scoped3A_28 = arith.constant 0 : i32
    "tpu.region"() ({
      %run_scoped3A_384 = tpu.sem_alloc : memref<!tpu.dma_semaphore, #tpu.memory_space<semaphore_mem>>
      %dma_start3A_385 = arith.constant 0 : i32
      %dma_start3A_386 = arith.constant 0 : i32
      %dma_start3A_387 = tpu.memref_slice %arg9[%run_scoped3A_28, %dma_start3A_385, %dma_start3A_386] : memref<2x64x128xf32, #tpu.memory_space<vmem>> -> memref<1x64x128xf32, #tpu.memory_space<vmem>>
      %dma_start3A_388 = tpu.memref_squeeze %dma_start3A_387 : memref<1x64x128xf32, #tpu.memory_space<vmem>> -> memref<64x128xf32, #tpu.memory_space<vmem>>
      %dma_start3A_389 = arith.constant 0 : i32
      %dma_start3A_390 = tpu.memref_slice %arg12[%add3A_27, %dma_start3A_389] : memref<10240x128xf32, #tpu.memory_space<vmem_shared>> -> memref<64x128xf32, #tpu.memory_space<vmem_shared>>
      %dma_start3A_391 = arith.constant 0 : i32
      %dma_start3A_392 = tpu.memref_slice %arg12[%add3A_27, %dma_start3A_391] : memref<10240x128xf32, #tpu.memory_space<vmem_shared>> -> memref<64x128xf32, #tpu.memory_space<vmem_shared>>
      %dma_start3A_393 = arith.constant 0 : i32
      %dma_start3A_394 = arith.constant 0 : i32
      %dma_start3A_395 = tpu.memref_slice %arg9[%run_scoped3A_28, %dma_start3A_393, %dma_start3A_394] : memref<2x64x128xf32, #tpu.memory_space<vmem>> -> memref<1x64x128xf32, #tpu.memory_space<vmem>>
      %dma_start3A_396 = tpu.memref_squeeze %dma_start3A_395 : memref<1x64x128xf32, #tpu.memory_space<vmem>> -> memref<64x128xf32, #tpu.memory_space<vmem>>
      tpu.enqueue_dma source(%dma_start3A_396 : memref<64x128xf32, #tpu.memory_space<vmem>>) target(%dma_start3A_392 : memref<64x128xf32, #tpu.memory_space<vmem_shared>>) target_semaphore(%run_scoped3A_384 : memref<!tpu.dma_semaphore, #tpu.memory_space<semaphore_mem>>)
      %dma_wait3A = arith.constant 0 : i32
      %dma_wait3A_397 = arith.constant 0 : i32
      %dma_wait3A_398 = tpu.memref_slice %arg9[%run_scoped3A_28, %dma_wait3A, %dma_wait3A_397] : memref<2x64x128xf32, #tpu.memory_space<vmem>> -> memref<1x64x128xf32, #tpu.memory_space<vmem>>
      %dma_wait3A_399 = tpu.memref_squeeze %dma_wait3A_398 : memref<1x64x128xf32, #tpu.memory_space<vmem>> -> memref<64x128xf32, #tpu.memory_space<vmem>>
      %dma_wait3A_400 = arith.constant 0 : i32
      %dma_wait3A_401 = tpu.memref_slice %arg12[%add3A_27, %dma_wait3A_400] : memref<10240x128xf32, #tpu.memory_space<vmem_shared>> -> memref<64x128xf32, #tpu.memory_space<vmem_shared>>
      %dma_wait3A_402 = arith.constant 0 : i32
      %dma_wait3A_403 = tpu.memref_slice %arg12[%add3A_27, %dma_wait3A_402] : memref<10240x128xf32, #tpu.memory_space<vmem_shared>> -> memref<64x128xf32, #tpu.memory_space<vmem_shared>>
      %dma_wait3A_404 = arith.constant 0 : i32
      %dma_wait3A_405 = arith.constant 0 : i32
      %dma_wait3A_406 = tpu.memref_slice %arg9[%run_scoped3A_28, %dma_wait3A_404, %dma_wait3A_405] : memref<2x64x128xf32, #tpu.memory_space<vmem>> -> memref<1x64x128xf32, #tpu.memory_space<vmem>>
      %dma_wait3A_407 = tpu.memref_squeeze %dma_wait3A_406 : memref<1x64x128xf32, #tpu.memory_space<vmem>> -> memref<64x128xf32, #tpu.memory_space<vmem>>
      tpu.wait_dma2 semaphore(%run_scoped3A_384 : memref<!tpu.dma_semaphore, #tpu.memory_space<semaphore_mem>>) src(%dma_wait3A_407 : memref<64x128xf32, #tpu.memory_space<vmem>>) dst(%dma_wait3A_403 : memref<64x128xf32, #tpu.memory_space<vmem_shared>>)
      tpu.yield
    }) : () -> ()
    %mul3A_29 = arith.constant 640 : i32
    %mul3A_30 = arith.muli %arg1, %mul3A_29 : i32
    %add3A_31 = arith.constant 320 : i32
    %add3A_32 = arith.addi %mul3A_30, %add3A_31 : i32
    %run_scoped3A_33 = arith.constant 0 : i32
    "tpu.region"() ({
      %run_scoped3A_384 = tpu.sem_alloc : memref<!tpu.dma_semaphore, #tpu.memory_space<semaphore_mem>>
      %dma_start3A_385 = arith.constant 0 : i32
      %dma_start3A_386 = arith.constant 0 : i32
      %dma_start3A_387 = tpu.memref_slice %arg9[%run_scoped3A_33, %dma_start3A_385, %dma_start3A_386] : memref<2x64x128xf32, #tpu.memory_space<vmem>> -> memref<1x64x128xf32, #tpu.memory_space<vmem>>
      %dma_start3A_388 = tpu.memref_squeeze %dma_start3A_387 : memref<1x64x128xf32, #tpu.memory_space<vmem>> -> memref<64x128xf32, #tpu.memory_space<vmem>>
      %dma_start3A_389 = arith.constant 0 : i32
      %dma_start3A_390 = tpu.memref_slice %arg12[%add3A_32, %dma_start3A_389] : memref<10240x128xf32, #tpu.memory_space<vmem_shared>> -> memref<64x128xf32, #tpu.memory_space<vmem_shared>>
      %dma_start3A_391 = arith.constant 0 : i32
      %dma_start3A_392 = tpu.memref_slice %arg12[%add3A_32, %dma_start3A_391] : memref<10240x128xf32, #tpu.memory_space<vmem_shared>> -> memref<64x128xf32, #tpu.memory_space<vmem_shared>>
      %dma_start3A_393 = arith.constant 0 : i32
      %dma_start3A_394 = arith.constant 0 : i32
      %dma_start3A_395 = tpu.memref_slice %arg9[%run_scoped3A_33, %dma_start3A_393, %dma_start3A_394] : memref<2x64x128xf32, #tpu.memory_space<vmem>> -> memref<1x64x128xf32, #tpu.memory_space<vmem>>
      %dma_start3A_396 = tpu.memref_squeeze %dma_start3A_395 : memref<1x64x128xf32, #tpu.memory_space<vmem>> -> memref<64x128xf32, #tpu.memory_space<vmem>>
      tpu.enqueue_dma source(%dma_start3A_396 : memref<64x128xf32, #tpu.memory_space<vmem>>) target(%dma_start3A_392 : memref<64x128xf32, #tpu.memory_space<vmem_shared>>) target_semaphore(%run_scoped3A_384 : memref<!tpu.dma_semaphore, #tpu.memory_space<semaphore_mem>>)
      %dma_wait3A = arith.constant 0 : i32
      %dma_wait3A_397 = arith.constant 0 : i32
      %dma_wait3A_398 = tpu.memref_slice %arg9[%run_scoped3A_33, %dma_wait3A, %dma_wait3A_397] : memref<2x64x128xf32, #tpu.memory_space<vmem>> -> memref<1x64x128xf32, #tpu.memory_space<vmem>>
      %dma_wait3A_399 = tpu.memref_squeeze %dma_wait3A_398 : memref<1x64x128xf32, #tpu.memory_space<vmem>> -> memref<64x128xf32, #tpu.memory_space<vmem>>
      %dma_wait3A_400 = arith.constant 0 : i32
      %dma_wait3A_401 = tpu.memref_slice %arg12[%add3A_32, %dma_wait3A_400] : memref<10240x128xf32, #tpu.memory_space<vmem_shared>> -> memref<64x128xf32, #tpu.memory_space<vmem_shared>>
      %dma_wait3A_402 = arith.constant 0 : i32
      %dma_wait3A_403 = tpu.memref_slice %arg12[%add3A_32, %dma_wait3A_402] : memref<10240x128xf32, #tpu.memory_space<vmem_shared>> -> memref<64x128xf32, #tpu.memory_space<vmem_shared>>
      %dma_wait3A_404 = arith.constant 0 : i32
      %dma_wait3A_405 = arith.constant 0 : i32
      %dma_wait3A_406 = tpu.memref_slice %arg9[%run_scoped3A_33, %dma_wait3A_404, %dma_wait3A_405] : memref<2x64x128xf32, #tpu.memory_space<vmem>> -> memref<1x64x128xf32, #tpu.memory_space<vmem>>
      %dma_wait3A_407 = tpu.memref_squeeze %dma_wait3A_406 : memref<1x64x128xf32, #tpu.memory_space<vmem>> -> memref<64x128xf32, #tpu.memory_space<vmem>>
      tpu.wait_dma2 semaphore(%run_scoped3A_384 : memref<!tpu.dma_semaphore, #tpu.memory_space<semaphore_mem>>) src(%dma_wait3A_407 : memref<64x128xf32, #tpu.memory_space<vmem>>) dst(%dma_wait3A_403 : memref<64x128xf32, #tpu.memory_space<vmem_shared>>)
      tpu.yield
    }) : () -> ()
    %mul3A_34 = arith.constant 640 : i32
    %mul3A_35 = arith.muli %arg1, %mul3A_34 : i32
    %add3A_36 = arith.constant 384 : i32
    %add3A_37 = arith.addi %mul3A_35, %add3A_36 : i32
    %run_scoped3A_38 = arith.constant 0 : i32
    "tpu.region"() ({
      %run_scoped3A_384 = tpu.sem_alloc : memref<!tpu.dma_semaphore, #tpu.memory_space<semaphore_mem>>
      %dma_start3A_385 = arith.constant 0 : i32
      %dma_start3A_386 = arith.constant 0 : i32
      %dma_start3A_387 = tpu.memref_slice %arg9[%run_scoped3A_38, %dma_start3A_385, %dma_start3A_386] : memref<2x64x128xf32, #tpu.memory_space<vmem>> -> memref<1x64x128xf32, #tpu.memory_space<vmem>>
      %dma_start3A_388 = tpu.memref_squeeze %dma_start3A_387 : memref<1x64x128xf32, #tpu.memory_space<vmem>> -> memref<64x128xf32, #tpu.memory_space<vmem>>
      %dma_start3A_389 = arith.constant 0 : i32
      %dma_start3A_390 = tpu.memref_slice %arg12[%add3A_37, %dma_start3A_389] : memref<10240x128xf32, #tpu.memory_space<vmem_shared>> -> memref<64x128xf32, #tpu.memory_space<vmem_shared>>
      %dma_start3A_391 = arith.constant 0 : i32
      %dma_start3A_392 = tpu.memref_slice %arg12[%add3A_37, %dma_start3A_391] : memref<10240x128xf32, #tpu.memory_space<vmem_shared>> -> memref<64x128xf32, #tpu.memory_space<vmem_shared>>
      %dma_start3A_393 = arith.constant 0 : i32
      %dma_start3A_394 = arith.constant 0 : i32
      %dma_start3A_395 = tpu.memref_slice %arg9[%run_scoped3A_38, %dma_start3A_393, %dma_start3A_394] : memref<2x64x128xf32, #tpu.memory_space<vmem>> -> memref<1x64x128xf32, #tpu.memory_space<vmem>>
      %dma_start3A_396 = tpu.memref_squeeze %dma_start3A_395 : memref<1x64x128xf32, #tpu.memory_space<vmem>> -> memref<64x128xf32, #tpu.memory_space<vmem>>
      tpu.enqueue_dma source(%dma_start3A_396 : memref<64x128xf32, #tpu.memory_space<vmem>>) target(%dma_start3A_392 : memref<64x128xf32, #tpu.memory_space<vmem_shared>>) target_semaphore(%run_scoped3A_384 : memref<!tpu.dma_semaphore, #tpu.memory_space<semaphore_mem>>)
      %dma_wait3A = arith.constant 0 : i32
      %dma_wait3A_397 = arith.constant 0 : i32
      %dma_wait3A_398 = tpu.memref_slice %arg9[%run_scoped3A_38, %dma_wait3A, %dma_wait3A_397] : memref<2x64x128xf32, #tpu.memory_space<vmem>> -> memref<1x64x128xf32, #tpu.memory_space<vmem>>
      %dma_wait3A_399 = tpu.memref_squeeze %dma_wait3A_398 : memref<1x64x128xf32, #tpu.memory_space<vmem>> -> memref<64x128xf32, #tpu.memory_space<vmem>>
      %dma_wait3A_400 = arith.constant 0 : i32
      %dma_wait3A_401 = tpu.memref_slice %arg12[%add3A_37, %dma_wait3A_400] : memref<10240x128xf32, #tpu.memory_space<vmem_shared>> -> memref<64x128xf32, #tpu.memory_space<vmem_shared>>
      %dma_wait3A_402 = arith.constant 0 : i32
      %dma_wait3A_403 = tpu.memref_slice %arg12[%add3A_37, %dma_wait3A_402] : memref<10240x128xf32, #tpu.memory_space<vmem_shared>> -> memref<64x128xf32, #tpu.memory_space<vmem_shared>>
      %dma_wait3A_404 = arith.constant 0 : i32
      %dma_wait3A_405 = arith.constant 0 : i32
      %dma_wait3A_406 = tpu.memref_slice %arg9[%run_scoped3A_38, %dma_wait3A_404, %dma_wait3A_405] : memref<2x64x128xf32, #tpu.memory_space<vmem>> -> memref<1x64x128xf32, #tpu.memory_space<vmem>>
      %dma_wait3A_407 = tpu.memref_squeeze %dma_wait3A_406 : memref<1x64x128xf32, #tpu.memory_space<vmem>> -> memref<64x128xf32, #tpu.memory_space<vmem>>
      tpu.wait_dma2 semaphore(%run_scoped3A_384 : memref<!tpu.dma_semaphore, #tpu.memory_space<semaphore_mem>>) src(%dma_wait3A_407 : memref<64x128xf32, #tpu.memory_space<vmem>>) dst(%dma_wait3A_403 : memref<64x128xf32, #tpu.memory_space<vmem_shared>>)
      tpu.yield
    }) : () -> ()
    %mul3A_39 = arith.constant 640 : i32
    %mul3A_40 = arith.muli %arg1, %mul3A_39 : i32
    %add3A_41 = arith.constant 448 : i32
    %add3A_42 = arith.addi %mul3A_40, %add3A_41 : i32
    %run_scoped3A_43 = arith.constant 0 : i32
    "tpu.region"() ({
      %run_scoped3A_384 = tpu.sem_alloc : memref<!tpu.dma_semaphore, #tpu.memory_space<semaphore_mem>>
      %dma_start3A_385 = arith.constant 0 : i32
      %dma_start3A_386 = arith.constant 0 : i32
      %dma_start3A_387 = tpu.memref_slice %arg9[%run_scoped3A_43, %dma_start3A_385, %dma_start3A_386] : memref<2x64x128xf32, #tpu.memory_space<vmem>> -> memref<1x64x128xf32, #tpu.memory_space<vmem>>
      %dma_start3A_388 = tpu.memref_squeeze %dma_start3A_387 : memref<1x64x128xf32, #tpu.memory_space<vmem>> -> memref<64x128xf32, #tpu.memory_space<vmem>>
      %dma_start3A_389 = arith.constant 0 : i32
      %dma_start3A_390 = tpu.memref_slice %arg12[%add3A_42, %dma_start3A_389] : memref<10240x128xf32, #tpu.memory_space<vmem_shared>> -> memref<64x128xf32, #tpu.memory_space<vmem_shared>>
      %dma_start3A_391 = arith.constant 0 : i32
      %dma_start3A_392 = tpu.memref_slice %arg12[%add3A_42, %dma_start3A_391] : memref<10240x128xf32, #tpu.memory_space<vmem_shared>> -> memref<64x128xf32, #tpu.memory_space<vmem_shared>>
      %dma_start3A_393 = arith.constant 0 : i32
      %dma_start3A_394 = arith.constant 0 : i32
      %dma_start3A_395 = tpu.memref_slice %arg9[%run_scoped3A_43, %dma_start3A_393, %dma_start3A_394] : memref<2x64x128xf32, #tpu.memory_space<vmem>> -> memref<1x64x128xf32, #tpu.memory_space<vmem>>
      %dma_start3A_396 = tpu.memref_squeeze %dma_start3A_395 : memref<1x64x128xf32, #tpu.memory_space<vmem>> -> memref<64x128xf32, #tpu.memory_space<vmem>>
      tpu.enqueue_dma source(%dma_start3A_396 : memref<64x128xf32, #tpu.memory_space<vmem>>) target(%dma_start3A_392 : memref<64x128xf32, #tpu.memory_space<vmem_shared>>) target_semaphore(%run_scoped3A_384 : memref<!tpu.dma_semaphore, #tpu.memory_space<semaphore_mem>>)
      %dma_wait3A = arith.constant 0 : i32
      %dma_wait3A_397 = arith.constant 0 : i32
      %dma_wait3A_398 = tpu.memref_slice %arg9[%run_scoped3A_43, %dma_wait3A, %dma_wait3A_397] : memref<2x64x128xf32, #tpu.memory_space<vmem>> -> memref<1x64x128xf32, #tpu.memory_space<vmem>>
      %dma_wait3A_399 = tpu.memref_squeeze %dma_wait3A_398 : memref<1x64x128xf32, #tpu.memory_space<vmem>> -> memref<64x128xf32, #tpu.memory_space<vmem>>
      %dma_wait3A_400 = arith.constant 0 : i32
      %dma_wait3A_401 = tpu.memref_slice %arg12[%add3A_42, %dma_wait3A_400] : memref<10240x128xf32, #tpu.memory_space<vmem_shared>> -> memref<64x128xf32, #tpu.memory_space<vmem_shared>>
      %dma_wait3A_402 = arith.constant 0 : i32
      %dma_wait3A_403 = tpu.memref_slice %arg12[%add3A_42, %dma_wait3A_402] : memref<10240x128xf32, #tpu.memory_space<vmem_shared>> -> memref<64x128xf32, #tpu.memory_space<vmem_shared>>
      %dma_wait3A_404 = arith.constant 0 : i32
      %dma_wait3A_405 = arith.constant 0 : i32
      %dma_wait3A_406 = tpu.memref_slice %arg9[%run_scoped3A_43, %dma_wait3A_404, %dma_wait3A_405] : memref<2x64x128xf32, #tpu.memory_space<vmem>> -> memref<1x64x128xf32, #tpu.memory_space<vmem>>
      %dma_wait3A_407 = tpu.memref_squeeze %dma_wait3A_406 : memref<1x64x128xf32, #tpu.memory_space<vmem>> -> memref<64x128xf32, #tpu.memory_space<vmem>>
      tpu.wait_dma2 semaphore(%run_scoped3A_384 : memref<!tpu.dma_semaphore, #tpu.memory_space<semaphore_mem>>) src(%dma_wait3A_407 : memref<64x128xf32, #tpu.memory_space<vmem>>) dst(%dma_wait3A_403 : memref<64x128xf32, #tpu.memory_space<vmem_shared>>)
      tpu.yield
    }) : () -> ()
    %mul3A_44 = arith.constant 640 : i32
    %mul3A_45 = arith.muli %arg1, %mul3A_44 : i32
    %add3A_46 = arith.constant 512 : i32
    %add3A_47 = arith.addi %mul3A_45, %add3A_46 : i32
    %run_scoped3A_48 = arith.constant 0 : i32
    "tpu.region"() ({
      %run_scoped3A_384 = tpu.sem_alloc : memref<!tpu.dma_semaphore, #tpu.memory_space<semaphore_mem>>
      %dma_start3A_385 = arith.constant 0 : i32
      %dma_start3A_386 = arith.constant 0 : i32
      %dma_start3A_387 = tpu.memref_slice %arg9[%run_scoped3A_48, %dma_start3A_385, %dma_start3A_386] : memref<2x64x128xf32, #tpu.memory_space<vmem>> -> memref<1x64x128xf32, #tpu.memory_space<vmem>>
      %dma_start3A_388 = tpu.memref_squeeze %dma_start3A_387 : memref<1x64x128xf32, #tpu.memory_space<vmem>> -> memref<64x128xf32, #tpu.memory_space<vmem>>
      %dma_start3A_389 = arith.constant 0 : i32
      %dma_start3A_390 = tpu.memref_slice %arg12[%add3A_47, %dma_start3A_389] : memref<10240x128xf32, #tpu.memory_space<vmem_shared>> -> memref<64x128xf32, #tpu.memory_space<vmem_shared>>
      %dma_start3A_391 = arith.constant 0 : i32
      %dma_start3A_392 = tpu.memref_slice %arg12[%add3A_47, %dma_start3A_391] : memref<10240x128xf32, #tpu.memory_space<vmem_shared>> -> memref<64x128xf32, #tpu.memory_space<vmem_shared>>
      %dma_start3A_393 = arith.constant 0 : i32
      %dma_start3A_394 = arith.constant 0 : i32
      %dma_start3A_395 = tpu.memref_slice %arg9[%run_scoped3A_48, %dma_start3A_393, %dma_start3A_394] : memref<2x64x128xf32, #tpu.memory_space<vmem>> -> memref<1x64x128xf32, #tpu.memory_space<vmem>>
      %dma_start3A_396 = tpu.memref_squeeze %dma_start3A_395 : memref<1x64x128xf32, #tpu.memory_space<vmem>> -> memref<64x128xf32, #tpu.memory_space<vmem>>
      tpu.enqueue_dma source(%dma_start3A_396 : memref<64x128xf32, #tpu.memory_space<vmem>>) target(%dma_start3A_392 : memref<64x128xf32, #tpu.memory_space<vmem_shared>>) target_semaphore(%run_scoped3A_384 : memref<!tpu.dma_semaphore, #tpu.memory_space<semaphore_mem>>)
      %dma_wait3A = arith.constant 0 : i32
      %dma_wait3A_397 = arith.constant 0 : i32
      %dma_wait3A_398 = tpu.memref_slice %arg9[%run_scoped3A_48, %dma_wait3A, %dma_wait3A_397] : memref<2x64x128xf32, #tpu.memory_space<vmem>> -> memref<1x64x128xf32, #tpu.memory_space<vmem>>
      %dma_wait3A_399 = tpu.memref_squeeze %dma_wait3A_398 : memref<1x64x128xf32, #tpu.memory_space<vmem>> -> memref<64x128xf32, #tpu.memory_space<vmem>>
      %dma_wait3A_400 = arith.constant 0 : i32
      %dma_wait3A_401 = tpu.memref_slice %arg12[%add3A_47, %dma_wait3A_400] : memref<10240x128xf32, #tpu.memory_space<vmem_shared>> -> memref<64x128xf32, #tpu.memory_space<vmem_shared>>
      %dma_wait3A_402 = arith.constant 0 : i32
      %dma_wait3A_403 = tpu.memref_slice %arg12[%add3A_47, %dma_wait3A_402] : memref<10240x128xf32, #tpu.memory_space<vmem_shared>> -> memref<64x128xf32, #tpu.memory_space<vmem_shared>>
      %dma_wait3A_404 = arith.constant 0 : i32
      %dma_wait3A_405 = arith.constant 0 : i32
      %dma_wait3A_406 = tpu.memref_slice %arg9[%run_scoped3A_48, %dma_wait3A_404, %dma_wait3A_405] : memref<2x64x128xf32, #tpu.memory_space<vmem>> -> memref<1x64x128xf32, #tpu.memory_space<vmem>>
      %dma_wait3A_407 = tpu.memref_squeeze %dma_wait3A_406 : memref<1x64x128xf32, #tpu.memory_space<vmem>> -> memref<64x128xf32, #tpu.memory_space<vmem>>
      tpu.wait_dma2 semaphore(%run_scoped3A_384 : memref<!tpu.dma_semaphore, #tpu.memory_space<semaphore_mem>>) src(%dma_wait3A_407 : memref<64x128xf32, #tpu.memory_space<vmem>>) dst(%dma_wait3A_403 : memref<64x128xf32, #tpu.memory_space<vmem_shared>>)
      tpu.yield
    }) : () -> ()
    %mul3A_49 = arith.constant 640 : i32
    %mul3A_50 = arith.muli %arg1, %mul3A_49 : i32
    %add3A_51 = arith.constant 576 : i32
    %add3A_52 = arith.addi %mul3A_50, %add3A_51 : i32
    %run_scoped3A_53 = arith.constant 0 : i32
    "tpu.region"() ({
      %run_scoped3A_384 = tpu.sem_alloc : memref<!tpu.dma_semaphore, #tpu.memory_space<semaphore_mem>>
      %dma_start3A_385 = arith.constant 0 : i32
      %dma_start3A_386 = arith.constant 0 : i32
      %dma_start3A_387 = tpu.memref_slice %arg9[%run_scoped3A_53, %dma_start3A_385, %dma_start3A_386] : memref<2x64x128xf32, #tpu.memory_space<vmem>> -> memref<1x64x128xf32, #tpu.memory_space<vmem>>
      %dma_start3A_388 = tpu.memref_squeeze %dma_start3A_387 : memref<1x64x128xf32, #tpu.memory_space<vmem>> -> memref<64x128xf32, #tpu.memory_space<vmem>>
      %dma_start3A_389 = arith.constant 0 : i32
      %dma_start3A_390 = tpu.memref_slice %arg12[%add3A_52, %dma_start3A_389] : memref<10240x128xf32, #tpu.memory_space<vmem_shared>> -> memref<64x128xf32, #tpu.memory_space<vmem_shared>>
      %dma_start3A_391 = arith.constant 0 : i32
      %dma_start3A_392 = tpu.memref_slice %arg12[%add3A_52, %dma_start3A_391] : memref<10240x128xf32, #tpu.memory_space<vmem_shared>> -> memref<64x128xf32, #tpu.memory_space<vmem_shared>>
      %dma_start3A_393 = arith.constant 0 : i32
      %dma_start3A_394 = arith.constant 0 : i32
      %dma_start3A_395 = tpu.memref_slice %arg9[%run_scoped3A_53, %dma_start3A_393, %dma_start3A_394] : memref<2x64x128xf32, #tpu.memory_space<vmem>> -> memref<1x64x128xf32, #tpu.memory_space<vmem>>
      %dma_start3A_396 = tpu.memref_squeeze %dma_start3A_395 : memref<1x64x128xf32, #tpu.memory_space<vmem>> -> memref<64x128xf32, #tpu.memory_space<vmem>>
      tpu.enqueue_dma source(%dma_start3A_396 : memref<64x128xf32, #tpu.memory_space<vmem>>) target(%dma_start3A_392 : memref<64x128xf32, #tpu.memory_space<vmem_shared>>) target_semaphore(%run_scoped3A_384 : memref<!tpu.dma_semaphore, #tpu.memory_space<semaphore_mem>>)
      %dma_wait3A = arith.constant 0 : i32
      %dma_wait3A_397 = arith.constant 0 : i32
      %dma_wait3A_398 = tpu.memref_slice %arg9[%run_scoped3A_53, %dma_wait3A, %dma_wait3A_397] : memref<2x64x128xf32, #tpu.memory_space<vmem>> -> memref<1x64x128xf32, #tpu.memory_space<vmem>>
      %dma_wait3A_399 = tpu.memref_squeeze %dma_wait3A_398 : memref<1x64x128xf32, #tpu.memory_space<vmem>> -> memref<64x128xf32, #tpu.memory_space<vmem>>
      %dma_wait3A_400 = arith.constant 0 : i32
      %dma_wait3A_401 = tpu.memref_slice %arg12[%add3A_52, %dma_wait3A_400] : memref<10240x128xf32, #tpu.memory_space<vmem_shared>> -> memref<64x128xf32, #tpu.memory_space<vmem_shared>>
      %dma_wait3A_402 = arith.constant 0 : i32
      %dma_wait3A_403 = tpu.memref_slice %arg12[%add3A_52, %dma_wait3A_402] : memref<10240x128xf32, #tpu.memory_space<vmem_shared>> -> memref<64x128xf32, #tpu.memory_space<vmem_shared>>
      %dma_wait3A_404 = arith.constant 0 : i32
      %dma_wait3A_405 = arith.constant 0 : i32
      %dma_wait3A_406 = tpu.memref_slice %arg9[%run_scoped3A_53, %dma_wait3A_404, %dma_wait3A_405] : memref<2x64x128xf32, #tpu.memory_space<vmem>> -> memref<1x64x128xf32, #tpu.memory_space<vmem>>
      %dma_wait3A_407 = tpu.memref_squeeze %dma_wait3A_406 : memref<1x64x128xf32, #tpu.memory_space<vmem>> -> memref<64x128xf32, #tpu.memory_space<vmem>>
      tpu.wait_dma2 semaphore(%run_scoped3A_384 : memref<!tpu.dma_semaphore, #tpu.memory_space<semaphore_mem>>) src(%dma_wait3A_407 : memref<64x128xf32, #tpu.memory_space<vmem>>) dst(%dma_wait3A_403 : memref<64x128xf32, #tpu.memory_space<vmem_shared>>)
      tpu.yield
    }) : () -> ()
    %swap3A = arith.constant 0 : index
    %swap3A_54 = tpu.vector_load %arg11[%swap3A] {strides = array<i32>} : memref<1024xf32, #tpu.memory_space<vmem>>, vector<16xf32>,
    %swap3A_55 = vector.shape_cast %swap3A_54 : vector<16xf32> to vector<16xf32>
    %swap3A_56 = vector.shape_cast %broadcast_in_dim3A_0 : vector<16xf32> to vector<16xf32>
    tpu.vector_store %arg11[%swap3A], %swap3A_56 {strides = array<i32>} : memref<1024xf32, #tpu.memory_space<vmem>>, vector<16xf32>,
    %swap3A_57 = arith.constant 16 : index
    %swap3A_58 = tpu.vector_load %arg11[%swap3A_57] {strides = array<i32>} : memref<1024xf32, #tpu.memory_space<vmem>>, vector<16xf32>,
    %swap3A_59 = vector.shape_cast %swap3A_58 : vector<16xf32> to vector<16xf32>
    %swap3A_60 = vector.shape_cast %broadcast_in_dim3A_0 : vector<16xf32> to vector<16xf32>
    tpu.vector_store %arg11[%swap3A_57], %swap3A_60 {strides = array<i32>} : memref<1024xf32, #tpu.memory_space<vmem>>, vector<16xf32>,
    %swap3A_61 = arith.constant 32 : index
    %swap3A_62 = tpu.vector_load %arg11[%swap3A_61] {strides = array<i32>} : memref<1024xf32, #tpu.memory_space<vmem>>, vector<16xf32>,
    %swap3A_63 = vector.shape_cast %swap3A_62 : vector<16xf32> to vector<16xf32>
    %swap3A_64 = vector.shape_cast %broadcast_in_dim3A_0 : vector<16xf32> to vector<16xf32>
    tpu.vector_store %arg11[%swap3A_61], %swap3A_64 {strides = array<i32>} : memref<1024xf32, #tpu.memory_space<vmem>>, vector<16xf32>,
    %swap3A_65 = arith.constant 48 : index
    %swap3A_66 = tpu.vector_load %arg11[%swap3A_65] {strides = array<i32>} : memref<1024xf32, #tpu.memory_space<vmem>>, vector<16xf32>,
    %swap3A_67 = vector.shape_cast %swap3A_66 : vector<16xf32> to vector<16xf32>
    %swap3A_68 = vector.shape_cast %broadcast_in_dim3A_0 : vector<16xf32> to vector<16xf32>
    tpu.vector_store %arg11[%swap3A_65], %swap3A_68 {strides = array<i32>} : memref<1024xf32, #tpu.memory_space<vmem>>, vector<16xf32>,
    %swap3A_69 = arith.constant 64 : index
    %swap3A_70 = tpu.vector_load %arg11[%swap3A_69] {strides = array<i32>} : memref<1024xf32, #tpu.memory_space<vmem>>, vector<16xf32>,
    %swap3A_71 = vector.shape_cast %swap3A_70 : vector<16xf32> to vector<16xf32>
    %swap3A_72 = vector.shape_cast %broadcast_in_dim3A_0 : vector<16xf32> to vector<16xf32>
    tpu.vector_store %arg11[%swap3A_69], %swap3A_72 {strides = array<i32>} : memref<1024xf32, #tpu.memory_space<vmem>>, vector<16xf32>,
    %swap3A_73 = arith.constant 80 : index
    %swap3A_74 = tpu.vector_load %arg11[%swap3A_73] {strides = array<i32>} : memref<1024xf32, #tpu.memory_space<vmem>>, vector<16xf32>,
    %swap3A_75 = vector.shape_cast %swap3A_74 : vector<16xf32> to vector<16xf32>
    %swap3A_76 = vector.shape_cast %broadcast_in_dim3A_0 : vector<16xf32> to vector<16xf32>
    tpu.vector_store %arg11[%swap3A_73], %swap3A_76 {strides = array<i32>} : memref<1024xf32, #tpu.memory_space<vmem>>, vector<16xf32>,
    %swap3A_77 = arith.constant 96 : index
    %swap3A_78 = tpu.vector_load %arg11[%swap3A_77] {strides = array<i32>} : memref<1024xf32, #tpu.memory_space<vmem>>, vector<16xf32>,
    %swap3A_79 = vector.shape_cast %swap3A_78 : vector<16xf32> to vector<16xf32>
    %swap3A_80 = vector.shape_cast %broadcast_in_dim3A_0 : vector<16xf32> to vector<16xf32>
    tpu.vector_store %arg11[%swap3A_77], %swap3A_80 {strides = array<i32>} : memref<1024xf32, #tpu.memory_space<vmem>>, vector<16xf32>,
    %swap3A_81 = arith.constant 112 : index
    %swap3A_82 = tpu.vector_load %arg11[%swap3A_81] {strides = array<i32>} : memref<1024xf32, #tpu.memory_space<vmem>>, vector<16xf32>,
    %swap3A_83 = vector.shape_cast %swap3A_82 : vector<16xf32> to vector<16xf32>
    %swap3A_84 = vector.shape_cast %broadcast_in_dim3A_0 : vector<16xf32> to vector<16xf32>
    tpu.vector_store %arg11[%swap3A_81], %swap3A_84 {strides = array<i32>} : memref<1024xf32, #tpu.memory_space<vmem>>, vector<16xf32>,
    %swap3A_85 = arith.constant 128 : index
    %swap3A_86 = tpu.vector_load %arg11[%swap3A_85] {strides = array<i32>} : memref<1024xf32, #tpu.memory_space<vmem>>, vector<16xf32>,
    %swap3A_87 = vector.shape_cast %swap3A_86 : vector<16xf32> to vector<16xf32>
    %swap3A_88 = vector.shape_cast %broadcast_in_dim3A_0 : vector<16xf32> to vector<16xf32>
    tpu.vector_store %arg11[%swap3A_85], %swap3A_88 {strides = array<i32>} : memref<1024xf32, #tpu.memory_space<vmem>>, vector<16xf32>,
    %swap3A_89 = arith.constant 144 : index
    %swap3A_90 = tpu.vector_load %arg11[%swap3A_89] {strides = array<i32>} : memref<1024xf32, #tpu.memory_space<vmem>>, vector<16xf32>,
    %swap3A_91 = vector.shape_cast %swap3A_90 : vector<16xf32> to vector<16xf32>
    %swap3A_92 = vector.shape_cast %broadcast_in_dim3A_0 : vector<16xf32> to vector<16xf32>
    tpu.vector_store %arg11[%swap3A_89], %swap3A_92 {strides = array<i32>} : memref<1024xf32, #tpu.memory_space<vmem>>, vector<16xf32>,
    %swap3A_93 = arith.constant 160 : index
    %swap3A_94 = tpu.vector_load %arg11[%swap3A_93] {strides = array<i32>} : memref<1024xf32, #tpu.memory_space<vmem>>, vector<16xf32>,
    %swap3A_95 = vector.shape_cast %swap3A_94 : vector<16xf32> to vector<16xf32>
    %swap3A_96 = vector.shape_cast %broadcast_in_dim3A_0 : vector<16xf32> to vector<16xf32>
    tpu.vector_store %arg11[%swap3A_93], %swap3A_96 {strides = array<i32>} : memref<1024xf32, #tpu.memory_space<vmem>>, vector<16xf32>,
    %swap3A_97 = arith.constant 176 : index
    %swap3A_98 = tpu.vector_load %arg11[%swap3A_97] {strides = array<i32>} : memref<1024xf32, #tpu.memory_space<vmem>>, vector<16xf32>,
    %swap3A_99 = vector.shape_cast %swap3A_98 : vector<16xf32> to vector<16xf32>
    %swap3A_100 = vector.shape_cast %broadcast_in_dim3A_0 : vector<16xf32> to vector<16xf32>
    tpu.vector_store %arg11[%swap3A_97], %swap3A_100 {strides = array<i32>} : memref<1024xf32, #tpu.memory_space<vmem>>, vector<16xf32>,
    %swap3A_101 = arith.constant 192 : index
    %swap3A_102 = tpu.vector_load %arg11[%swap3A_101] {strides = array<i32>} : memref<1024xf32, #tpu.memory_space<vmem>>, vector<16xf32>,
    %swap3A_103 = vector.shape_cast %swap3A_102 : vector<16xf32> to vector<16xf32>
    %swap3A_104 = vector.shape_cast %broadcast_in_dim3A_0 : vector<16xf32> to vector<16xf32>
    tpu.vector_store %arg11[%swap3A_101], %swap3A_104 {strides = array<i32>} : memref<1024xf32, #tpu.memory_space<vmem>>, vector<16xf32>,
    %swap3A_105 = arith.constant 208 : index
    %swap3A_106 = tpu.vector_load %arg11[%swap3A_105] {strides = array<i32>} : memref<1024xf32, #tpu.memory_space<vmem>>, vector<16xf32>,
    %swap3A_107 = vector.shape_cast %swap3A_106 : vector<16xf32> to vector<16xf32>
    %swap3A_108 = vector.shape_cast %broadcast_in_dim3A_0 : vector<16xf32> to vector<16xf32>
    tpu.vector_store %arg11[%swap3A_105], %swap3A_108 {strides = array<i32>} : memref<1024xf32, #tpu.memory_space<vmem>>, vector<16xf32>,
    %swap3A_109 = arith.constant 224 : index
    %swap3A_110 = tpu.vector_load %arg11[%swap3A_109] {strides = array<i32>} : memref<1024xf32, #tpu.memory_space<vmem>>, vector<16xf32>,
    %swap3A_111 = vector.shape_cast %swap3A_110 : vector<16xf32> to vector<16xf32>
    %swap3A_112 = vector.shape_cast %broadcast_in_dim3A_0 : vector<16xf32> to vector<16xf32>
    tpu.vector_store %arg11[%swap3A_109], %swap3A_112 {strides = array<i32>} : memref<1024xf32, #tpu.memory_space<vmem>>, vector<16xf32>,
    %swap3A_113 = arith.constant 240 : index
    %swap3A_114 = tpu.vector_load %arg11[%swap3A_113] {strides = array<i32>} : memref<1024xf32, #tpu.memory_space<vmem>>, vector<16xf32>,
    %swap3A_115 = vector.shape_cast %swap3A_114 : vector<16xf32> to vector<16xf32>
    %swap3A_116 = vector.shape_cast %broadcast_in_dim3A_0 : vector<16xf32> to vector<16xf32>
    tpu.vector_store %arg11[%swap3A_113], %swap3A_116 {strides = array<i32>} : memref<1024xf32, #tpu.memory_space<vmem>>, vector<16xf32>,
    %swap3A_117 = arith.constant 256 : index
    %swap3A_118 = tpu.vector_load %arg11[%swap3A_117] {strides = array<i32>} : memref<1024xf32, #tpu.memory_space<vmem>>, vector<16xf32>,
    %swap3A_119 = vector.shape_cast %swap3A_118 : vector<16xf32> to vector<16xf32>
    %swap3A_120 = vector.shape_cast %broadcast_in_dim3A_0 : vector<16xf32> to vector<16xf32>
    tpu.vector_store %arg11[%swap3A_117], %swap3A_120 {strides = array<i32>} : memref<1024xf32, #tpu.memory_space<vmem>>, vector<16xf32>,
    %swap3A_121 = arith.constant 272 : index
    %swap3A_122 = tpu.vector_load %arg11[%swap3A_121] {strides = array<i32>} : memref<1024xf32, #tpu.memory_space<vmem>>, vector<16xf32>,
    %swap3A_123 = vector.shape_cast %swap3A_122 : vector<16xf32> to vector<16xf32>
    %swap3A_124 = vector.shape_cast %broadcast_in_dim3A_0 : vector<16xf32> to vector<16xf32>
    tpu.vector_store %arg11[%swap3A_121], %swap3A_124 {strides = array<i32>} : memref<1024xf32, #tpu.memory_space<vmem>>, vector<16xf32>,
    %swap3A_125 = arith.constant 288 : index
    %swap3A_126 = tpu.vector_load %arg11[%swap3A_125] {strides = array<i32>} : memref<1024xf32, #tpu.memory_space<vmem>>, vector<16xf32>,
    %swap3A_127 = vector.shape_cast %swap3A_126 : vector<16xf32> to vector<16xf32>
    %swap3A_128 = vector.shape_cast %broadcast_in_dim3A_0 : vector<16xf32> to vector<16xf32>
    tpu.vector_store %arg11[%swap3A_125], %swap3A_128 {strides = array<i32>} : memref<1024xf32, #tpu.memory_space<vmem>>, vector<16xf32>,
    %swap3A_129 = arith.constant 304 : index
    %swap3A_130 = tpu.vector_load %arg11[%swap3A_129] {strides = array<i32>} : memref<1024xf32, #tpu.memory_space<vmem>>, vector<16xf32>,
    %swap3A_131 = vector.shape_cast %swap3A_130 : vector<16xf32> to vector<16xf32>
    %swap3A_132 = vector.shape_cast %broadcast_in_dim3A_0 : vector<16xf32> to vector<16xf32>
    tpu.vector_store %arg11[%swap3A_129], %swap3A_132 {strides = array<i32>} : memref<1024xf32, #tpu.memory_space<vmem>>, vector<16xf32>,
    %swap3A_133 = arith.constant 320 : index
    %swap3A_134 = tpu.vector_load %arg11[%swap3A_133] {strides = array<i32>} : memref<1024xf32, #tpu.memory_space<vmem>>, vector<16xf32>,
    %swap3A_135 = vector.shape_cast %swap3A_134 : vector<16xf32> to vector<16xf32>
    %swap3A_136 = vector.shape_cast %broadcast_in_dim3A_0 : vector<16xf32> to vector<16xf32>
    tpu.vector_store %arg11[%swap3A_133], %swap3A_136 {strides = array<i32>} : memref<1024xf32, #tpu.memory_space<vmem>>, vector<16xf32>,
    %swap3A_137 = arith.constant 336 : index
    %swap3A_138 = tpu.vector_load %arg11[%swap3A_137] {strides = array<i32>} : memref<1024xf32, #tpu.memory_space<vmem>>, vector<16xf32>,
    %swap3A_139 = vector.shape_cast %swap3A_138 : vector<16xf32> to vector<16xf32>
    %swap3A_140 = vector.shape_cast %broadcast_in_dim3A_0 : vector<16xf32> to vector<16xf32>
    tpu.vector_store %arg11[%swap3A_137], %swap3A_140 {strides = array<i32>} : memref<1024xf32, #tpu.memory_space<vmem>>, vector<16xf32>,
    %swap3A_141 = arith.constant 352 : index
    %swap3A_142 = tpu.vector_load %arg11[%swap3A_141] {strides = array<i32>} : memref<1024xf32, #tpu.memory_space<vmem>>, vector<16xf32>,
    %swap3A_143 = vector.shape_cast %swap3A_142 : vector<16xf32> to vector<16xf32>
    %swap3A_144 = vector.shape_cast %broadcast_in_dim3A_0 : vector<16xf32> to vector<16xf32>
    tpu.vector_store %arg11[%swap3A_141], %swap3A_144 {strides = array<i32>} : memref<1024xf32, #tpu.memory_space<vmem>>, vector<16xf32>,
    %swap3A_145 = arith.constant 368 : index
    %swap3A_146 = tpu.vector_load %arg11[%swap3A_145] {strides = array<i32>} : memref<1024xf32, #tpu.memory_space<vmem>>, vector<16xf32>,
    %swap3A_147 = vector.shape_cast %swap3A_146 : vector<16xf32> to vector<16xf32>
    %swap3A_148 = vector.shape_cast %broadcast_in_dim3A_0 : vector<16xf32> to vector<16xf32>
    tpu.vector_store %arg11[%swap3A_145], %swap3A_148 {strides = array<i32>} : memref<1024xf32, #tpu.memory_space<vmem>>, vector<16xf32>,
    %swap3A_149 = arith.constant 384 : index
    %swap3A_150 = tpu.vector_load %arg11[%swap3A_149] {strides = array<i32>} : memref<1024xf32, #tpu.memory_space<vmem>>, vector<16xf32>,
    %swap3A_151 = vector.shape_cast %swap3A_150 : vector<16xf32> to vector<16xf32>
    %swap3A_152 = vector.shape_cast %broadcast_in_dim3A_0 : vector<16xf32> to vector<16xf32>
    tpu.vector_store %arg11[%swap3A_149], %swap3A_152 {strides = array<i32>} : memref<1024xf32, #tpu.memory_space<vmem>>, vector<16xf32>,
    %swap3A_153 = arith.constant 400 : index
    %swap3A_154 = tpu.vector_load %arg11[%swap3A_153] {strides = array<i32>} : memref<1024xf32, #tpu.memory_space<vmem>>, vector<16xf32>,
    %swap3A_155 = vector.shape_cast %swap3A_154 : vector<16xf32> to vector<16xf32>
    %swap3A_156 = vector.shape_cast %broadcast_in_dim3A_0 : vector<16xf32> to vector<16xf32>
    tpu.vector_store %arg11[%swap3A_153], %swap3A_156 {strides = array<i32>} : memref<1024xf32, #tpu.memory_space<vmem>>, vector<16xf32>,
    %swap3A_157 = arith.constant 416 : index
    %swap3A_158 = tpu.vector_load %arg11[%swap3A_157] {strides = array<i32>} : memref<1024xf32, #tpu.memory_space<vmem>>, vector<16xf32>,
    %swap3A_159 = vector.shape_cast %swap3A_158 : vector<16xf32> to vector<16xf32>
    %swap3A_160 = vector.shape_cast %broadcast_in_dim3A_0 : vector<16xf32> to vector<16xf32>
    tpu.vector_store %arg11[%swap3A_157], %swap3A_160 {strides = array<i32>} : memref<1024xf32, #tpu.memory_space<vmem>>, vector<16xf32>,
    %swap3A_161 = arith.constant 432 : index
    %swap3A_162 = tpu.vector_load %arg11[%swap3A_161] {strides = array<i32>} : memref<1024xf32, #tpu.memory_space<vmem>>, vector<16xf32>,
    %swap3A_163 = vector.shape_cast %swap3A_162 : vector<16xf32> to vector<16xf32>
    %swap3A_164 = vector.shape_cast %broadcast_in_dim3A_0 : vector<16xf32> to vector<16xf32>
    tpu.vector_store %arg11[%swap3A_161], %swap3A_164 {strides = array<i32>} : memref<1024xf32, #tpu.memory_space<vmem>>, vector<16xf32>,
    %swap3A_165 = arith.constant 448 : index
    %swap3A_166 = tpu.vector_load %arg11[%swap3A_165] {strides = array<i32>} : memref<1024xf32, #tpu.memory_space<vmem>>, vector<16xf32>,
    %swap3A_167 = vector.shape_cast %swap3A_166 : vector<16xf32> to vector<16xf32>
    %swap3A_168 = vector.shape_cast %broadcast_in_dim3A_0 : vector<16xf32> to vector<16xf32>
    tpu.vector_store %arg11[%swap3A_165], %swap3A_168 {strides = array<i32>} : memref<1024xf32, #tpu.memory_space<vmem>>, vector<16xf32>,
    %swap3A_169 = arith.constant 464 : index
    %swap3A_170 = tpu.vector_load %arg11[%swap3A_169] {strides = array<i32>} : memref<1024xf32, #tpu.memory_space<vmem>>, vector<16xf32>,
    %swap3A_171 = vector.shape_cast %swap3A_170 : vector<16xf32> to vector<16xf32>
    %swap3A_172 = vector.shape_cast %broadcast_in_dim3A_0 : vector<16xf32> to vector<16xf32>
    tpu.vector_store %arg11[%swap3A_169], %swap3A_172 {strides = array<i32>} : memref<1024xf32, #tpu.memory_space<vmem>>, vector<16xf32>,
    %swap3A_173 = arith.constant 480 : index
    %swap3A_174 = tpu.vector_load %arg11[%swap3A_173] {strides = array<i32>} : memref<1024xf32, #tpu.memory_space<vmem>>, vector<16xf32>,
    %swap3A_175 = vector.shape_cast %swap3A_174 : vector<16xf32> to vector<16xf32>
    %swap3A_176 = vector.shape_cast %broadcast_in_dim3A_0 : vector<16xf32> to vector<16xf32>
    tpu.vector_store %arg11[%swap3A_173], %swap3A_176 {strides = array<i32>} : memref<1024xf32, #tpu.memory_space<vmem>>, vector<16xf32>,
    %swap3A_177 = arith.constant 496 : index
    %swap3A_178 = tpu.vector_load %arg11[%swap3A_177] {strides = array<i32>} : memref<1024xf32, #tpu.memory_space<vmem>>, vector<16xf32>,
    %swap3A_179 = vector.shape_cast %swap3A_178 : vector<16xf32> to vector<16xf32>
    %swap3A_180 = vector.shape_cast %broadcast_in_dim3A_0 : vector<16xf32> to vector<16xf32>
    tpu.vector_store %arg11[%swap3A_177], %swap3A_180 {strides = array<i32>} : memref<1024xf32, #tpu.memory_space<vmem>>, vector<16xf32>,
    %swap3A_181 = arith.constant 512 : index
    %swap3A_182 = tpu.vector_load %arg11[%swap3A_181] {strides = array<i32>} : memref<1024xf32, #tpu.memory_space<vmem>>, vector<16xf32>,
    %swap3A_183 = vector.shape_cast %swap3A_182 : vector<16xf32> to vector<16xf32>
    %swap3A_184 = vector.shape_cast %broadcast_in_dim3A_0 : vector<16xf32> to vector<16xf32>
    tpu.vector_store %arg11[%swap3A_181], %swap3A_184 {strides = array<i32>} : memref<1024xf32, #tpu.memory_space<vmem>>, vector<16xf32>,
    %swap3A_185 = arith.constant 528 : index
    %swap3A_186 = tpu.vector_load %arg11[%swap3A_185] {strides = array<i32>} : memref<1024xf32, #tpu.memory_space<vmem>>, vector<16xf32>,
    %swap3A_187 = vector.shape_cast %swap3A_186 : vector<16xf32> to vector<16xf32>
    %swap3A_188 = vector.shape_cast %broadcast_in_dim3A_0 : vector<16xf32> to vector<16xf32>
    tpu.vector_store %arg11[%swap3A_185], %swap3A_188 {strides = array<i32>} : memref<1024xf32, #tpu.memory_space<vmem>>, vector<16xf32>,
    %swap3A_189 = arith.constant 544 : index
    %swap3A_190 = tpu.vector_load %arg11[%swap3A_189] {strides = array<i32>} : memref<1024xf32, #tpu.memory_space<vmem>>, vector<16xf32>,
    %swap3A_191 = vector.shape_cast %swap3A_190 : vector<16xf32> to vector<16xf32>
    %swap3A_192 = vector.shape_cast %broadcast_in_dim3A_0 : vector<16xf32> to vector<16xf32>
    tpu.vector_store %arg11[%swap3A_189], %swap3A_192 {strides = array<i32>} : memref<1024xf32, #tpu.memory_space<vmem>>, vector<16xf32>,
    %swap3A_193 = arith.constant 560 : index
    %swap3A_194 = tpu.vector_load %arg11[%swap3A_193] {strides = array<i32>} : memref<1024xf32, #tpu.memory_space<vmem>>, vector<16xf32>,
    %swap3A_195 = vector.shape_cast %swap3A_194 : vector<16xf32> to vector<16xf32>
    %swap3A_196 = vector.shape_cast %broadcast_in_dim3A_0 : vector<16xf32> to vector<16xf32>
    tpu.vector_store %arg11[%swap3A_193], %swap3A_196 {strides = array<i32>} : memref<1024xf32, #tpu.memory_space<vmem>>, vector<16xf32>,
    %swap3A_197 = arith.constant 576 : index
    %swap3A_198 = tpu.vector_load %arg11[%swap3A_197] {strides = array<i32>} : memref<1024xf32, #tpu.memory_space<vmem>>, vector<16xf32>,
    %swap3A_199 = vector.shape_cast %swap3A_198 : vector<16xf32> to vector<16xf32>
    %swap3A_200 = vector.shape_cast %broadcast_in_dim3A_0 : vector<16xf32> to vector<16xf32>
    tpu.vector_store %arg11[%swap3A_197], %swap3A_200 {strides = array<i32>} : memref<1024xf32, #tpu.memory_space<vmem>>, vector<16xf32>,
    %swap3A_201 = arith.constant 592 : index
    %swap3A_202 = tpu.vector_load %arg11[%swap3A_201] {strides = array<i32>} : memref<1024xf32, #tpu.memory_space<vmem>>, vector<16xf32>,
    %swap3A_203 = vector.shape_cast %swap3A_202 : vector<16xf32> to vector<16xf32>
    %swap3A_204 = vector.shape_cast %broadcast_in_dim3A_0 : vector<16xf32> to vector<16xf32>
    tpu.vector_store %arg11[%swap3A_201], %swap3A_204 {strides = array<i32>} : memref<1024xf32, #tpu.memory_space<vmem>>, vector<16xf32>,
    %swap3A_205 = arith.constant 608 : index
    %swap3A_206 = tpu.vector_load %arg11[%swap3A_205] {strides = array<i32>} : memref<1024xf32, #tpu.memory_space<vmem>>, vector<16xf32>,
    %swap3A_207 = vector.shape_cast %swap3A_206 : vector<16xf32> to vector<16xf32>
    %swap3A_208 = vector.shape_cast %broadcast_in_dim3A_0 : vector<16xf32> to vector<16xf32>
    tpu.vector_store %arg11[%swap3A_205], %swap3A_208 {strides = array<i32>} : memref<1024xf32, #tpu.memory_space<vmem>>, vector<16xf32>,
    %swap3A_209 = arith.constant 624 : index
    %swap3A_210 = tpu.vector_load %arg11[%swap3A_209] {strides = array<i32>} : memref<1024xf32, #tpu.memory_space<vmem>>, vector<16xf32>,
    %swap3A_211 = vector.shape_cast %swap3A_210 : vector<16xf32> to vector<16xf32>
    %swap3A_212 = vector.shape_cast %broadcast_in_dim3A_0 : vector<16xf32> to vector<16xf32>
    tpu.vector_store %arg11[%swap3A_209], %swap3A_212 {strides = array<i32>} : memref<1024xf32, #tpu.memory_space<vmem>>, vector<16xf32>,
    %swap3A_213 = arith.constant 640 : index
    %swap3A_214 = tpu.vector_load %arg11[%swap3A_213] {strides = array<i32>} : memref<1024xf32, #tpu.memory_space<vmem>>, vector<16xf32>,
    %swap3A_215 = vector.shape_cast %swap3A_214 : vector<16xf32> to vector<16xf32>
    %swap3A_216 = vector.shape_cast %broadcast_in_dim3A_0 : vector<16xf32> to vector<16xf32>
    tpu.vector_store %arg11[%swap3A_213], %swap3A_216 {strides = array<i32>} : memref<1024xf32, #tpu.memory_space<vmem>>, vector<16xf32>,
    %swap3A_217 = arith.constant 656 : index
    %swap3A_218 = tpu.vector_load %arg11[%swap3A_217] {strides = array<i32>} : memref<1024xf32, #tpu.memory_space<vmem>>, vector<16xf32>,
    %swap3A_219 = vector.shape_cast %swap3A_218 : vector<16xf32> to vector<16xf32>
    %swap3A_220 = vector.shape_cast %broadcast_in_dim3A_0 : vector<16xf32> to vector<16xf32>
    tpu.vector_store %arg11[%swap3A_217], %swap3A_220 {strides = array<i32>} : memref<1024xf32, #tpu.memory_space<vmem>>, vector<16xf32>,
    %swap3A_221 = arith.constant 672 : index
    %swap3A_222 = tpu.vector_load %arg11[%swap3A_221] {strides = array<i32>} : memref<1024xf32, #tpu.memory_space<vmem>>, vector<16xf32>,
    %swap3A_223 = vector.shape_cast %swap3A_222 : vector<16xf32> to vector<16xf32>
    %swap3A_224 = vector.shape_cast %broadcast_in_dim3A_0 : vector<16xf32> to vector<16xf32>
    tpu.vector_store %arg11[%swap3A_221], %swap3A_224 {strides = array<i32>} : memref<1024xf32, #tpu.memory_space<vmem>>, vector<16xf32>,
    %swap3A_225 = arith.constant 688 : index
    %swap3A_226 = tpu.vector_load %arg11[%swap3A_225] {strides = array<i32>} : memref<1024xf32, #tpu.memory_space<vmem>>, vector<16xf32>,
    %swap3A_227 = vector.shape_cast %swap3A_226 : vector<16xf32> to vector<16xf32>
    %swap3A_228 = vector.shape_cast %broadcast_in_dim3A_0 : vector<16xf32> to vector<16xf32>
    tpu.vector_store %arg11[%swap3A_225], %swap3A_228 {strides = array<i32>} : memref<1024xf32, #tpu.memory_space<vmem>>, vector<16xf32>,
    %swap3A_229 = arith.constant 704 : index
    %swap3A_230 = tpu.vector_load %arg11[%swap3A_229] {strides = array<i32>} : memref<1024xf32, #tpu.memory_space<vmem>>, vector<16xf32>,
    %swap3A_231 = vector.shape_cast %swap3A_230 : vector<16xf32> to vector<16xf32>
    %swap3A_232 = vector.shape_cast %broadcast_in_dim3A_0 : vector<16xf32> to vector<16xf32>
    tpu.vector_store %arg11[%swap3A_229], %swap3A_232 {strides = array<i32>} : memref<1024xf32, #tpu.memory_space<vmem>>, vector<16xf32>,
    %swap3A_233 = arith.constant 720 : index
    %swap3A_234 = tpu.vector_load %arg11[%swap3A_233] {strides = array<i32>} : memref<1024xf32, #tpu.memory_space<vmem>>, vector<16xf32>,
    %swap3A_235 = vector.shape_cast %swap3A_234 : vector<16xf32> to vector<16xf32>
    %swap3A_236 = vector.shape_cast %broadcast_in_dim3A_0 : vector<16xf32> to vector<16xf32>
    tpu.vector_store %arg11[%swap3A_233], %swap3A_236 {strides = array<i32>} : memref<1024xf32, #tpu.memory_space<vmem>>, vector<16xf32>,
    %swap3A_237 = arith.constant 736 : index
    %swap3A_238 = tpu.vector_load %arg11[%swap3A_237] {strides = array<i32>} : memref<1024xf32, #tpu.memory_space<vmem>>, vector<16xf32>,
    %swap3A_239 = vector.shape_cast %swap3A_238 : vector<16xf32> to vector<16xf32>
    %swap3A_240 = vector.shape_cast %broadcast_in_dim3A_0 : vector<16xf32> to vector<16xf32>
    tpu.vector_store %arg11[%swap3A_237], %swap3A_240 {strides = array<i32>} : memref<1024xf32, #tpu.memory_space<vmem>>, vector<16xf32>,
    %swap3A_241 = arith.constant 752 : index
    %swap3A_242 = tpu.vector_load %arg11[%swap3A_241] {strides = array<i32>} : memref<1024xf32, #tpu.memory_space<vmem>>, vector<16xf32>,
    %swap3A_243 = vector.shape_cast %swap3A_242 : vector<16xf32> to vector<16xf32>
    %swap3A_244 = vector.shape_cast %broadcast_in_dim3A_0 : vector<16xf32> to vector<16xf32>
    tpu.vector_store %arg11[%swap3A_241], %swap3A_244 {strides = array<i32>} : memref<1024xf32, #tpu.memory_space<vmem>>, vector<16xf32>,
    %swap3A_245 = arith.constant 768 : index
    %swap3A_246 = tpu.vector_load %arg11[%swap3A_245] {strides = array<i32>} : memref<1024xf32, #tpu.memory_space<vmem>>, vector<16xf32>,
    %swap3A_247 = vector.shape_cast %swap3A_246 : vector<16xf32> to vector<16xf32>
    %swap3A_248 = vector.shape_cast %broadcast_in_dim3A_0 : vector<16xf32> to vector<16xf32>
    tpu.vector_store %arg11[%swap3A_245], %swap3A_248 {strides = array<i32>} : memref<1024xf32, #tpu.memory_space<vmem>>, vector<16xf32>,
    %swap3A_249 = arith.constant 784 : index
    %swap3A_250 = tpu.vector_load %arg11[%swap3A_249] {strides = array<i32>} : memref<1024xf32, #tpu.memory_space<vmem>>, vector<16xf32>,
    %swap3A_251 = vector.shape_cast %swap3A_250 : vector<16xf32> to vector<16xf32>
    %swap3A_252 = vector.shape_cast %broadcast_in_dim3A_0 : vector<16xf32> to vector<16xf32>
    tpu.vector_store %arg11[%swap3A_249], %swap3A_252 {strides = array<i32>} : memref<1024xf32, #tpu.memory_space<vmem>>, vector<16xf32>,
    %swap3A_253 = arith.constant 800 : index
    %swap3A_254 = tpu.vector_load %arg11[%swap3A_253] {strides = array<i32>} : memref<1024xf32, #tpu.memory_space<vmem>>, vector<16xf32>,
    %swap3A_255 = vector.shape_cast %swap3A_254 : vector<16xf32> to vector<16xf32>
    %swap3A_256 = vector.shape_cast %broadcast_in_dim3A_0 : vector<16xf32> to vector<16xf32>
    tpu.vector_store %arg11[%swap3A_253], %swap3A_256 {strides = array<i32>} : memref<1024xf32, #tpu.memory_space<vmem>>, vector<16xf32>,
    %swap3A_257 = arith.constant 816 : index
    %swap3A_258 = tpu.vector_load %arg11[%swap3A_257] {strides = array<i32>} : memref<1024xf32, #tpu.memory_space<vmem>>, vector<16xf32>,
    %swap3A_259 = vector.shape_cast %swap3A_258 : vector<16xf32> to vector<16xf32>
    %swap3A_260 = vector.shape_cast %broadcast_in_dim3A_0 : vector<16xf32> to vector<16xf32>
    tpu.vector_store %arg11[%swap3A_257], %swap3A_260 {strides = array<i32>} : memref<1024xf32, #tpu.memory_space<vmem>>, vector<16xf32>,
    %swap3A_261 = arith.constant 832 : index
    %swap3A_262 = tpu.vector_load %arg11[%swap3A_261] {strides = array<i32>} : memref<1024xf32, #tpu.memory_space<vmem>>, vector<16xf32>,
    %swap3A_263 = vector.shape_cast %swap3A_262 : vector<16xf32> to vector<16xf32>
    %swap3A_264 = vector.shape_cast %broadcast_in_dim3A_0 : vector<16xf32> to vector<16xf32>
    tpu.vector_store %arg11[%swap3A_261], %swap3A_264 {strides = array<i32>} : memref<1024xf32, #tpu.memory_space<vmem>>, vector<16xf32>,
    %swap3A_265 = arith.constant 848 : index
    %swap3A_266 = tpu.vector_load %arg11[%swap3A_265] {strides = array<i32>} : memref<1024xf32, #tpu.memory_space<vmem>>, vector<16xf32>,
    %swap3A_267 = vector.shape_cast %swap3A_266 : vector<16xf32> to vector<16xf32>
    %swap3A_268 = vector.shape_cast %broadcast_in_dim3A_0 : vector<16xf32> to vector<16xf32>
    tpu.vector_store %arg11[%swap3A_265], %swap3A_268 {strides = array<i32>} : memref<1024xf32, #tpu.memory_space<vmem>>, vector<16xf32>,
    %swap3A_269 = arith.constant 864 : index
    %swap3A_270 = tpu.vector_load %arg11[%swap3A_269] {strides = array<i32>} : memref<1024xf32, #tpu.memory_space<vmem>>, vector<16xf32>,
    %swap3A_271 = vector.shape_cast %swap3A_270 : vector<16xf32> to vector<16xf32>
    %swap3A_272 = vector.shape_cast %broadcast_in_dim3A_0 : vector<16xf32> to vector<16xf32>
    tpu.vector_store %arg11[%swap3A_269], %swap3A_272 {strides = array<i32>} : memref<1024xf32, #tpu.memory_space<vmem>>, vector<16xf32>,
    %swap3A_273 = arith.constant 880 : index
    %swap3A_274 = tpu.vector_load %arg11[%swap3A_273] {strides = array<i32>} : memref<1024xf32, #tpu.memory_space<vmem>>, vector<16xf32>,
    %swap3A_275 = vector.shape_cast %swap3A_274 : vector<16xf32> to vector<16xf32>
    %swap3A_276 = vector.shape_cast %broadcast_in_dim3A_0 : vector<16xf32> to vector<16xf32>
    tpu.vector_store %arg11[%swap3A_273], %swap3A_276 {strides = array<i32>} : memref<1024xf32, #tpu.memory_space<vmem>>, vector<16xf32>,
    %swap3A_277 = arith.constant 896 : index
    %swap3A_278 = tpu.vector_load %arg11[%swap3A_277] {strides = array<i32>} : memref<1024xf32, #tpu.memory_space<vmem>>, vector<16xf32>,
    %swap3A_279 = vector.shape_cast %swap3A_278 : vector<16xf32> to vector<16xf32>
    %swap3A_280 = vector.shape_cast %broadcast_in_dim3A_0 : vector<16xf32> to vector<16xf32>
    tpu.vector_store %arg11[%swap3A_277], %swap3A_280 {strides = array<i32>} : memref<1024xf32, #tpu.memory_space<vmem>>, vector<16xf32>,
    %swap3A_281 = arith.constant 912 : index
    %swap3A_282 = tpu.vector_load %arg11[%swap3A_281] {strides = array<i32>} : memref<1024xf32, #tpu.memory_space<vmem>>, vector<16xf32>,
    %swap3A_283 = vector.shape_cast %swap3A_282 : vector<16xf32> to vector<16xf32>
    %swap3A_284 = vector.shape_cast %broadcast_in_dim3A_0 : vector<16xf32> to vector<16xf32>
    tpu.vector_store %arg11[%swap3A_281], %swap3A_284 {strides = array<i32>} : memref<1024xf32, #tpu.memory_space<vmem>>, vector<16xf32>,
    %swap3A_285 = arith.constant 928 : index
    %swap3A_286 = tpu.vector_load %arg11[%swap3A_285] {strides = array<i32>} : memref<1024xf32, #tpu.memory_space<vmem>>, vector<16xf32>,
    %swap3A_287 = vector.shape_cast %swap3A_286 : vector<16xf32> to vector<16xf32>
    %swap3A_288 = vector.shape_cast %broadcast_in_dim3A_0 : vector<16xf32> to vector<16xf32>
    tpu.vector_store %arg11[%swap3A_285], %swap3A_288 {strides = array<i32>} : memref<1024xf32, #tpu.memory_space<vmem>>, vector<16xf32>,
    %swap3A_289 = arith.constant 944 : index
    %swap3A_290 = tpu.vector_load %arg11[%swap3A_289] {strides = array<i32>} : memref<1024xf32, #tpu.memory_space<vmem>>, vector<16xf32>,
    %swap3A_291 = vector.shape_cast %swap3A_290 : vector<16xf32> to vector<16xf32>
    %swap3A_292 = vector.shape_cast %broadcast_in_dim3A_0 : vector<16xf32> to vector<16xf32>
    tpu.vector_store %arg11[%swap3A_289], %swap3A_292 {strides = array<i32>} : memref<1024xf32, #tpu.memory_space<vmem>>, vector<16xf32>,
    %swap3A_293 = arith.constant 960 : index
    %swap3A_294 = tpu.vector_load %arg11[%swap3A_293] {strides = array<i32>} : memref<1024xf32, #tpu.memory_space<vmem>>, vector<16xf32>,
    %swap3A_295 = vector.shape_cast %swap3A_294 : vector<16xf32> to vector<16xf32>
    %swap3A_296 = vector.shape_cast %broadcast_in_dim3A_0 : vector<16xf32> to vector<16xf32>
    tpu.vector_store %arg11[%swap3A_293], %swap3A_296 {strides = array<i32>} : memref<1024xf32, #tpu.memory_space<vmem>>, vector<16xf32>,
    %swap3A_297 = arith.constant 976 : index
    %swap3A_298 = tpu.vector_load %arg11[%swap3A_297] {strides = array<i32>} : memref<1024xf32, #tpu.memory_space<vmem>>, vector<16xf32>,
    %swap3A_299 = vector.shape_cast %swap3A_298 : vector<16xf32> to vector<16xf32>
    %swap3A_300 = vector.shape_cast %broadcast_in_dim3A_0 : vector<16xf32> to vector<16xf32>
    tpu.vector_store %arg11[%swap3A_297], %swap3A_300 {strides = array<i32>} : memref<1024xf32, #tpu.memory_space<vmem>>, vector<16xf32>,
    %swap3A_301 = arith.constant 992 : index
    %swap3A_302 = tpu.vector_load %arg11[%swap3A_301] {strides = array<i32>} : memref<1024xf32, #tpu.memory_space<vmem>>, vector<16xf32>,
    %swap3A_303 = vector.shape_cast %swap3A_302 : vector<16xf32> to vector<16xf32>
    %swap3A_304 = vector.shape_cast %broadcast_in_dim3A_0 : vector<16xf32> to vector<16xf32>
    tpu.vector_store %arg11[%swap3A_301], %swap3A_304 {strides = array<i32>} : memref<1024xf32, #tpu.memory_space<vmem>>, vector<16xf32>,
    %swap3A_305 = arith.constant 1008 : index
    %swap3A_306 = tpu.vector_load %arg11[%swap3A_305] {strides = array<i32>} : memref<1024xf32, #tpu.memory_space<vmem>>, vector<16xf32>,
    %swap3A_307 = vector.shape_cast %swap3A_306 : vector<16xf32> to vector<16xf32>
    %swap3A_308 = vector.shape_cast %broadcast_in_dim3A_0 : vector<16xf32> to vector<16xf32>
    tpu.vector_store %arg11[%swap3A_305], %swap3A_308 {strides = array<i32>} : memref<1024xf32, #tpu.memory_space<vmem>>, vector<16xf32>,
    %eq3A = arith.constant 0 : i32
    %eq3A_309 = arith.cmpi eq, %arg0, %eq3A : i32
    %lt3A = arith.constant 10 : i32
    %lt3A_310 = arith.cmpi slt, %arg1, %lt3A : i32
    %and3A = arith.andi %eq3A_309, %lt3A_310 : i1
    %convert_element_type3A = arith.extui %and3A : i1 to i32
    %cond3A = arith.constant 0 : i32
    %cond3A_311 = arith.cmpi ne, %convert_element_type3A, %cond3A : i32
    scf.if %cond3A_311 {
      %mul3A_384 = arith.constant 1024 : i32
      %mul3A_385 = arith.muli %arg1, %mul3A_384 : i32
      "tpu.region"() ({
        %run_scoped3A_386 = tpu.sem_alloc : memref<!tpu.dma_semaphore, #tpu.memory_space<semaphore_mem>>
        %dma_start3A_387 = tpu.memref_slice %arg13[%mul3A_385] : memref<10240xf32, #tpu.memory_space<vmem_shared>> -> memref<1024xf32, #tpu.memory_space<vmem_shared>>
        %dma_start3A_388 = tpu.memref_slice %arg13[%mul3A_385] : memref<10240xf32, #tpu.memory_space<vmem_shared>> -> memref<1024xf32, #tpu.memory_space<vmem_shared>>
        tpu.enqueue_dma source(%arg11 : memref<1024xf32, #tpu.memory_space<vmem>>) target(%dma_start3A_388 : memref<1024xf32, #tpu.memory_space<vmem_shared>>) target_semaphore(%run_scoped3A_386 : memref<!tpu.dma_semaphore, #tpu.memory_space<semaphore_mem>>)
        %dma_wait3A = tpu.memref_slice %arg13[%mul3A_385] : memref<10240xf32, #tpu.memory_space<vmem_shared>> -> memref<1024xf32, #tpu.memory_space<vmem_shared>>
        %dma_wait3A_389 = tpu.memref_slice %arg13[%mul3A_385] : memref<10240xf32, #tpu.memory_space<vmem_shared>> -> memref<1024xf32, #tpu.memory_space<vmem_shared>>
        tpu.wait_dma2 semaphore(%run_scoped3A_386 : memref<!tpu.dma_semaphore, #tpu.memory_space<semaphore_mem>>) src(%arg11 : memref<1024xf32, #tpu.memory_space<vmem>>) dst(%dma_wait3A_389 : memref<1024xf32, #tpu.memory_space<vmem_shared>>)
        tpu.yield
      }) : () -> ()
    } else {
    }
    "tpu.region"() ({
      %run_scoped3A_384 = tpu.sem_alloc : memref<!tpu.dma_semaphore, #tpu.memory_space<semaphore_mem>>
      %dma_start3A_385 = arith.constant 0 : i32
      %dma_start3A_386 = tpu.memref_slice %arg3[%arg1, %dma_start3A_385] : memref<16x10112xi32, #tpu.memory_space<hbm>> -> memref<1x10112xi32, #tpu.memory_space<hbm>>
      %dma_start3A_387 = tpu.memref_squeeze %dma_start3A_386 : memref<1x10112xi32, #tpu.memory_space<hbm>> -> memref<10112xi32, #tpu.memory_space<hbm>>
      %dma_start3A_388 = arith.constant 0 : i32
      %dma_start3A_389 = tpu.memref_slice %arg3[%arg1, %dma_start3A_388] : memref<16x10112xi32, #tpu.memory_space<hbm>> -> memref<1x10112xi32, #tpu.memory_space<hbm>>
      %dma_start3A_390 = tpu.memref_squeeze %dma_start3A_389 : memref<1x10112xi32, #tpu.memory_space<hbm>> -> memref<10112xi32, #tpu.memory_space<hbm>>
      tpu.enqueue_dma source(%dma_start3A_390 : memref<10112xi32, #tpu.memory_space<hbm>>) target(%arg7 : memref<10112xi32, #tpu.memory_space<vmem>>) target_semaphore(%run_scoped3A_384 : memref<!tpu.dma_semaphore, #tpu.memory_space<semaphore_mem>>)
      %dma_wait3A = arith.constant 0 : i32
      %dma_wait3A_391 = tpu.memref_slice %arg3[%arg1, %dma_wait3A] : memref<16x10112xi32, #tpu.memory_space<hbm>> -> memref<1x10112xi32, #tpu.memory_space<hbm>>
      %dma_wait3A_392 = tpu.memref_squeeze %dma_wait3A_391 : memref<1x10112xi32, #tpu.memory_space<hbm>> -> memref<10112xi32, #tpu.memory_space<hbm>>
      %dma_wait3A_393 = arith.constant 0 : i32
      %dma_wait3A_394 = tpu.memref_slice %arg3[%arg1, %dma_wait3A_393] : memref<16x10112xi32, #tpu.memory_space<hbm>> -> memref<1x10112xi32, #tpu.memory_space<hbm>>
      %dma_wait3A_395 = tpu.memref_squeeze %dma_wait3A_394 : memref<1x10112xi32, #tpu.memory_space<hbm>> -> memref<10112xi32, #tpu.memory_space<hbm>>
      tpu.wait_dma2 semaphore(%run_scoped3A_384 : memref<!tpu.dma_semaphore, #tpu.memory_space<semaphore_mem>>) src(%dma_wait3A_395 : memref<10112xi32, #tpu.memory_space<hbm>>) dst(%arg7 : memref<10112xi32, #tpu.memory_space<vmem>>)
      tpu.yield
    }) : () -> ()
    %mul3A_312 = arith.constant 10000 : i32
    %mul3A_313 = arith.muli %arg0, %mul3A_312 : i32
    %scan3A_314 = arith.constant 0 : i32
    %scan3A_315 = arith.constant 0 : i32
    %scan3A_316 = arith.constant 632 : i32
    %scan3A_317 = arith.addi %scan3A_315, %scan3A_316 : i32
    %scan3A_318 = arith.constant 1 : i32
    %scan3A_319 = scf.for %scan3A_384 = %scan3A_315 to %scan3A_317 step %scan3A_318 iter_args(%scan3A_385 = %scan3A_314) -> (i32)  : i32 {
      %mul3A_386 = arith.constant 16 : i32
      %mul3A_387 = arith.muli %scan3A_384, %mul3A_386 : i32
      %get3A = arith.index_cast %mul3A_387 : i32 to index
      %get3A_388 = tpu.vector_load %arg7[%get3A] {strides = array<i32>} : memref<10112xi32, #tpu.memory_space<vmem>>, vector<16xi32>,
      %get3A_389 = vector.shape_cast %get3A_388 : vector<16xi32> to vector<16xi32>
      %add3A_390 = vector.broadcast %mul3A_313 : i32 to vector<16xi32>
      %add3A_391 = arith.addi %get3A_389, %add3A_390 : vector<16xi32>
      %swap3A_392 = arith.index_cast %mul3A_387 : i32 to index
      %swap3A_393 = tpu.vector_load %arg7[%swap3A_392] {strides = array<i32>} : memref<10112xi32, #tpu.memory_space<vmem>>, vector<16xi32>,
      %swap3A_394 = vector.shape_cast %swap3A_393 : vector<16xi32> to vector<16xi32>
      %swap3A_395 = vector.shape_cast %add3A_391 : vector<16xi32> to vector<16xi32>
      tpu.vector_store %arg7[%swap3A_392], %swap3A_395 {strides = array<i32>} : memref<10112xi32, #tpu.memory_space<vmem>>, vector<16xi32>,
      %scan3A_396 = arith.constant 0 : i32
      scf.yield %scan3A_396 : i32
    }
    %scan3A_320 = arith.constant 632 : i32
    %broadcast_in_dim3A_321 = arith.constant 1.000000e+00 : f32
    %broadcast_in_dim3A_322 = vector.broadcast %broadcast_in_dim3A_321 : f32 to vector<16xf32>
    %swap3A_323 = arith.constant 0 : index
    %swap3A_324 = tpu.vector_load %arg10[%swap3A_323] {strides = array<i32>} : memref<64xf32, #tpu.memory_space<vmem>>, vector<16xf32>,
    %swap3A_325 = vector.shape_cast %swap3A_324 : vector<16xf32> to vector<16xf32>
    %swap3A_326 = vector.shape_cast %broadcast_in_dim3A_322 : vector<16xf32> to vector<16xf32>
    tpu.vector_store %arg10[%swap3A_323], %swap3A_326 {strides = array<i32>} : memref<64xf32, #tpu.memory_space<vmem>>, vector<16xf32>,
    %broadcast_in_dim3A_327 = arith.constant 1.000000e+00 : f32
    %broadcast_in_dim3A_328 = vector.broadcast %broadcast_in_dim3A_327 : f32 to vector<16xf32>
    %swap3A_329 = arith.constant 16 : index
    %swap3A_330 = tpu.vector_load %arg10[%swap3A_329] {strides = array<i32>} : memref<64xf32, #tpu.memory_space<vmem>>, vector<16xf32>,
    %swap3A_331 = vector.shape_cast %swap3A_330 : vector<16xf32> to vector<16xf32>
    %swap3A_332 = vector.shape_cast %broadcast_in_dim3A_328 : vector<16xf32> to vector<16xf32>
    tpu.vector_store %arg10[%swap3A_329], %swap3A_332 {strides = array<i32>} : memref<64xf32, #tpu.memory_space<vmem>>, vector<16xf32>,
    %broadcast_in_dim3A_333 = arith.constant 1.000000e+00 : f32
    %broadcast_in_dim3A_334 = vector.broadcast %broadcast_in_dim3A_333 : f32 to vector<16xf32>
    %swap3A_335 = arith.constant 32 : index
    %swap3A_336 = tpu.vector_load %arg10[%swap3A_335] {strides = array<i32>} : memref<64xf32, #tpu.memory_space<vmem>>, vector<16xf32>,
    %swap3A_337 = vector.shape_cast %swap3A_336 : vector<16xf32> to vector<16xf32>
    %swap3A_338 = vector.shape_cast %broadcast_in_dim3A_334 : vector<16xf32> to vector<16xf32>
    tpu.vector_store %arg10[%swap3A_335], %swap3A_338 {strides = array<i32>} : memref<64xf32, #tpu.memory_space<vmem>>, vector<16xf32>,
    %broadcast_in_dim3A_339 = arith.constant 1.000000e+00 : f32
    %broadcast_in_dim3A_340 = vector.broadcast %broadcast_in_dim3A_339 : f32 to vector<16xf32>
    %swap3A_341 = arith.constant 48 : index
    %swap3A_342 = tpu.vector_load %arg10[%swap3A_341] {strides = array<i32>} : memref<64xf32, #tpu.memory_space<vmem>>, vector<16xf32>,
    %swap3A_343 = vector.shape_cast %swap3A_342 : vector<16xf32> to vector<16xf32>
    %swap3A_344 = vector.shape_cast %broadcast_in_dim3A_340 : vector<16xf32> to vector<16xf32>
    tpu.vector_store %arg10[%swap3A_341], %swap3A_344 {strides = array<i32>} : memref<64xf32, #tpu.memory_space<vmem>>, vector<16xf32>,
    %barrier3A = arith.constant 0 : index
    tpu.barrier barrier_id(%barrier3A)
    %run_scoped3A_345 = arith.constant 0 : i32
    "tpu.region"() ({
      %run_scoped3A_384 = tpu.sem_alloc : memref<!tpu.dma_semaphore, #tpu.memory_space<semaphore_mem>>
      %dma_start3A_385 = arith.constant 0 : i32
      %dma_start3A_386 = arith.constant 0 : i32
      %dma_start3A_387 = tpu.memref_slice %arg4[%arg1, %run_scoped3A_345, %dma_start3A_385, %dma_start3A_386] : memref<16x1x158x64xi32, #tpu.memory_space<hbm>> -> memref<1x1x158x64xi32, #tpu.memory_space<hbm>>
      %dma_start3A_388 = tpu.memref_squeeze %dma_start3A_387 : memref<1x1x158x64xi32, #tpu.memory_space<hbm>> -> memref<158x64xi32, #tpu.memory_space<hbm>>
      %dma_start3A_389 = arith.constant 0 : i32
      %dma_start3A_390 = arith.constant 0 : i32
      %dma_start3A_391 = tpu.memref_slice %arg4[%arg1, %run_scoped3A_345, %dma_start3A_389, %dma_start3A_390] : memref<16x1x158x64xi32, #tpu.memory_space<hbm>> -> memref<1x1x158x64xi32, #tpu.memory_space<hbm>>
      %dma_start3A_392 = tpu.memref_squeeze %dma_start3A_391 : memref<1x1x158x64xi32, #tpu.memory_space<hbm>> -> memref<158x64xi32, #tpu.memory_space<hbm>>
      tpu.enqueue_dma source(%dma_start3A_392 : memref<158x64xi32, #tpu.memory_space<hbm>>) target(%arg8 : memref<158x64xi32, #tpu.memory_space<vmem>>) target_semaphore(%run_scoped3A_384 : memref<!tpu.dma_semaphore, #tpu.memory_space<semaphore_mem>>)
      %dma_wait3A = arith.constant 0 : i32
      %dma_wait3A_393 = arith.constant 0 : i32
      %dma_wait3A_394 = tpu.memref_slice %arg4[%arg1, %run_scoped3A_345, %dma_wait3A, %dma_wait3A_393] : memref<16x1x158x64xi32, #tpu.memory_space<hbm>> -> memref<1x1x158x64xi32, #tpu.memory_space<hbm>>
      %dma_wait3A_395 = tpu.memref_squeeze %dma_wait3A_394 : memref<1x1x158x64xi32, #tpu.memory_space<hbm>> -> memref<158x64xi32, #tpu.memory_space<hbm>>
      %dma_wait3A_396 = arith.constant 0 : i32
      %dma_wait3A_397 = arith.constant 0 : i32
      %dma_wait3A_398 = tpu.memref_slice %arg4[%arg1, %run_scoped3A_345, %dma_wait3A_396, %dma_wait3A_397] : memref<16x1x158x64xi32, #tpu.memory_space<hbm>> -> memref<1x1x158x64xi32, #tpu.memory_space<hbm>>
      %dma_wait3A_399 = tpu.memref_squeeze %dma_wait3A_398 : memref<1x1x158x64xi32, #tpu.memory_space<hbm>> -> memref<158x64xi32, #tpu.memory_space<hbm>>
      tpu.wait_dma2 semaphore(%run_scoped3A_384 : memref<!tpu.dma_semaphore, #tpu.memory_space<semaphore_mem>>) src(%dma_wait3A_399 : memref<158x64xi32, #tpu.memory_space<hbm>>) dst(%arg8 : memref<158x64xi32, #tpu.memory_space<vmem>>)
      tpu.yield
    }) : () -> ()
    %dma_start3A = arith.constant 0 : i32
    %dma_start3A_346 = arith.constant 0 : i32
    %dma_start3A_347 = arith.constant 0 : i32
    %dma_start3A_348 = arith.constant 0 : i32
    %dma_start3A_349 = tpu.memref_slice %arg9[%dma_start3A, %dma_start3A_347, %dma_start3A_348] : memref<2x64x128xf32, #tpu.memory_space<vmem>> -> memref<1x64x128xf32, #tpu.memory_space<vmem>>
    %dma_start3A_350 = tpu.memref_squeeze %dma_start3A_349 : memref<1x64x128xf32, #tpu.memory_space<vmem>> -> memref<64x128xf32, #tpu.memory_space<vmem>>
    %dma_start3A_351 = arith.constant 0 : i32
    %dma_start3A_352 = tpu.memref_slice %arg7[%dma_start3A_351] : memref<10112xi32, #tpu.memory_space<vmem>> -> memref<64xi32, #tpu.memory_space<vmem>>
    %dma_start3A_353 = arith.constant 0 : i32
    %dma_start3A_354 = arith.constant 0 : i32
    %dma_start3A_355 = tpu.memref_slice %arg2[%dma_start3A_353, %dma_start3A_354] : memref<20000x128xf32, #tpu.memory_space<hbm>> -> memref<20000x128xf32, #tpu.memory_space<hbm>>
    %dma_start3A_356 = tpu.memref_slice %arg14[%dma_start3A_346] : memref<2x!tpu.dma_semaphore, #tpu.memory_space<semaphore_mem>> -> memref<1x!tpu.dma_semaphore, #tpu.memory_space<semaphore_mem>>
    %dma_start3A_357 = tpu.memref_squeeze %dma_start3A_356 : memref<1x!tpu.dma_semaphore, #tpu.memory_space<semaphore_mem>> -> memref<!tpu.dma_semaphore, #tpu.memory_space<semaphore_mem>>
    tpu.enqueue_indirect_dma source(%dma_start3A_355 : memref<20000x128xf32, #tpu.memory_space<hbm>>) target(%dma_start3A_350 : memref<64x128xf32, #tpu.memory_space<vmem>>) offsets(%dma_start3A_352 : memref<64xi32, #tpu.memory_space<vmem>>) semaphore(%dma_start3A_357 : memref<!tpu.dma_semaphore, #tpu.memory_space<semaphore_mem>>)
    %scan3A_358 = arith.constant 0 : i32
    %scan3A_359 = arith.constant 0 : i32
    %scan3A_360 = arith.constant 79 : i32
    %scan3A_361 = arith.addi %scan3A_359, %scan3A_360 : i32
    %scan3A_362 = arith.constant 1 : i32
    %scan3A_363 = scf.for %scan3A_384 = %scan3A_359 to %scan3A_361 step %scan3A_362 iter_args(%scan3A_385 = %scan3A_358) -> (i32)  : i32 {
      %mul3A_386 = arith.constant 2 : i32
      %mul3A_387 = arith.muli %mul3A_386, %scan3A_384 : i32
      %add3A_388 = arith.constant 0 : i32
      %add3A_389 = arith.addi %add3A_388, %mul3A_387 : i32
      %mul3A_390 = arith.constant 64 : i32
      %mul3A_391 = arith.muli %add3A_389, %mul3A_390 : i32
      %dma_wait3A = arith.constant 0 : i32
      %dma_wait3A_392 = arith.constant 0 : i32
      %dma_wait3A_393 = arith.constant 0 : i32
      %dma_wait3A_394 = arith.constant 0 : i32
      %dma_wait3A_395 = tpu.memref_slice %arg9[%dma_wait3A, %dma_wait3A_393, %dma_wait3A_394] : memref<2x64x128xf32, #tpu.memory_space<vmem>> -> memref<1x64x128xf32, #tpu.memory_space<vmem>>
      %dma_wait3A_396 = tpu.memref_squeeze %dma_wait3A_395 : memref<1x64x128xf32, #tpu.memory_space<vmem>> -> memref<64x128xf32, #tpu.memory_space<vmem>>
      %dma_wait3A_397 = tpu.memref_slice %arg7[%mul3A_391] : memref<10112xi32, #tpu.memory_space<vmem>> -> memref<64xi32, #tpu.memory_space<vmem>>
      %dma_wait3A_398 = arith.constant 0 : i32
      %dma_wait3A_399 = arith.constant 0 : i32
      %dma_wait3A_400 = tpu.memref_slice %arg2[%dma_wait3A_398, %dma_wait3A_399] : memref<20000x128xf32, #tpu.memory_space<hbm>> -> memref<20000x128xf32, #tpu.memory_space<hbm>>
      %dma_wait3A_401 = tpu.memref_slice %arg14[%dma_wait3A_392] : memref<2x!tpu.dma_semaphore, #tpu.memory_space<semaphore_mem>> -> memref<1x!tpu.dma_semaphore, #tpu.memory_space<semaphore_mem>>
      %dma_wait3A_402 = tpu.memref_squeeze %dma_wait3A_401 : memref<1x!tpu.dma_semaphore, #tpu.memory_space<semaphore_mem>> -> memref<!tpu.dma_semaphore, #tpu.memory_space<semaphore_mem>>
      tpu.wait_indirect_dma semaphore(%dma_wait3A_402 : memref<!tpu.dma_semaphore, #tpu.memory_space<semaphore_mem>>) src(%dma_wait3A_400 : memref<20000x128xf32, #tpu.memory_space<hbm>>) dst(%dma_wait3A_396 : memref<64x128xf32, #tpu.memory_space<vmem>>)
      %add3A_403 = arith.constant 1 : i32
      %add3A_404 = arith.addi %mul3A_387, %add3A_403 : i32
      %add3A_405 = arith.constant 0 : i32
      %add3A_406 = arith.addi %add3A_405, %add3A_404 : i32
      %mul3A_407 = arith.constant 64 : i32
      %mul3A_408 = arith.muli %add3A_406, %mul3A_407 : i32
      %dma_start3A_409 = arith.constant 1 : i32
      %dma_start3A_410 = arith.constant 1 : i32
      %dma_start3A_411 = arith.constant 0 : i32
      %dma_start3A_412 = arith.constant 0 : i32
      %dma_start3A_413 = tpu.memref_slice %arg9[%dma_start3A_409, %dma_start3A_411, %dma_start3A_412] : memref<2x64x128xf32, #tpu.memory_space<vmem>> -> memref<1x64x128xf32, #tpu.memory_space<vmem>>
      %dma_start3A_414 = tpu.memref_squeeze %dma_start3A_413 : memref<1x64x128xf32, #tpu.memory_space<vmem>> -> memref<64x128xf32, #tpu.memory_space<vmem>>
      %dma_start3A_415 = tpu.memref_slice %arg7[%mul3A_408] : memref<10112xi32, #tpu.memory_space<vmem>> -> memref<64xi32, #tpu.memory_space<vmem>>
      %dma_start3A_416 = arith.constant 0 : i32
      %dma_start3A_417 = arith.constant 0 : i32
      %dma_start3A_418 = tpu.memref_slice %arg2[%dma_start3A_416, %dma_start3A_417] : memref<20000x128xf32, #tpu.memory_space<hbm>> -> memref<20000x128xf32, #tpu.memory_space<hbm>>
      %dma_start3A_419 = tpu.memref_slice %arg14[%dma_start3A_410] : memref<2x!tpu.dma_semaphore, #tpu.memory_space<semaphore_mem>> -> memref<1x!tpu.dma_semaphore, #tpu.memory_space<semaphore_mem>>
      %dma_start3A_420 = tpu.memref_squeeze %dma_start3A_419 : memref<1x!tpu.dma_semaphore, #tpu.memory_space<semaphore_mem>> -> memref<!tpu.dma_semaphore, #tpu.memory_space<semaphore_mem>>
      tpu.enqueue_indirect_dma source(%dma_start3A_418 : memref<20000x128xf32, #tpu.memory_space<hbm>>) target(%dma_start3A_414 : memref<64x128xf32, #tpu.memory_space<vmem>>) offsets(%dma_start3A_415 : memref<64xi32, #tpu.memory_space<vmem>>) semaphore(%dma_start3A_420 : memref<!tpu.dma_semaphore, #tpu.memory_space<semaphore_mem>>)
      %run_scoped3A_421 = arith.constant 0 : i32
      "tpu.region"() ({
        %run_scoped3A_451 = tpu.sem_alloc : memref<!tpu.dma_semaphore, #tpu.memory_space<semaphore_mem>>
        %dma_start3A_452 = arith.constant 0 : i32
        %dma_start3A_453 = arith.constant 0 : i32
        %dma_start3A_454 = tpu.memref_slice %arg9[%run_scoped3A_421, %dma_start3A_452, %dma_start3A_453] : memref<2x64x128xf32, #tpu.memory_space<vmem>> -> memref<1x64x128xf32, #tpu.memory_space<vmem>>
        %dma_start3A_455 = tpu.memref_squeeze %dma_start3A_454 : memref<1x64x128xf32, #tpu.memory_space<vmem>> -> memref<64x128xf32, #tpu.memory_space<vmem>>
        %dma_start3A_456 = arith.constant 0 : i32
        %dma_start3A_457 = tpu.memref_slice %arg8[%mul3A_387, %dma_start3A_456] : memref<158x64xi32, #tpu.memory_space<vmem>> -> memref<1x64xi32, #tpu.memory_space<vmem>>
        %dma_start3A_458 = tpu.memref_squeeze %dma_start3A_457 : memref<1x64xi32, #tpu.memory_space<vmem>> -> memref<64xi32, #tpu.memory_space<vmem>>
        %dma_start3A_459 = arith.constant 0 : i32
        %dma_start3A_460 = arith.constant 0 : i32
        %dma_start3A_461 = tpu.memref_slice %arg12[%dma_start3A_459, %dma_start3A_460] : memref<10240x128xf32, #tpu.memory_space<vmem_shared>> -> memref<10240x128xf32, #tpu.memory_space<vmem_shared>>
        tpu.enqueue_indirect_dma source(%dma_start3A_455 : memref<64x128xf32, #tpu.memory_space<vmem>>) target(%dma_start3A_461 : memref<10240x128xf32, #tpu.memory_space<vmem_shared>>) offsets(%dma_start3A_458 : memref<64xi32, #tpu.memory_space<vmem>>) semaphore(%run_scoped3A_451 : memref<!tpu.dma_semaphore, #tpu.memory_space<semaphore_mem>>) {add = true}
        %dma_wait3A_462 = arith.constant 0 : i32
        %dma_wait3A_463 = arith.constant 0 : i32
        %dma_wait3A_464 = tpu.memref_slice %arg9[%run_scoped3A_421, %dma_wait3A_462, %dma_wait3A_463] : memref<2x64x128xf32, #tpu.memory_space<vmem>> -> memref<1x64x128xf32, #tpu.memory_space<vmem>>
        %dma_wait3A_465 = tpu.memref_squeeze %dma_wait3A_464 : memref<1x64x128xf32, #tpu.memory_space<vmem>> -> memref<64x128xf32, #tpu.memory_space<vmem>>
        %dma_wait3A_466 = arith.constant 0 : i32
        %dma_wait3A_467 = tpu.memref_slice %arg8[%mul3A_387, %dma_wait3A_466] : memref<158x64xi32, #tpu.memory_space<vmem>> -> memref<1x64xi32, #tpu.memory_space<vmem>>
        %dma_wait3A_468 = tpu.memref_squeeze %dma_wait3A_467 : memref<1x64xi32, #tpu.memory_space<vmem>> -> memref<64xi32, #tpu.memory_space<vmem>>
        %dma_wait3A_469 = arith.constant 0 : i32
        %dma_wait3A_470 = arith.constant 0 : i32
        %dma_wait3A_471 = tpu.memref_slice %arg12[%dma_wait3A_469, %dma_wait3A_470] : memref<10240x128xf32, #tpu.memory_space<vmem_shared>> -> memref<10240x128xf32, #tpu.memory_space<vmem_shared>>
        tpu.wait_indirect_dma semaphore(%run_scoped3A_451 : memref<!tpu.dma_semaphore, #tpu.memory_space<semaphore_mem>>) src(%dma_wait3A_465 : memref<64x128xf32, #tpu.memory_space<vmem>>) dst(%dma_wait3A_471 : memref<10240x128xf32, #tpu.memory_space<vmem_shared>>)
        tpu.yield
      }) : () -> ()
      %add3A_422 = arith.constant 1 : i32
      %add3A_423 = arith.addi %mul3A_387, %add3A_422 : i32
      %add3A_424 = arith.constant 0 : i32
      %add3A_425 = arith.addi %add3A_424, %add3A_423 : i32
      %mul3A_426 = arith.constant 64 : i32
      %mul3A_427 = arith.muli %add3A_425, %mul3A_426 : i32
      %dma_wait3A_428 = arith.constant 1 : i32
      %dma_wait3A_429 = arith.constant 1 : i32
      %dma_wait3A_430 = arith.constant 0 : i32
      %dma_wait3A_431 = arith.constant 0 : i32
      %dma_wait3A_432 = tpu.memref_slice %arg9[%dma_wait3A_428, %dma_wait3A_430, %dma_wait3A_431] : memref<2x64x128xf32, #tpu.memory_space<vmem>> -> memref<1x64x128xf32, #tpu.memory_space<vmem>>
      %dma_wait3A_433 = tpu.memref_squeeze %dma_wait3A_432 : memref<1x64x128xf32, #tpu.memory_space<vmem>> -> memref<64x128xf32, #tpu.memory_space<vmem>>
      %dma_wait3A_434 = tpu.memref_slice %arg7[%mul3A_427] : memref<10112xi32, #tpu.memory_space<vmem>> -> memref<64xi32, #tpu.memory_space<vmem>>
      %dma_wait3A_435 = arith.constant 0 : i32
      %dma_wait3A_436 = arith.constant 0 : i32
      %dma_wait3A_437 = tpu.memref_slice %arg2[%dma_wait3A_435, %dma_wait3A_436] : memref<20000x128xf32, #tpu.memory_space<hbm>> -> memref<20000x128xf32, #tpu.memory_space<hbm>>
      %dma_wait3A_438 = tpu.memref_slice %arg14[%dma_wait3A_429] : memref<2x!tpu.dma_semaphore, #tpu.memory_space<semaphore_mem>> -> memref<1x!tpu.dma_semaphore, #tpu.memory_space<semaphore_mem>>
      %dma_wait3A_439 = tpu.memref_squeeze %dma_wait3A_438 : memref<1x!tpu.dma_semaphore, #tpu.memory_space<semaphore_mem>> -> memref<!tpu.dma_semaphore, #tpu.memory_space<semaphore_mem>>
      tpu.wait_indirect_dma semaphore(%dma_wait3A_439 : memref<!tpu.dma_semaphore, #tpu.memory_space<semaphore_mem>>) src(%dma_wait3A_437 : memref<20000x128xf32, #tpu.memory_space<hbm>>) dst(%dma_wait3A_433 : memref<64x128xf32, #tpu.memory_space<vmem>>)
      %add3A_440 = arith.constant 1 : i32
      %add3A_441 = arith.addi %scan3A_384, %add3A_440 : i32
      %lt3A_442 = arith.constant 79 : i32
      %lt3A_443 = arith.cmpi slt, %add3A_441, %lt3A_442 : i32
      %convert_element_type3A_444 = arith.extui %lt3A_443 : i1 to i32
      %cond3A_445 = arith.constant 0 : i32
      %cond3A_446 = arith.cmpi ne, %convert_element_type3A_444, %cond3A_445 : i32
      scf.if %cond3A_446 {
        %add3A_451 = arith.constant 2 : i32
        %add3A_452 = arith.addi %mul3A_387, %add3A_451 : i32
        %add3A_453 = arith.constant 0 : i32
        %add3A_454 = arith.addi %add3A_453, %add3A_452 : i32
        %mul3A_455 = arith.constant 64 : i32
        %mul3A_456 = arith.muli %add3A_454, %mul3A_455 : i32
        %dma_start3A_457 = arith.constant 0 : i32
        %dma_start3A_458 = arith.constant 0 : i32
        %dma_start3A_459 = arith.constant 0 : i32
        %dma_start3A_460 = arith.constant 0 : i32
        %dma_start3A_461 = tpu.memref_slice %arg9[%dma_start3A_457, %dma_start3A_459, %dma_start3A_460] : memref<2x64x128xf32, #tpu.memory_space<vmem>> -> memref<1x64x128xf32, #tpu.memory_space<vmem>>
        %dma_start3A_462 = tpu.memref_squeeze %dma_start3A_461 : memref<1x64x128xf32, #tpu.memory_space<vmem>> -> memref<64x128xf32, #tpu.memory_space<vmem>>
        %dma_start3A_463 = tpu.memref_slice %arg7[%mul3A_456] : memref<10112xi32, #tpu.memory_space<vmem>> -> memref<64xi32, #tpu.memory_space<vmem>>
        %dma_start3A_464 = arith.constant 0 : i32
        %dma_start3A_465 = arith.constant 0 : i32
        %dma_start3A_466 = tpu.memref_slice %arg2[%dma_start3A_464, %dma_start3A_465] : memref<20000x128xf32, #tpu.memory_space<hbm>> -> memref<20000x128xf32, #tpu.memory_space<hbm>>
        %dma_start3A_467 = tpu.memref_slice %arg14[%dma_start3A_458] : memref<2x!tpu.dma_semaphore, #tpu.memory_space<semaphore_mem>> -> memref<1x!tpu.dma_semaphore, #tpu.memory_space<semaphore_mem>>
        %dma_start3A_468 = tpu.memref_squeeze %dma_start3A_467 : memref<1x!tpu.dma_semaphore, #tpu.memory_space<semaphore_mem>> -> memref<!tpu.dma_semaphore, #tpu.memory_space<semaphore_mem>>
        tpu.enqueue_indirect_dma source(%dma_start3A_466 : memref<20000x128xf32, #tpu.memory_space<hbm>>) target(%dma_start3A_462 : memref<64x128xf32, #tpu.memory_space<vmem>>) offsets(%dma_start3A_463 : memref<64xi32, #tpu.memory_space<vmem>>) semaphore(%dma_start3A_468 : memref<!tpu.dma_semaphore, #tpu.memory_space<semaphore_mem>>)
      } else {
      }
      %add3A_447 = arith.constant 1 : i32
      %add3A_448 = arith.addi %mul3A_387, %add3A_447 : i32
      %run_scoped3A_449 = arith.constant 1 : i32
      "tpu.region"() ({
        %run_scoped3A_451 = tpu.sem_alloc : memref<!tpu.dma_semaphore, #tpu.memory_space<semaphore_mem>>
        %dma_start3A_452 = arith.constant 0 : i32
        %dma_start3A_453 = arith.constant 0 : i32
        %dma_start3A_454 = tpu.memref_slice %arg9[%run_scoped3A_449, %dma_start3A_452, %dma_start3A_453] : memref<2x64x128xf32, #tpu.memory_space<vmem>> -> memref<1x64x128xf32, #tpu.memory_space<vmem>>
        %dma_start3A_455 = tpu.memref_squeeze %dma_start3A_454 : memref<1x64x128xf32, #tpu.memory_space<vmem>> -> memref<64x128xf32, #tpu.memory_space<vmem>>
        %dma_start3A_456 = arith.constant 0 : i32
        %dma_start3A_457 = tpu.memref_slice %arg8[%add3A_448, %dma_start3A_456] : memref<158x64xi32, #tpu.memory_space<vmem>> -> memref<1x64xi32, #tpu.memory_space<vmem>>
        %dma_start3A_458 = tpu.memref_squeeze %dma_start3A_457 : memref<1x64xi32, #tpu.memory_space<vmem>> -> memref<64xi32, #tpu.memory_space<vmem>>
        %dma_start3A_459 = arith.constant 0 : i32
        %dma_start3A_460 = arith.constant 0 : i32
        %dma_start3A_461 = tpu.memref_slice %arg12[%dma_start3A_459, %dma_start3A_460] : memref<10240x128xf32, #tpu.memory_space<vmem_shared>> -> memref<10240x128xf32, #tpu.memory_space<vmem_shared>>
        tpu.enqueue_indirect_dma source(%dma_start3A_455 : memref<64x128xf32, #tpu.memory_space<vmem>>) target(%dma_start3A_461 : memref<10240x128xf32, #tpu.memory_space<vmem_shared>>) offsets(%dma_start3A_458 : memref<64xi32, #tpu.memory_space<vmem>>) semaphore(%run_scoped3A_451 : memref<!tpu.dma_semaphore, #tpu.memory_space<semaphore_mem>>) {add = true}
        %dma_wait3A_462 = arith.constant 0 : i32
        %dma_wait3A_463 = arith.constant 0 : i32
        %dma_wait3A_464 = tpu.memref_slice %arg9[%run_scoped3A_449, %dma_wait3A_462, %dma_wait3A_463] : memref<2x64x128xf32, #tpu.memory_space<vmem>> -> memref<1x64x128xf32, #tpu.memory_space<vmem>>
        %dma_wait3A_465 = tpu.memref_squeeze %dma_wait3A_464 : memref<1x64x128xf32, #tpu.memory_space<vmem>> -> memref<64x128xf32, #tpu.memory_space<vmem>>
        %dma_wait3A_466 = arith.constant 0 : i32
        %dma_wait3A_467 = tpu.memref_slice %arg8[%add3A_448, %dma_wait3A_466] : memref<158x64xi32, #tpu.memory_space<vmem>> -> memref<1x64xi32, #tpu.memory_space<vmem>>
        %dma_wait3A_468 = tpu.memref_squeeze %dma_wait3A_467 : memref<1x64xi32, #tpu.memory_space<vmem>> -> memref<64xi32, #tpu.memory_space<vmem>>
        %dma_wait3A_469 = arith.constant 0 : i32
        %dma_wait3A_470 = arith.constant 0 : i32
        %dma_wait3A_471 = tpu.memref_slice %arg12[%dma_wait3A_469, %dma_wait3A_470] : memref<10240x128xf32, #tpu.memory_space<vmem_shared>> -> memref<10240x128xf32, #tpu.memory_space<vmem_shared>>
        tpu.wait_indirect_dma semaphore(%run_scoped3A_451 : memref<!tpu.dma_semaphore, #tpu.memory_space<semaphore_mem>>) src(%dma_wait3A_465 : memref<64x128xf32, #tpu.memory_space<vmem>>) dst(%dma_wait3A_471 : memref<10240x128xf32, #tpu.memory_space<vmem_shared>>)
        tpu.yield
      }) : () -> ()
      %scan3A_450 = arith.constant 0 : i32
      scf.yield %scan3A_450 : i32
    }
    %scan3A_364 = arith.constant 79 : i32
    %eq3A_365 = arith.constant 0 : i32
    %eq3A_366 = arith.cmpi eq, %arg0, %eq3A_365 : i32
    %convert_element_type3A_367 = arith.extui %eq3A_366 : i1 to i32
    %cond3A_368 = arith.constant 0 : i32
    %cond3A_369 = arith.cmpi ne, %convert_element_type3A_367, %cond3A_368 : i32
    scf.if %cond3A_369 {
      %scan3A_384 = arith.constant 0 : i32
      %scan3A_385 = arith.constant 0 : i32
      %scan3A_386 = arith.constant 158 : i32
      %scan3A_387 = arith.addi %scan3A_385, %scan3A_386 : i32
      %scan3A_388 = arith.constant 1 : i32
      %scan3A_389 = scf.for %scan3A_391 = %scan3A_385 to %scan3A_387 step %scan3A_388 iter_args(%scan3A_392 = %scan3A_384) -> (i32)  : i32 {
        "tpu.region"() ({
          %run_scoped3A_394 = tpu.sem_alloc : memref<!tpu.dma_semaphore, #tpu.memory_space<semaphore_mem>>
          %dma_start3A_395 = arith.constant 0 : i32
          %dma_start3A_396 = tpu.memref_slice %arg8[%scan3A_391, %dma_start3A_395] : memref<158x64xi32, #tpu.memory_space<vmem>> -> memref<1x64xi32, #tpu.memory_space<vmem>>
          %dma_start3A_397 = tpu.memref_squeeze %dma_start3A_396 : memref<1x64xi32, #tpu.memory_space<vmem>> -> memref<64xi32, #tpu.memory_space<vmem>>
          %dma_start3A_398 = arith.constant 0 : i32
          %dma_start3A_399 = tpu.memref_slice %arg13[%dma_start3A_398] : memref<10240xf32, #tpu.memory_space<vmem_shared>> -> memref<10240xf32, #tpu.memory_space<vmem_shared>>
          tpu.enqueue_indirect_dma source(%arg10 : memref<64xf32, #tpu.memory_space<vmem>>) target(%dma_start3A_399 : memref<10240xf32, #tpu.memory_space<vmem_shared>>) offsets(%dma_start3A_397 : memref<64xi32, #tpu.memory_space<vmem>>) semaphore(%run_scoped3A_394 : memref<!tpu.dma_semaphore, #tpu.memory_space<semaphore_mem>>) {add = true}
          %dma_wait3A = arith.constant 0 : i32
          %dma_wait3A_400 = tpu.memref_slice %arg8[%scan3A_391, %dma_wait3A] : memref<158x64xi32, #tpu.memory_space<vmem>> -> memref<1x64xi32, #tpu.memory_space<vmem>>
          %dma_wait3A_401 = tpu.memref_squeeze %dma_wait3A_400 : memref<1x64xi32, #tpu.memory_space<vmem>> -> memref<64xi32, #tpu.memory_space<vmem>>
          %dma_wait3A_402 = arith.constant 0 : i32
          %dma_wait3A_403 = tpu.memref_slice %arg13[%dma_wait3A_402] : memref<10240xf32, #tpu.memory_space<vmem_shared>> -> memref<10240xf32, #tpu.memory_space<vmem_shared>>
          tpu.wait_indirect_dma semaphore(%run_scoped3A_394 : memref<!tpu.dma_semaphore, #tpu.memory_space<semaphore_mem>>) src(%arg10 : memref<64xf32, #tpu.memory_space<vmem>>) dst(%dma_wait3A_403 : memref<10240xf32, #tpu.memory_space<vmem_shared>>)
          tpu.yield
        }) : () -> ()
        %scan3A_393 = arith.constant 0 : i32
        scf.yield %scan3A_393 : i32
      }
      %scan3A_390 = arith.constant 158 : i32
    } else {
    }
    %barrier3A_370 = arith.constant 0 : index
    tpu.barrier barrier_id(%barrier3A_370)
    %lt3A_371 = arith.constant 10 : i32
    %lt3A_372 = arith.cmpi slt, %arg1, %lt3A_371 : i32
    %convert_element_type3A_373 = arith.extui %lt3A_372 : i1 to i32
    %cond3A_374 = arith.constant 0 : i32
    %cond3A_375 = arith.cmpi ne, %convert_element_type3A_373, %cond3A_374 : i32
    scf.if %cond3A_375 {
      %mul3A_384 = arith.constant 1000 : i32
      %mul3A_385 = arith.muli %arg1, %mul3A_384 : i32
      %mul3A_386 = arith.constant 1000 : i32
      %mul3A_387 = arith.muli %arg1, %mul3A_386 : i32
      "tpu.region"() ({
        %run_scoped3A_388 = tpu.sem_alloc : memref<!tpu.dma_semaphore, #tpu.memory_space<semaphore_mem>>
        %dma_start3A_389 = arith.constant 0 : i32
        %dma_start3A_390 = tpu.memref_slice %arg5[%arg0, %mul3A_387, %dma_start3A_389] : memref<2x10000x128xf32, #tpu.memory_space<hbm>> -> memref<1x1000x128xf32, #tpu.memory_space<hbm>>
        %dma_start3A_391 = tpu.memref_squeeze %dma_start3A_390 : memref<1x1000x128xf32, #tpu.memory_space<hbm>> -> memref<1000x128xf32, #tpu.memory_space<hbm>>
        %dma_start3A_392 = arith.constant 0 : i32
        %dma_start3A_393 = tpu.memref_slice %arg12[%mul3A_385, %dma_start3A_392] : memref<10240x128xf32, #tpu.memory_space<vmem_shared>> -> memref<1000x128xf32, #tpu.memory_space<vmem_shared>>
        tpu.enqueue_dma source(%dma_start3A_393 : memref<1000x128xf32, #tpu.memory_space<vmem_shared>>) target(%dma_start3A_391 : memref<1000x128xf32, #tpu.memory_space<hbm>>) target_semaphore(%run_scoped3A_388 : memref<!tpu.dma_semaphore, #tpu.memory_space<semaphore_mem>>)
        %dma_wait3A = arith.constant 0 : i32
        %dma_wait3A_394 = tpu.memref_slice %arg5[%arg0, %mul3A_387, %dma_wait3A] : memref<2x10000x128xf32, #tpu.memory_space<hbm>> -> memref<1x1000x128xf32, #tpu.memory_space<hbm>>
        %dma_wait3A_395 = tpu.memref_squeeze %dma_wait3A_394 : memref<1x1000x128xf32, #tpu.memory_space<hbm>> -> memref<1000x128xf32, #tpu.memory_space<hbm>>
        %dma_wait3A_396 = arith.constant 0 : i32
        %dma_wait3A_397 = tpu.memref_slice %arg12[%mul3A_385, %dma_wait3A_396] : memref<10240x128xf32, #tpu.memory_space<vmem_shared>> -> memref<1000x128xf32, #tpu.memory_space<vmem_shared>>
        tpu.wait_dma2 semaphore(%run_scoped3A_388 : memref<!tpu.dma_semaphore, #tpu.memory_space<semaphore_mem>>) src(%dma_wait3A_397 : memref<1000x128xf32, #tpu.memory_space<vmem_shared>>) dst(%dma_wait3A_395 : memref<1000x128xf32, #tpu.memory_space<hbm>>)
        tpu.yield
      }) : () -> ()
    } else {
    }
    %eq3A_376 = arith.constant 0 : i32
    %eq3A_377 = arith.cmpi eq, %arg0, %eq3A_376 : i32
    %lt3A_378 = arith.constant 10 : i32
    %lt3A_379 = arith.cmpi slt, %arg1, %lt3A_378 : i32
    %and3A_380 = arith.andi %eq3A_377, %lt3A_379 : i1
    %convert_element_type3A_381 = arith.extui %and3A_380 : i1 to i32
    %cond3A_382 = arith.constant 0 : i32
    %cond3A_383 = arith.cmpi ne, %convert_element_type3A_381, %cond3A_382 : i32
    scf.if %cond3A_383 {
      %mul3A_384 = arith.constant 1000 : i32
      %mul3A_385 = arith.muli %arg1, %mul3A_384 : i32
      "tpu.region"() ({
        %run_scoped3A_388 = tpu.sem_alloc : memref<!tpu.dma_semaphore, #tpu.memory_space<semaphore_mem>>
        %dma_start3A_389 = arith.constant 0 : i32
        %dma_start3A_390 = tpu.memref_slice %arg11[%dma_start3A_389] : memref<1024xf32, #tpu.memory_space<vmem>> -> memref<1000xf32, #tpu.memory_space<vmem>>
        %dma_start3A_391 = tpu.memref_slice %arg13[%mul3A_385] : memref<10240xf32, #tpu.memory_space<vmem_shared>> -> memref<1000xf32, #tpu.memory_space<vmem_shared>>
        %dma_start3A_392 = arith.constant 0 : i32
        %dma_start3A_393 = tpu.memref_slice %arg11[%dma_start3A_392] : memref<1024xf32, #tpu.memory_space<vmem>> -> memref<1000xf32, #tpu.memory_space<vmem>>
        %dma_start3A_394 = tpu.memref_slice %arg13[%mul3A_385] : memref<10240xf32, #tpu.memory_space<vmem_shared>> -> memref<1000xf32, #tpu.memory_space<vmem_shared>>
        tpu.enqueue_dma source(%dma_start3A_394 : memref<1000xf32, #tpu.memory_space<vmem_shared>>) target(%dma_start3A_393 : memref<1000xf32, #tpu.memory_space<vmem>>) target_semaphore(%run_scoped3A_388 : memref<!tpu.dma_semaphore, #tpu.memory_space<semaphore_mem>>)
        %dma_wait3A = arith.constant 0 : i32
        %dma_wait3A_395 = tpu.memref_slice %arg11[%dma_wait3A] : memref<1024xf32, #tpu.memory_space<vmem>> -> memref<1000xf32, #tpu.memory_space<vmem>>
        %dma_wait3A_396 = tpu.memref_slice %arg13[%mul3A_385] : memref<10240xf32, #tpu.memory_space<vmem_shared>> -> memref<1000xf32, #tpu.memory_space<vmem_shared>>
        %dma_wait3A_397 = arith.constant 0 : i32
        %dma_wait3A_398 = tpu.memref_slice %arg11[%dma_wait3A_397] : memref<1024xf32, #tpu.memory_space<vmem>> -> memref<1000xf32, #tpu.memory_space<vmem>>
        %dma_wait3A_399 = tpu.memref_slice %arg13[%mul3A_385] : memref<10240xf32, #tpu.memory_space<vmem_shared>> -> memref<1000xf32, #tpu.memory_space<vmem_shared>>
        tpu.wait_dma2 semaphore(%run_scoped3A_388 : memref<!tpu.dma_semaphore, #tpu.memory_space<semaphore_mem>>) src(%dma_wait3A_399 : memref<1000xf32, #tpu.memory_space<vmem_shared>>) dst(%dma_wait3A_398 : memref<1000xf32, #tpu.memory_space<vmem>>)
        tpu.yield
      }) : () -> ()
      %mul3A_386 = arith.constant 1000 : i32
      %mul3A_387 = arith.muli %arg1, %mul3A_386 : i32
      "tpu.region"() ({
        %run_scoped3A_388 = tpu.sem_alloc : memref<!tpu.dma_semaphore, #tpu.memory_space<semaphore_mem>>
        %dma_start3A_389 = arith.constant 0 : i32
        %dma_start3A_390 = tpu.memref_slice %arg11[%dma_start3A_389] : memref<1024xf32, #tpu.memory_space<vmem>> -> memref<1000xf32, #tpu.memory_space<vmem>>
        %dma_start3A_391 = tpu.memref_slice %arg6[%mul3A_387] : memref<10000xf32, #tpu.memory_space<hbm>> -> memref<1000xf32, #tpu.memory_space<hbm>>
        %dma_start3A_392 = tpu.memref_slice %arg6[%mul3A_387] : memref<10000xf32, #tpu.memory_space<hbm>> -> memref<1000xf32, #tpu.memory_space<hbm>>
        %dma_start3A_393 = arith.constant 0 : i32
        %dma_start3A_394 = tpu.memref_slice %arg11[%dma_start3A_393] : memref<1024xf32, #tpu.memory_space<vmem>> -> memref<1000xf32, #tpu.memory_space<vmem>>
        tpu.enqueue_dma source(%dma_start3A_394 : memref<1000xf32, #tpu.memory_space<vmem>>) target(%dma_start3A_392 : memref<1000xf32, #tpu.memory_space<hbm>>) target_semaphore(%run_scoped3A_388 : memref<!tpu.dma_semaphore, #tpu.memory_space<semaphore_mem>>)
        %dma_wait3A = arith.constant 0 : i32
        %dma_wait3A_395 = tpu.memref_slice %arg11[%dma_wait3A] : memref<1024xf32, #tpu.memory_space<vmem>> -> memref<1000xf32, #tpu.memory_space<vmem>>
        %dma_wait3A_396 = tpu.memref_slice %arg6[%mul3A_387] : memref<10000xf32, #tpu.memory_space<hbm>> -> memref<1000xf32, #tpu.memory_space<hbm>>
        %dma_wait3A_397 = tpu.memref_slice %arg6[%mul3A_387] : memref<10000xf32, #tpu.memory_space<hbm>> -> memref<1000xf32, #tpu.memory_space<hbm>>
        %dma_wait3A_398 = arith.constant 0 : i32
        %dma_wait3A_399 = tpu.memref_slice %arg11[%dma_wait3A_398] : memref<1024xf32, #tpu.memory_space<vmem>> -> memref<1000xf32, #tpu.memory_space<vmem>>
        tpu.wait_dma2 semaphore(%run_scoped3A_388 : memref<!tpu.dma_semaphore, #tpu.memory_space<semaphore_mem>>) src(%dma_wait3A_399 : memref<1000xf32, #tpu.memory_space<vmem>>) dst(%dma_wait3A_397 : memref<1000xf32, #tpu.memory_space<hbm>>)
        tpu.yield
      }) : () -> ()
    } else {
    }
    return
  }
}

module attributes {stable_mosaic.version = 14 : i64} {
  func.func @_tc_r_body(%arg0: i32, %arg1: memref<400x256xf32, #tpu.memory_space<vmem>>, %arg2: memref<256x256xf32, #tpu.memory_space<vmem>>, %arg3: memref<1x256xf32, #tpu.memory_space<vmem>>, %arg4: memref<400x256xf32, #tpu.memory_space<vmem>>) attributes {dimension_semantics = [#tpu.dimension_semantics<arbitrary>], iteration_bounds = array<i64: 25>, scalar_prefetch = 0 : i64, scratch_operands = 0 : i64, tpu.core_type = #tpu.core_type<tc>, window_params = [{transform_indices = @transform_0, window_bounds = array<i64: 400, 256>}, {pipeline_mode = #tpu.pipeline_mode<synchronous>, transform_indices = @transform_1, window_bounds = array<i64: 256, 256>}, {pipeline_mode = #tpu.pipeline_mode<synchronous>, transform_indices = @transform_2, window_bounds = array<i64: 1, 256>}, {transform_indices = @transform_3, window_bounds = array<i64: 400, 256>}]} {
    %get3A = arith.constant 0 : index
    %get3A_0 = arith.constant 0 : index
    %get3A_1 = vector.load %arg1[%get3A, %get3A_0] : memref<400x256xf32, #tpu.memory_space<vmem>>, vector<400x256xf32>
    %get3A_2 = arith.constant 0 : index
    %get3A_3 = arith.constant 0 : index
    %get3A_4 = vector.load %arg2[%get3A_2, %get3A_3] : memref<256x256xf32, #tpu.memory_space<vmem>>, vector<256x256xf32>
    %dot_general3A = arith.constant dense<0.000000e+00> : vector<400x256xf32>
    %dot_general3A_5 = tpu.matmul %get3A_1, %get3A_4, %dot_general3A {dimension_numbers = #tpu.dot_dimension_numbers<[1], [1], [0], [0], [0, 0, 1, 0], [], []>, transpose_lhs_hint = false} : vector<400x256xf32>, vector<256x256xf32>, vector<400x256xf32> -> vector<400x256xf32>
    %get3A_6 = arith.constant 0 : index
    %get3A_7 = arith.constant 0 : index
    %get3A_8 = vector.load %arg3[%get3A_6, %get3A_7] : memref<1x256xf32, #tpu.memory_space<vmem>>, vector<1x256xf32>
    %add3A = vector.broadcast %get3A_8 : vector<1x256xf32> to vector<400x256xf32>
    %add3A_9 = arith.addf %dot_general3A_5, %add3A : vector<400x256xf32>
    %swap3A = arith.constant 0 : index
    %swap3A_10 = arith.constant 0 : index
    %swap3A_11 = vector.load %arg4[%swap3A, %swap3A_10] : memref<400x256xf32, #tpu.memory_space<vmem>>, vector<400x256xf32>
    tpu.vector_store %arg4[%swap3A, %swap3A_10], %add3A_9 {strides = array<i32>} : memref<400x256xf32, #tpu.memory_space<vmem>>, vector<400x256xf32>,
    return
  }
  func.func @transform_0(%arg0: i32) -> (i32, i32) {
    %c0_i32 = arith.constant 0 : i32
    %c0_i32_0 = arith.constant 0 : i32
    return %arg0, %c0_i32 : i32, i32
  }
  func.func @transform_1(%arg0: i32) -> (i32, i32) {
    %c0_i32 = arith.constant 0 : i32
    %c0_i32_0 = arith.constant 0 : i32
    %c0_i32_1 = arith.constant 0 : i32
    return %c0_i32, %c0_i32_0 : i32, i32
  }
  func.func @transform_2(%arg0: i32) -> (i32, i32) {
    %c0_i32 = arith.constant 0 : i32
    %c0_i32_0 = arith.constant 0 : i32
    %c0_i32_1 = arith.constant 0 : i32
    return %c0_i32, %c0_i32_0 : i32, i32
  }
  func.func @transform_3(%arg0: i32) -> (i32, i32) {
    %c0_i32 = arith.constant 0 : i32
    %c0_i32_0 = arith.constant 0 : i32
    return %arg0, %c0_i32 : i32, i32
  }
}

module attributes {stable_mosaic.version = 14 : i64} {
  func.func @_tc_y_body(%arg0: i32, %arg1: memref<400x256xf32, #tpu.memory_space<vmem>>, %arg2: memref<256x256xf32, #tpu.memory_space<vmem>>, %arg3: memref<2x400x128xf32, #tpu.memory_space<vmem>>) attributes {dimension_semantics = [#tpu.dimension_semantics<arbitrary>], iteration_bounds = array<i64: 25>, scalar_prefetch = 0 : i64, scratch_operands = 0 : i64, tpu.core_type = #tpu.core_type<tc>, window_params = [{transform_indices = @transform_0, window_bounds = array<i64: 400, 256>}, {pipeline_mode = #tpu.pipeline_mode<synchronous>, transform_indices = @transform_1, window_bounds = array<i64: 256, 256>}, {transform_indices = @transform_2, window_bounds = array<i64: 2, 400, 128>}]} {
    %get3A = arith.constant 0 : index
    %get3A_0 = arith.constant 0 : index
    %get3A_1 = vector.load %arg1[%get3A, %get3A_0] : memref<400x256xf32, #tpu.memory_space<vmem>>, vector<400x256xf32>
    %get3A_2 = arith.constant 0 : index
    %get3A_3 = arith.constant 0 : index
    %get3A_4 = vector.load %arg2[%get3A_2, %get3A_3] : memref<256x256xf32, #tpu.memory_space<vmem>>, vector<256x256xf32>
    %dot_general3A = arith.constant dense<0.000000e+00> : vector<400x256xf32>
    %dot_general3A_5 = tpu.matmul %get3A_1, %get3A_4, %dot_general3A {dimension_numbers = #tpu.dot_dimension_numbers<[1], [1], [0], [0], [0, 0, 1, 0], [], []>, transpose_lhs_hint = false} : vector<400x256xf32>, vector<256x256xf32>, vector<400x256xf32> -> vector<400x256xf32>
    %slice3A = vector.extract_strided_slice %dot_general3A_5 {offsets = [0, 0], sizes = [400, 128], strides = [1, 1]} : vector<400x256xf32> to vector<400x128xf32>
    %swap3A = arith.constant 0 : index
    %swap3A_6 = arith.constant 0 : index
    %swap3A_7 = arith.constant 0 : index
    %swap3A_8 = vector.load %arg3[%swap3A, %swap3A_6, %swap3A_7] : memref<2x400x128xf32, #tpu.memory_space<vmem>>, vector<1x400x128xf32>
    %swap3A_9 = vector.shape_cast %swap3A_8 : vector<1x400x128xf32> to vector<400x128xf32>
    %swap3A_10 = vector.shape_cast %slice3A : vector<400x128xf32> to vector<1x400x128xf32>
    tpu.vector_store %arg3[%swap3A, %swap3A_6, %swap3A_7], %swap3A_10 {strides = array<i32>} : memref<2x400x128xf32, #tpu.memory_space<vmem>>, vector<1x400x128xf32>,
    %slice3A_11 = vector.extract_strided_slice %dot_general3A_5 {offsets = [0, 128], sizes = [400, 128], strides = [1, 1]} : vector<400x256xf32> to vector<400x128xf32>
    %swap3A_12 = arith.constant 1 : index
    %swap3A_13 = arith.constant 0 : index
    %swap3A_14 = arith.constant 0 : index
    %swap3A_15 = vector.load %arg3[%swap3A_12, %swap3A_13, %swap3A_14] : memref<2x400x128xf32, #tpu.memory_space<vmem>>, vector<1x400x128xf32>
    %swap3A_16 = vector.shape_cast %swap3A_15 : vector<1x400x128xf32> to vector<400x128xf32>
    %swap3A_17 = vector.shape_cast %slice3A_11 : vector<400x128xf32> to vector<1x400x128xf32>
    tpu.vector_store %arg3[%swap3A_12, %swap3A_13, %swap3A_14], %swap3A_17 {strides = array<i32>} : memref<2x400x128xf32, #tpu.memory_space<vmem>>, vector<1x400x128xf32>,
    return
  }
  func.func @transform_0(%arg0: i32) -> (i32, i32) {
    %c0_i32 = arith.constant 0 : i32
    %c0_i32_0 = arith.constant 0 : i32
    return %arg0, %c0_i32 : i32, i32
  }
  func.func @transform_1(%arg0: i32) -> (i32, i32) {
    %c0_i32 = arith.constant 0 : i32
    %c0_i32_0 = arith.constant 0 : i32
    %c0_i32_1 = arith.constant 0 : i32
    return %c0_i32, %c0_i32_0 : i32, i32
  }
  func.func @transform_2(%arg0: i32) -> (i32, i32, i32) {
    %c0_i32 = arith.constant 0 : i32
    %c0_i32_0 = arith.constant 0 : i32
    %c0_i32_1 = arith.constant 0 : i32
    return %c0_i32, %arg0, %c0_i32_0 : i32, i32, i32
  }
}

module attributes {stable_mosaic.version = 14 : i64} {
  func.func @_tc_mid_body(%arg0: i32, %arg1: memref<2x400x128xf32, #tpu.memory_space<vmem>>, %arg2: memref<400x1xf32, #tpu.memory_space<vmem>>, %arg3: memref<400x256xf32, #tpu.memory_space<vmem>>, %arg4: memref<256x256xf32, #tpu.memory_space<vmem>>, %arg5: memref<256x256xf32, #tpu.memory_space<vmem>>, %arg6: memref<1x256xf32, #tpu.memory_space<vmem>>, %arg7: memref<2x400x128xf32, #tpu.memory_space<vmem>>, %arg8: memref<400x256xf32, #tpu.memory_space<vmem>>) attributes {dimension_semantics = [#tpu.dimension_semantics<arbitrary>], iteration_bounds = array<i64: 25>, scalar_prefetch = 0 : i64, scratch_operands = 0 : i64, tpu.core_type = #tpu.core_type<tc>, window_params = [{transform_indices = @transform_0, window_bounds = array<i64: 2, 400, 128>}, {transform_indices = @transform_1, window_bounds = array<i64: 400, 1>}, {transform_indices = @transform_2, window_bounds = array<i64: 400, 256>}, {pipeline_mode = #tpu.pipeline_mode<synchronous>, transform_indices = @transform_3, window_bounds = array<i64: 256, 256>}, {pipeline_mode = #tpu.pipeline_mode<synchronous>, transform_indices = @transform_4, window_bounds = array<i64: 256, 256>}, {pipeline_mode = #tpu.pipeline_mode<synchronous>, transform_indices = @transform_5, window_bounds = array<i64: 1, 256>}, {transform_indices = @transform_6, window_bounds = array<i64: 2, 400, 128>}, {transform_indices = @transform_7, window_bounds = array<i64: 400, 256>}]} {
    %get3A = arith.constant 0 : index
    %get3A_0 = arith.constant 0 : index
    %get3A_1 = vector.load %arg2[%get3A, %get3A_0] : memref<400x1xf32, #tpu.memory_space<vmem>>, vector<400x1xf32>
    %max3A = arith.constant 1.000000e+00 : f32
    %max3A_2 = vector.broadcast %max3A : f32 to vector<400x1xf32>
    %max3A_3 = arith.maximumf %get3A_1, %max3A_2 : vector<400x1xf32>
    %div3A = arith.constant 1.000000e+00 : f32
    %div3A_4 = vector.broadcast %div3A : f32 to vector<400x1xf32>
    %div3A_5 = arith.divf %div3A_4, %max3A_3 : vector<400x1xf32>
    %get3A_6 = arith.constant 0 : index
    %get3A_7 = arith.constant 0 : index
    %get3A_8 = arith.constant 0 : index
    %get3A_9 = vector.load %arg1[%get3A_6, %get3A_7, %get3A_8] : memref<2x400x128xf32, #tpu.memory_space<vmem>>, vector<1x400x128xf32>
    %get3A_10 = vector.shape_cast %get3A_9 : vector<1x400x128xf32> to vector<400x128xf32>
    %get3A_11 = arith.constant 1 : index
    %get3A_12 = arith.constant 0 : index
    %get3A_13 = arith.constant 0 : index
    %get3A_14 = vector.load %arg1[%get3A_11, %get3A_12, %get3A_13] : memref<2x400x128xf32, #tpu.memory_space<vmem>>, vector<1x400x128xf32>
    %get3A_15 = vector.shape_cast %get3A_14 : vector<1x400x128xf32> to vector<400x128xf32>
    %concatenate3A = tpu.concatenate %get3A_10, %get3A_15 in 1 : vector<400x128xf32>, vector<400x128xf32> -> vector<400x256xf32>
    %mul3A = vector.broadcast %div3A_5 : vector<400x1xf32> to vector<400x256xf32>
    %mul3A_16 = arith.mulf %concatenate3A, %mul3A : vector<400x256xf32>
    %get3A_17 = arith.constant 0 : index
    %get3A_18 = arith.constant 0 : index
    %get3A_19 = vector.load %arg3[%get3A_17, %get3A_18] : memref<400x256xf32, #tpu.memory_space<vmem>>, vector<400x256xf32>
    %add3A = arith.addf %mul3A_16, %get3A_19 : vector<400x256xf32>
    %get3A_20 = arith.constant 0 : index
    %get3A_21 = arith.constant 0 : index
    %get3A_22 = vector.load %arg4[%get3A_20, %get3A_21] : memref<256x256xf32, #tpu.memory_space<vmem>>, vector<256x256xf32>
    %dot_general3A = arith.constant dense<0.000000e+00> : vector<400x256xf32>
    %dot_general3A_23 = tpu.matmul %add3A, %get3A_22, %dot_general3A {dimension_numbers = #tpu.dot_dimension_numbers<[1], [1], [0], [0], [0, 0, 1, 0], [], []>, transpose_lhs_hint = false} : vector<400x256xf32>, vector<256x256xf32>, vector<400x256xf32> -> vector<400x256xf32>
    %slice3A = vector.extract_strided_slice %dot_general3A_23 {offsets = [0, 0], sizes = [400, 128], strides = [1, 1]} : vector<400x256xf32> to vector<400x128xf32>
    %swap3A = arith.constant 0 : index
    %swap3A_24 = arith.constant 0 : index
    %swap3A_25 = arith.constant 0 : index
    %swap3A_26 = vector.load %arg7[%swap3A, %swap3A_24, %swap3A_25] : memref<2x400x128xf32, #tpu.memory_space<vmem>>, vector<1x400x128xf32>
    %swap3A_27 = vector.shape_cast %swap3A_26 : vector<1x400x128xf32> to vector<400x128xf32>
    %swap3A_28 = vector.shape_cast %slice3A : vector<400x128xf32> to vector<1x400x128xf32>
    tpu.vector_store %arg7[%swap3A, %swap3A_24, %swap3A_25], %swap3A_28 {strides = array<i32>} : memref<2x400x128xf32, #tpu.memory_space<vmem>>, vector<1x400x128xf32>,
    %slice3A_29 = vector.extract_strided_slice %dot_general3A_23 {offsets = [0, 128], sizes = [400, 128], strides = [1, 1]} : vector<400x256xf32> to vector<400x128xf32>
    %swap3A_30 = arith.constant 1 : index
    %swap3A_31 = arith.constant 0 : index
    %swap3A_32 = arith.constant 0 : index
    %swap3A_33 = vector.load %arg7[%swap3A_30, %swap3A_31, %swap3A_32] : memref<2x400x128xf32, #tpu.memory_space<vmem>>, vector<1x400x128xf32>
    %swap3A_34 = vector.shape_cast %swap3A_33 : vector<1x400x128xf32> to vector<400x128xf32>
    %swap3A_35 = vector.shape_cast %slice3A_29 : vector<400x128xf32> to vector<1x400x128xf32>
    tpu.vector_store %arg7[%swap3A_30, %swap3A_31, %swap3A_32], %swap3A_35 {strides = array<i32>} : memref<2x400x128xf32, #tpu.memory_space<vmem>>, vector<1x400x128xf32>,
    %get3A_36 = arith.constant 0 : index
    %get3A_37 = arith.constant 0 : index
    %get3A_38 = vector.load %arg5[%get3A_36, %get3A_37] : memref<256x256xf32, #tpu.memory_space<vmem>>, vector<256x256xf32>
    %dot_general3A_39 = arith.constant dense<0.000000e+00> : vector<400x256xf32>
    %dot_general3A_40 = tpu.matmul %add3A, %get3A_38, %dot_general3A_39 {dimension_numbers = #tpu.dot_dimension_numbers<[1], [1], [0], [0], [0, 0, 1, 0], [], []>, transpose_lhs_hint = false} : vector<400x256xf32>, vector<256x256xf32>, vector<400x256xf32> -> vector<400x256xf32>
    %get3A_41 = arith.constant 0 : index
    %get3A_42 = arith.constant 0 : index
    %get3A_43 = vector.load %arg6[%get3A_41, %get3A_42] : memref<1x256xf32, #tpu.memory_space<vmem>>, vector<1x256xf32>
    %add3A_44 = vector.broadcast %get3A_43 : vector<1x256xf32> to vector<400x256xf32>
    %add3A_45 = arith.addf %dot_general3A_40, %add3A_44 : vector<400x256xf32>
    %swap3A_46 = arith.constant 0 : index
    %swap3A_47 = arith.constant 0 : index
    %swap3A_48 = vector.load %arg8[%swap3A_46, %swap3A_47] : memref<400x256xf32, #tpu.memory_space<vmem>>, vector<400x256xf32>
    tpu.vector_store %arg8[%swap3A_46, %swap3A_47], %add3A_45 {strides = array<i32>} : memref<400x256xf32, #tpu.memory_space<vmem>>, vector<400x256xf32>,
    return
  }
  func.func @transform_0(%arg0: i32) -> (i32, i32, i32) {
    %c0_i32 = arith.constant 0 : i32
    %c0_i32_0 = arith.constant 0 : i32
    %c0_i32_1 = arith.constant 0 : i32
    return %c0_i32, %arg0, %c0_i32_0 : i32, i32, i32
  }
  func.func @transform_1(%arg0: i32) -> (i32, i32) {
    %c0_i32 = arith.constant 0 : i32
    %c0_i32_0 = arith.constant 0 : i32
    return %arg0, %c0_i32 : i32, i32
  }
  func.func @transform_2(%arg0: i32) -> (i32, i32) {
    %c0_i32 = arith.constant 0 : i32
    %c0_i32_0 = arith.constant 0 : i32
    return %arg0, %c0_i32 : i32, i32
  }
  func.func @transform_3(%arg0: i32) -> (i32, i32) {
    %c0_i32 = arith.constant 0 : i32
    %c0_i32_0 = arith.constant 0 : i32
    %c0_i32_1 = arith.constant 0 : i32
    return %c0_i32, %c0_i32_0 : i32, i32
  }
  func.func @transform_4(%arg0: i32) -> (i32, i32) {
    %c0_i32 = arith.constant 0 : i32
    %c0_i32_0 = arith.constant 0 : i32
    %c0_i32_1 = arith.constant 0 : i32
    return %c0_i32, %c0_i32_0 : i32, i32
  }
  func.func @transform_5(%arg0: i32) -> (i32, i32) {
    %c0_i32 = arith.constant 0 : i32
    %c0_i32_0 = arith.constant 0 : i32
    %c0_i32_1 = arith.constant 0 : i32
    return %c0_i32, %c0_i32_0 : i32, i32
  }
  func.func @transform_6(%arg0: i32) -> (i32, i32, i32) {
    %c0_i32 = arith.constant 0 : i32
    %c0_i32_0 = arith.constant 0 : i32
    %c0_i32_1 = arith.constant 0 : i32
    return %c0_i32, %arg0, %c0_i32_0 : i32, i32, i32
  }
  func.func @transform_7(%arg0: i32) -> (i32, i32) {
    %c0_i32 = arith.constant 0 : i32
    %c0_i32_0 = arith.constant 0 : i32
    return %arg0, %c0_i32 : i32, i32
  }
}

module attributes {stable_mosaic.version = 14 : i64} {
  func.func @_tc_post_body(%arg0: i32, %arg1: memref<2x400x128xf32, #tpu.memory_space<vmem>>, %arg2: memref<400x1xf32, #tpu.memory_space<vmem>>, %arg3: memref<400x256xf32, #tpu.memory_space<vmem>>, %arg4: memref<400x256xf32, #tpu.memory_space<vmem>>) attributes {dimension_semantics = [#tpu.dimension_semantics<arbitrary>], iteration_bounds = array<i64: 25>, scalar_prefetch = 0 : i64, scratch_operands = 0 : i64, tpu.core_type = #tpu.core_type<tc>, window_params = [{transform_indices = @transform_0, window_bounds = array<i64: 2, 400, 128>}, {transform_indices = @transform_1, window_bounds = array<i64: 400, 1>}, {transform_indices = @transform_2, window_bounds = array<i64: 400, 256>}, {transform_indices = @transform_3, window_bounds = array<i64: 400, 256>}]} {
    %get3A = arith.constant 0 : index
    %get3A_0 = arith.constant 0 : index
    %get3A_1 = vector.load %arg2[%get3A, %get3A_0] : memref<400x1xf32, #tpu.memory_space<vmem>>, vector<400x1xf32>
    %max3A = arith.constant 1.000000e+00 : f32
    %max3A_2 = vector.broadcast %max3A : f32 to vector<400x1xf32>
    %max3A_3 = arith.maximumf %get3A_1, %max3A_2 : vector<400x1xf32>
    %div3A = arith.constant 1.000000e+00 : f32
    %div3A_4 = vector.broadcast %div3A : f32 to vector<400x1xf32>
    %div3A_5 = arith.divf %div3A_4, %max3A_3 : vector<400x1xf32>
    %get3A_6 = arith.constant 0 : index
    %get3A_7 = arith.constant 0 : index
    %get3A_8 = arith.constant 0 : index
    %get3A_9 = vector.load %arg1[%get3A_6, %get3A_7, %get3A_8] : memref<2x400x128xf32, #tpu.memory_space<vmem>>, vector<1x400x128xf32>
    %get3A_10 = vector.shape_cast %get3A_9 : vector<1x400x128xf32> to vector<400x128xf32>
    %get3A_11 = arith.constant 1 : index
    %get3A_12 = arith.constant 0 : index
    %get3A_13 = arith.constant 0 : index
    %get3A_14 = vector.load %arg1[%get3A_11, %get3A_12, %get3A_13] : memref<2x400x128xf32, #tpu.memory_space<vmem>>, vector<1x400x128xf32>
    %get3A_15 = vector.shape_cast %get3A_14 : vector<1x400x128xf32> to vector<400x128xf32>
    %concatenate3A = tpu.concatenate %get3A_10, %get3A_15 in 1 : vector<400x128xf32>, vector<400x128xf32> -> vector<400x256xf32>
    %mul3A = vector.broadcast %div3A_5 : vector<400x1xf32> to vector<400x256xf32>
    %mul3A_16 = arith.mulf %concatenate3A, %mul3A : vector<400x256xf32>
    %get3A_17 = arith.constant 0 : index
    %get3A_18 = arith.constant 0 : index
    %get3A_19 = vector.load %arg3[%get3A_17, %get3A_18] : memref<400x256xf32, #tpu.memory_space<vmem>>, vector<400x256xf32>
    %add3A = arith.addf %mul3A_16, %get3A_19 : vector<400x256xf32>
    %swap3A = arith.constant 0 : index
    %swap3A_20 = arith.constant 0 : index
    %swap3A_21 = vector.load %arg4[%swap3A, %swap3A_20] : memref<400x256xf32, #tpu.memory_space<vmem>>, vector<400x256xf32>
    tpu.vector_store %arg4[%swap3A, %swap3A_20], %add3A {strides = array<i32>} : memref<400x256xf32, #tpu.memory_space<vmem>>, vector<400x256xf32>,
    return
  }
  func.func @transform_0(%arg0: i32) -> (i32, i32, i32) {
    %c0_i32 = arith.constant 0 : i32
    %c0_i32_0 = arith.constant 0 : i32
    %c0_i32_1 = arith.constant 0 : i32
    return %c0_i32, %arg0, %c0_i32_0 : i32, i32, i32
  }
  func.func @transform_1(%arg0: i32) -> (i32, i32) {
    %c0_i32 = arith.constant 0 : i32
    %c0_i32_0 = arith.constant 0 : i32
    return %arg0, %c0_i32 : i32, i32
  }
  func.func @transform_2(%arg0: i32) -> (i32, i32) {
    %c0_i32 = arith.constant 0 : i32
    %c0_i32_0 = arith.constant 0 : i32
    return %arg0, %c0_i32 : i32, i32
  }
  func.func @transform_3(%arg0: i32) -> (i32, i32) {
    %c0_i32 = arith.constant 0 : i32
    %c0_i32_0 = arith.constant 0 : i32
    return %arg0, %c0_i32 : i32, i32
  }
}

</mosaic_0001>

<sc_bundles>
// kernel: kernel.11.cloned.1.call-start
scs
__scs_entry_jumppad:
0x0: {  	(pc) =	sbr.rel $0x88, $3  }
0x1: {  	(tag) =	ssettag $0x0;
	lr =	simm.s32 $0x1  }
0x2: {  	[smem:$0x3F99] =	sst lr;
	_ =	strace $0xD0000000  }
0x3: {  	_ = 	snop  }
0x4: {  	_ = 	snop  }
0x5: {  	_ = 	snop  }
0x6: {  	_ = 	snop  }
0x7: {  	_ = 	snop  }
__scs_overlays_trampoline_lowered:
0x8: {  	[smem:$0x3FA8] =	sst s0  }
0x9: {  	[smem:$0x3FA9] =	sst s1  }
0xa: {  	[smem:$0x3FAA] =	sst s2  }
0xb: {  	[smem:$0x3FAB] =	sst s3  }
0xc: {  	[smem:$0x3FAC] =	sst s4  }
0xd: {  	[smem:$0x3FAD] =	sst s5  }
0xe: {  	[smem:$0x3FAE] =	sst s6  }
0xf: {  	[smem:$0x3FAF] =	sst s7  }
0x10: {  	[smem:$0x3FB0] =	sst s8  }
0x11: {  	[smem:$0x3FB1] =	sst s9;
	s0 =	simm.s32 @!p0 $0x0  }
0x12: {  	s1 =	sld [smem:$0x3F97];
	s0 =	simm.s32 @p0 $0x1  }
0x13: {  	[smem:$0x3FB2] =	sst s0;
	s0 =	simm.s32 @!p1 $0x0  }
0x14: {  	s2 =	sld [smem:$0x3F96];
	s0 =	simm.s32 @p1 $0x1  }
0x15: {  	[smem:$0x3FB3] =	sst s0;
	s0 =	simm.s32 @!p2 $0x0  }
0x16: {  	s3 =	sld [smem:$0x3FDB];
	s0 =	simm.s32 @p2 $0x1  }
0x17: {  	s4 =	simm.s32 $0x1BF5;
	[smem:$0x3FB5] =	sst s0  }
0x18: {  	s0 =	sld [smem:$0x3F98];
	_ =	swait.ge [sflag:s4], $0x0  }
0x19: {  	s7 =	sld [smem:$0x3F99]  }
0x1a: {  	s8 =	sadd.s32 $0xFFFFE003, lr  }
0x1b: {  	s9 =	sadd.s32 $0xFFFFFEF7, lr;
	s5 =	simm.s32 $0xFFFFFFFF;
	p2 =	slt.u32 s8, $0xFFFFF086  }
0x1c: {  	p1 =	slt.u32 s9, $0xF7A;
	s5 =	simm.s32 @!p2 $0x0  }
0x1d: {  	s5 =	simm.s32 @p1 $0x1;
	p0 =	seq.s32 s7, s2  }
0x1e: {  	s7 =	smul.u32 @!p0 $0xF7A, s2;
	p2 =	seq.s32 @!p0 s5, $0x0  }
0x1f: {  	s9 =	smul.u32 $0xF7A, s1;
	s8 =	simm.s32 @!p0 $0x1BF5;
	p2 =	por !p2, p0  }
0x20: {  	[sflag:s8] =	ssyncset.s32 @!p0 $0xFFFFF086;
	s6 =	sadd.s32 @!p0 s3, s7;
	s7 =	simm.s32 @!p0 $0x108  }
0x21: {  	s3 =	sadd.s32 s3, s9;
	s6 =	sadd.s32 @!p0 $0x88, s6;
	s7 =	simm.s32 @p2 $0x1082  }
0x22: {  	[simem:s7], [sflag:s8] =	dma.local @!p0 [hbm:s6], $0xF7A  }
0x23: {  	s9 =	sor.u32 $0xD0000000, s2;
	s6 =	simm.s32 $0x108;
	_ =	swait.ge @!p0 [sflag:s8], $0x0  }
0x24: {  	s3 =	sadd.s32 $0x88, s3;
	s6 =	simm.s32 @!p1 $0x1082;
	[sflag:s4] =	ssyncset.s32 $0xFFFFF086  }
0x25: {  	[simem:s6], [sflag:s4] =	dma.local [hbm:s3], $0xF7A  }
0x26: {  	[smem:$0x3F99] =	sst s1;
	(tag) =	ssettag s2;
	_ =	strace s9  }
0x27: {  	s1 =	sld [smem:$0x3FA9]  }
0x28: {  	s2 =	sld [smem:$0x3FAA]  }
0x29: {  	s4 =	sld [smem:$0x3FAC]  }
0x2a: {  	p0 =	seq.s32 s5, $0x0;
	s5 =	sld [smem:$0x3FAD]  }
0x2b: {  	s6 =	sld [smem:$0x3FAE]  }
0x2c: {  	s7 =	sld [smem:$0x3FAF]  }
0x2d: {  	s3 =	simm.s32 $0x108;
	s8 =	sld [smem:$0x3FB0]  }
0x2e: {  	s3 =	simm.s32 @!p0 $0x1082;
	s9 =	sld [smem:$0x3FB1]  }
0x2f: {  	lr =	sadd.s32 s0, s3;
	s0 =	sld [smem:$0x3FA8]  }
0x30: {  	s3 =	sld [smem:$0x3FAB]  }
0x31: {  	[smem:$0x3FB4] =	sst s10  }
0x32: {  	s10 =	sld [smem:$0x3FB2];
	_ =	sdelay $0x3  }
0x33: {  	p0 =	seq.s32 s10, $0x1;
	s10 =	sld [smem:$0x3FB4];
	_ =	sdelay $0x3  }
0x34: {  	[smem:$0x3FB4] =	sst s10  }
0x35: {  	s10 =	sld [smem:$0x3FB3];
	_ =	sdelay $0x3  }
0x36: {  	p1 =	seq.s32 s10, $0x1;
	s10 =	sld [smem:$0x3FB4];
	_ =	sdelay $0x3  }
0x37: {  	[smem:$0x3FB4] =	sst s10  }
0x38: {  	s10 =	sld [smem:$0x3FB5]  }
0x39: {  	_ = 	snop;
	(pc) =	sbr.ind lr, $3  }
0x3a: {  	_ = 	snop  }
0x3b: {  	_ = 	snop  }
0x3c: {  	p2 =	seq.s32 s10, $0x1;
	s10 =	sld [smem:$0x3FB4]  }
0x3d: {  	_ =	shalt  }
0x3e: {  	_ =	shalt  }
0x3f: {  	_ =	shalt  }
0x40: {  	_ =	shalt  }
0x41: {  	_ =	shalt  }
0x42: {  	_ =	shalt  }
0x43: {  	_ =	shalt  }
0x44: {  	_ =	shalt  }
0x45: {  	_ =	shalt  }
0x46: {  	_ =	shalt  }
0x47: {  	_ =	shalt  }
0x48: {  	_ =	shalt  }
0x49: {  	_ =	shalt  }
0x4a: {  	_ =	shalt  }
0x4b: {  	_ =	shalt  }
0x4c: {  	_ =	shalt  }
0x4d: {  	_ =	shalt  }
0x4e: {  	_ =	shalt  }
0x4f: {  	_ =	shalt  }
0x50: {  	_ =	shalt  }
0x51: {  	_ =	shalt  }
0x52: {  	_ =	shalt  }
0x53: {  	_ =	shalt  }
0x54: {  	_ =	shalt  }
0x55: {  	_ =	shalt  }
0x56: {  	_ =	shalt  }
0x57: {  	_ =	shalt  }
0x58: {  	_ =	shalt  }
0x59: {  	_ =	shalt  }
0x5a: {  	_ =	shalt  }
0x5b: {  	_ =	shalt  }
0x5c: {  	_ =	shalt  }
0x5d: {  	_ =	shalt  }
0x5e: {  	_ =	shalt  }
0x5f: {  	_ =	shalt  }
0x60: {  	_ =	shalt  }
0x61: {  	_ =	shalt  }
0x62: {  	_ =	shalt  }
0x63: {  	_ =	shalt  }
0x64: {  	_ =	shalt  }
0x65: {  	_ =	shalt  }
0x66: {  	_ =	shalt  }
0x67: {  	_ =	shalt  }
0x68: {  	_ =	shalt  }
0x69: {  	_ =	shalt  }
0x6a: {  	_ =	shalt  }
0x6b: {  	_ =	shalt  }
0x6c: {  	_ =	shalt  }
0x6d: {  	_ =	shalt  }
0x6e: {  	_ =	shalt  }
0x6f: {  	_ =	shalt  }
0x70: {  	_ =	shalt  }
0x71: {  	_ =	shalt  }
0x72: {  	_ =	shalt  }
0x73: {  	_ =	shalt  }
0x74: {  	_ =	shalt  }
0x75: {  	_ =	shalt  }
0x76: {  	_ =	shalt  }
0x77: {  	_ =	shalt  }
0x78: {  	_ =	shalt  }
0x79: {  	_ =	shalt  }
0x7a: {  	_ =	shalt  }
0x7b: {  	_ =	shalt  }
0x7c: {  	_ =	shalt  }
0x7d: {  	_ =	shalt  }
0x7e: {  	_ =	shalt  }
0x7f: {  	_ =	shalt  }
0x80: {  	_ =	shalt  }
0x81: {  	_ =	shalt  }
0x82: {  	_ =	shalt  }
0x83: {  	_ =	shalt  }
0x84: {  	_ =	shalt  }
0x85: {  	_ =	shalt  }
0x86: {  	_ =	shalt  }
0x87: {  	_ =	shalt  }
.Lfunc_end0:
.L_simem_size_0:
called_computation.1_lowered:
.L_overlay_start_0:
0x88: {  	s2 =	sld [smem:$0x3FD9]  }
0x89: {  	s3 =	sld [smem:$0x3FFE];
	_ =	sdelay $0x1  }
0x8a: {  	s1 =	srdreg.scid  }
0x8b: {  	s0 =	sand.u32 $0x1, s1  }
0x8c: {  	s17 =	sshll.u32 s0, $0xA;
	s2 =	sadd.s32 s3, s2  }
0x8d: {  	s2 =	sadd.s32 s2, s17  }
0x8e: {  	[smem:$0x3FC0] =	sst s2  }
0x8f: {  	_ = 	snop  }
0x90: {  	s2 =	sld [smem:$0x3FD0];
	(tm) =	ssettm $0x1  }
0x91: {  	s18 =	sld [smem:$0x3FFB];
	_ =	sdelay $0x3  }
0x92: {  	_ =	strace s18  }
0x93: {  	s3 =	sld [smem:$0x3FFC];
	_ =	sdelay $0x3  }
0x94: {  	_ =	strace s3  }
0x95: {  	s3 =	sld [smem:$0x3FFD];
	_ =	sdelay $0x3  }
0x96: {  	_ =	strace s3  }
0x97: {  	_ =	strace $0x8FFFFFFF  }
0x98: {  	s19 =	sld [smem:$0x3FDB];
	_ =	sdelay $0x1  }
0x99: {  	s4 =	simm.s32 $_scs_section_size  }
0x9a: {  	s5 =	simm.s32 $_size__tile_overlayer_lowered;
	s6 =	simm.s32 $_tile_overlayer_lowered  }
0x9b: {  	s22 =	simm.s32 $0x1BFF;
	s21 =	sshll.u32 s6, $0x1;
	s3 =	sadd.s32 s4, s19  }
0x9c: {  	s7 =	simm.s32 $0x0;
	s20 =	sshll.u32 s5, $0x1;
	s5 =	sadd.s32 s21, s3  }
0x9d: {  	[timem:s7], [sflag:s22] =	dma.local [hbm:s5], s20  }
0x9e: {  	_ =	swait.ge [sflag:s22], s20  }
0x9f: {  	s4 =	ssub.s32 $0x0, s20;
	[sflag:s22] =	ssyncset.done $0x0  }
0xa0: {  	[sflag:s22] =	ssyncadd.s32 s4;
	_ =	sdelay $0x1  }
0xa1: {  	s23 =	simm.s32 $0x1B8B  }
0xa2: {  	_ =	swait.ge [sflag:s23], $0x1  }
0xa3: {  	[sflag:s23] =	ssyncset.done $0x0  }
0xa4: {  	s25 =	simm.s32 $0x1B8E;
	s24 =	sld [smem:$0x3FFE];
	[sflag:s23] =	ssyncadd.s32 $0xFFFFFFFF  }
0xa5: {  	s26 =	simm.s32 $execute0_lowered;
	[smem:$0x3FD2] =	sst s25  }
0xa6: {  	s5 =	sshll.u32 s26, $0x1;
	_ =	strace $0x80000049;
	[dreg:$0x1] =	wrdreg $0xFFFFFFFF  }
0xa7: {  	s28 =	simm.s32 $_size_execute0_lowered;
	s3 =	sadd.s32 s3, s5;
	[dreg:$0x0] =	wrdreg $0x0  }
0xa8: {  	s5 =	sshll.u32 s28, $0x1;
	[dreg:$0x2] =	wrdreg s3  }
0xa9: {  	[dreg:$0x3] =	wrdreg s5  }
0xaa: {  	[dreg:$0x4] =	wrdreg $0xC0  }
0xab: {  	_ =	task [dreg:s7], $0x5FFFF  }
0xac: {  	[dreg:$0x1] =	wrdreg $0xFFFFFFFF  }
0xad: {  	[dreg:$0x0] =	wrdreg $0x60  }
0xae: {  	[dreg:$0x2] =	wrdreg s2  }
0xaf: {  	[dreg:$0x3] =	wrdreg s24  }
0xb0: {  	[dreg:$0x4] =	wrdreg $0xB7800  }
0xb1: {  	[dreg:$0x5] =	wrdreg $0x9  }
0xb2: {  	_ =	task.clear_ibuf [dreg:s7], $0x6FFFF;
	_ =	strace $0x90000049  }
0xb3: {  	s29 =	simm.s32 $0x9;
	_ =	strace $0x8000004B  }
0xb4: {  	_ =	swait.ge [sflag:s29], $0x1  }
0xb5: {  	[sflag:s29] =	ssyncadd.s32 $0xFFFFFFFF  }
0xb6: {  	_ =	strace $0x9000004B  }
0xb7: {  	_ =	sfence  }
0xb8: {  	s30 =	sld [smem:$0x0];
	_ =	sdelay $0x2  }
0xb9: {  	s31 =	sshll.u32 s1, $0xD;
	s1 =	sshrl.u32 s1, $0x2  }
0xba: {  	s3 =	sand.u32 $0x4000, s31;
	s1 =	sadd.s32 s1, s30  }
0xbb: {  	s0 =	sor.u32 s3, s0;
	s1 =	sshll.u32 s1, $0x11  }
0xbc: {  	s0 =	sor.u32 s1, s0  }
0xbd: {  	s0 =	sadd.s32 $0x8F2B, s0  }
0xbe: {  	[sflag:s0] =	ssyncadd.remote.s32 $0x1  }
0xbf: {  	_ =	sfence.sel $0xFFFF  }
0xc0: {  	[dreg:$0x0] =	wrdreg $0xFFFFFFFF;
	(pc) =	sbr.abs _section_cstart, $3  }
0xc1: {  	[dreg:$0x1] =	wrdreg $0xFFFFFFFF  }
0xc2: {  	_ =	task.clear_ibuf [dreg:s7], $0x2FFFF;
	_ =	strace $0x9FFFFFFF  }
0xc3: {  	(tm) =	ssettm $0x7FFFFFFF  }
tec
execute0_lowered:
.L_overlay_start_1:
0x0: {  	(tag) =	ssettag $0x1  }
0x1: {  	s1 =	rddreg [dreg:$0x0]  }
0x2: {  	s3 =	rddreg [dreg:$0x1]  }
0x3: {  	s0 =	stileid.u32;
	s2 =	rddreg [dreg:$0x2]  }
0x4: {  	s21 =	srdreg.scid;
	s7 =	smul.u32 $0xA00, s0  }
0x5: {  	s20 =	simm.s32 $0x3;
	s28 =	simm.s32 $0x9780;
	s22 =	smul.u32 $0x1F400, s0  }
0x6: {  	s29 =	simm.s32 $0x2;
	s30 =	simm.s32 $0x2740;
	s9 =	smul.u32 $0x50000, s0  }
0x7: {  	s31 =	simm.s32 $0x7580;
	s4 =	sshrl.u32 s0, $0x3;
	s19 =	smul.u32 $0x7D000, s0  }
0x8: {  	s6 =	sshll.u32 s0, $0x7;
	s16 =	sand.u32 $0x1, s21;
	s5 =	smul.u32 $0x13C00, s4  }
0x9: {  	p0 =	sgt.u32 s0, $0x9;
	s6 =	sand.u32 $0x380, s6;
	s8 =	smul.u32 $0x138800, s16  }
0xa: {  	s4 =	simm.s32 $0x0;
	s24 =	ssub.s32 $0x2, s16;
	s21 =	smul.u32 $0x2710, s16  }
0xb: {  	[smem:$0x7FF] =	sst s4;
	s17 =	sadd.s32 s7, s3;
	s25 =	sshrl.u32 s9, $0x2  }
0xc: {  	s26 =	sshrl.u32 s24, $0x1;
	s19 =	sshrl.u32 s19, $0x2;
	s5 =	sor.u32 s6, s5  }
0xd: {  	_ =	strace $0x8000004A;
	s23 =	sadd.s32 s22, s8;
	s18 =	ssub.s32 s24, s26  }
0xe: {  	s16 =	sadd.s32 $0x7800, s17;
	s26 =	simm.s32 $0x1;
	s5 =	sshrl.u32 s5, $0x3  }
0xf: {  	s8 =	sshrl.u32 s23, $0x3;
	s18 =	smax.u32 s18, $0x1;
	s15 =	sadd.s32 s5, s3  }
0x10: {  	s5 =	sadd.s32 s25, s2;
	s3 =	sadd.s32 s8, s3;
	s25 =	simm.s32 $0x40  }
0x11: {  	s6 =	sadd.s32 $0x2000, s5;
	s7 =	sadd.s32 $0x4000, s5;
	s8 =	sadd.s32 $0x6000, s5  }
0x12: {  	s9 =	sadd.s32 $0x8000, s5;
	s10 =	sadd.s32 $0xA000, s5;
	s11 =	sadd.s32 $0xC000, s5  }
0x13: {  	s12 =	sadd.s32 $0xE000, s5;
	s13 =	sadd.s32 $0x10000, s5;
	s14 =	sadd.s32 $0x12000, s5  }
0x14: {  	s15 =	sadd.s32 $0x2800, s15;
	s17 =	sadd.s32 $0x11800, s3;
	s3 =	sadd.s32 s19, s2  }
0x15: {  	v1 =	vimm.f32 $0.0e+00;
	v0 =	vmov s21;
	s19 =	simm.s32 $0x7780;
	s24 =	sshrl.u32 @!p0 s3, $0x3;
	s3 =	simm.s32 $0x7600  }
.LBB2_1:
0x16: {  	s21 =	simm.s32 $0x0;
	s22 =	simm.s32 $0x200  }
.LBB2_2:
0x17: {  	p1 =	sne.s32 s22, $0x7E00;
	[tilespmem:s21+$0x77F0] =	vst v1  }
0x18: {  	[tilespmem:s21+$0x7780] =	vst v1  }
0x19: {  	[tilespmem:s21+$0x7790] =	vst v1  }
.Ltmp0:
0x1a: {  	[tilespmem:s21+$0x77A0] =	vst v1;
	(pc) =	sbr.rel @p1 .LBB2_2-.Ltmp0, $4  }
0x1b: {  	[tilespmem:s21+$0x77B0] =	vst v1  }
0x1c: {  	[tilespmem:s21+$0x77C0] =	vst v1  }
0x1d: {  	[tilespmem:s21+$0x77D0] =	vst v1  }
0x1e: {  	[tilespmem:s21+$0x77E0] =	vst v1;
	s21 =	sshra.s32 s22, $0x2;
	s22 =	sadd.s32 $0x200, s22  }
0x1f: {  	[tilespmem:s21+$0x77F0] =	vst v1  }
0x20: {  	[tilespmem:s21+$0x7780] =	vst v1  }
0x21: {  	[tilespmem:s21+$0x7790] =	vst v1  }
0x22: {  	[tilespmem:s21+$0x77A0] =	vst v1  }
0x23: {  	[tilespmem:s21+$0x77B0] =	vst v1  }
0x24: {  	[tilespmem:s21+$0x77C0] =	vst v1  }
0x25: {  	[tilespmem:s21+$0x77D0] =	vst v1  }
0x26: {  	[tilespmem:s21+$0x77E0] =	vst v1  }
0x27: {  	[spmem:s5] =	stream.linear.scatter [tilespmem:s19], [sflag:$0x3], $0x2000, $0x38;
	[tilespmem:$0x1F780] =	vst v63  }
0x28: {  	_ =	swait.ge [sflag:s20], $0x2000  }
0x29: {  	[sflag:s20] =	ssyncset.done $0x0  }
0x2a: {  	[sflag:s20] =	ssyncadd.s32 $0xFFFFE000  }
0x2b: {  	[spmem:s6] =	stream.linear.scatter [tilespmem:s19], [sflag:$0x3], $0x2000, $0x38;
	[tilespmem:$0x1F780] =	vst v63  }
0x2c: {  	_ =	swait.ge [sflag:s20], $0x2000  }
0x2d: {  	[sflag:s20] =	ssyncset.done $0x0  }
0x2e: {  	[sflag:s20] =	ssyncadd.s32 $0xFFFFE000  }
0x2f: {  	[spmem:s7] =	stream.linear.scatter [tilespmem:s19], [sflag:$0x3], $0x2000, $0x38;
	[tilespmem:$0x1F780] =	vst v63  }
0x30: {  	_ =	swait.ge [sflag:s20], $0x2000  }
0x31: {  	[sflag:s20] =	ssyncset.done $0x0  }
0x32: {  	[sflag:s20] =	ssyncadd.s32 $0xFFFFE000  }
0x33: {  	[spmem:s8] =	stream.linear.scatter [tilespmem:s19], [sflag:$0x3], $0x2000, $0x38;
	[tilespmem:$0x1F780] =	vst v63  }
0x34: {  	_ =	swait.ge [sflag:s20], $0x2000  }
0x35: {  	[sflag:s20] =	ssyncset.done $0x0  }
0x36: {  	[sflag:s20] =	ssyncadd.s32 $0xFFFFE000  }
0x37: {  	[spmem:s9] =	stream.linear.scatter [tilespmem:s19], [sflag:$0x3], $0x2000, $0x38;
	[tilespmem:$0x1F780] =	vst v63  }
0x38: {  	_ =	swait.ge [sflag:s20], $0x2000  }
0x39: {  	[sflag:s20] =	ssyncset.done $0x0  }
0x3a: {  	[sflag:s20] =	ssyncadd.s32 $0xFFFFE000  }
0x3b: {  	[spmem:s10] =	stream.linear.scatter [tilespmem:s19], [sflag:$0x3], $0x2000, $0x38;
	[tilespmem:$0x1F780] =	vst v63  }
0x3c: {  	_ =	swait.ge [sflag:s20], $0x2000  }
0x3d: {  	[sflag:s20] =	ssyncset.done $0x0  }
0x3e: {  	[sflag:s20] =	ssyncadd.s32 $0xFFFFE000  }
0x3f: {  	[spmem:s11] =	stream.linear.scatter [tilespmem:s19], [sflag:$0x3], $0x2000, $0x38;
	[tilespmem:$0x1F780] =	vst v63  }
0x40: {  	_ =	swait.ge [sflag:s20], $0x2000  }
0x41: {  	[sflag:s20] =	ssyncset.done $0x0  }
0x42: {  	[sflag:s20] =	ssyncadd.s32 $0xFFFFE000  }
0x43: {  	[spmem:s12] =	stream.linear.scatter [tilespmem:s19], [sflag:$0x3], $0x2000, $0x38;
	[tilespmem:$0x1F780] =	vst v63  }
0x44: {  	_ =	swait.ge [sflag:s20], $0x2000  }
0x45: {  	[sflag:s20] =	ssyncset.done $0x0  }
0x46: {  	[sflag:s20] =	ssyncadd.s32 $0xFFFFE000  }
0x47: {  	[spmem:s13] =	stream.linear.scatter [tilespmem:s19], [sflag:$0x3], $0x2000, $0x38;
	[tilespmem:$0x1F780] =	vst v63  }
0x48: {  	_ =	swait.ge [sflag:s20], $0x2000  }
0x49: {  	[sflag:s20] =	ssyncset.done $0x0  }
0x4a: {  	[sflag:s20] =	ssyncadd.s32 $0xFFFFE000  }
0x4b: {  	[spmem:s14] =	stream.linear.scatter [tilespmem:s19], [sflag:$0x3], $0x2000, $0x38;
	[tilespmem:$0x1F780] =	vst v63  }
0x4c: {  	_ =	swait.ge [sflag:s20], $0x2000  }
0x4d: {  	s23 =	simm.s32 $0x0;
	[sflag:s20] =	ssyncset.done $0x0  }
0x4e: {  	s0 =	simm.s32 $0x80;
	s22 =	simm.s32 $0x400;
	[sflag:s20] =	ssyncadd.s32 $0xFFFFE000  }
0x4f: {  	[tilespmem:s23], [sflag:$0x3] =	stream.strided.gather [hbm4b:s15+s0], $0x2780, s22, s0, $0x38;
	[tilespmem:$0x1F780] =	vst v63  }
0x50: {  	_ =	swait.ge [sflag:s20], $0x2780  }
0x51: {  	[sflag:s20] =	ssyncset.done $0x0  }
0x52: {  	s21 =	simm.s32 $0x0;
	s22 =	simm.s32 $0x40;
	[sflag:s20] =	ssyncadd.s32 $0xFFFFD880  }
.LBB2_4:
0x53: {  	p1 =	sne.s32 s22, $0x9DC0;
	v2 =	vld [tilespmem:s21+$0x0];
	_ =	sdelay $0x1  }
.Ltmp1:
0x54: {  	(pc) =	sbr.rel @p1 .LBB2_4-.Ltmp1, $3  }
0x55: {  	_ =	sdelay $0x1  }
0x56: {  	v2 =	vadd.s32 v0, v2  }
0x57: {  	[tilespmem:s21+$0x0] =	vst v2;
	s21 =	sshra.s32 s22, $0x2;
	s22 =	sadd.s32 $0x40, s22  }
0x58: {  	v2 =	vld [tilespmem:s21+$0x0];
	_ =	sdelay $0x4  }
0x59: {  	v2 =	vadd.s32 v0, v2  }
0x5a: {  	[tilespmem:s21+$0x0] =	vst v2  }
0x5b: {  	s23 =	simm.s32 $0x0;
	s0 =	simm.s32 $0x2780;
	[bflag:$0x0] =	sbarrier.arrive $0xFFFF  }
0x5c: {  	[tilespmem:s0], [sflag:$0x3] =	stream.linear.gather [hbm4b:s16+s23], $0x4F00, $0x38;
	[tilespmem:$0x1F780] =	vst v63  }
0x5d: {  	_ =	swait.ge [sflag:s20], $0x4F00  }
0x5e: {  	[sflag:s20] =	ssyncset.done $0x0  }
0x5f: {  	[sflag:s20] =	ssyncadd.s32 $0xFFFFB100  }
0x60: {  	[tilespmem:s19], [sflag:$0x1] =	stream.indirect.gather [hbm4b:s1+s25], $0x80, s23, s25, $0xb8;
	[tilespmem:$0x1F780] =	vst v63  }
0x61: {  	_ =	swait.ge [sflag:s26], $0x2000  }
0x62: {  	[sflag:s26] =	ssyncset.done $0x0  }
0x63: {  	s22 =	simm.s32 $0x40;
	[sflag:s26] =	ssyncadd.s32 $0xFFFFE000  }
0x64: {  	[tilespmem:s28], [sflag:$0x2] =	stream.indirect.gather [hbm4b:s1+s25], $0x80, s22, s25, $0xb8;
	[tilespmem:$0x1F780] =	vst v63  }
0x65: {  	s23 =	simm.s32 $0x2780  }
0x66: {  	[spmem:s2] =	stream.indirect.scatter.add.f32 [tilespmem:s19], [sflag:$0x3], $0x80, s23, s25, $0xb8;
	[tilespmem:$0x1F780] =	vst v63  }
0x67: {  	_ =	swait.ge [sflag:s20], $0x2000  }
0x68: {  	[sflag:s20] =	ssyncset.done $0x0  }
0x69: {  	[sflag:s20] =	ssyncadd.s32 $0xFFFFE000  }
0x6a: {  	_ =	swait.ge [sflag:s29], $0x2000  }
0x6b: {  	[sflag:s29] =	ssyncset.done $0x0  }
0x6c: {  	s21 =	simm.s32 $0x80;
	[sflag:s29] =	ssyncadd.s32 $0xFFFFE000  }
0x6d: {  	[tilespmem:s19], [sflag:$0x1] =	stream.indirect.gather [hbm4b:s1+s25], $0x80, s21, s25, $0xb8;
	[tilespmem:$0x1F780] =	vst v63  }
0x6e: {  	s22 =	simm.s32 $0x2800  }
0x6f: {  	[spmem:s2] =	stream.indirect.scatter.add.f32 [tilespmem:s28], [sflag:$0x3], $0x80, s22, s25, $0xb8;
	[tilespmem:$0x1F780] =	vst v63  }
0x70: {  	_ =	swait.ge [sflag:s20], $0x2000  }
0x71: {  	s22 =	simm.s32 $0x400;
	[sflag:s20] =	ssyncset.done $0x0  }
.LBB2_6:
0x72: {  	p1 =	sne.s32 s22, $0x13400;
	[sflag:s20] =	ssyncadd.s32 $0xFFFFE000;
	s21 =	sadd.s32 $0x80, s21  }
0x73: {  	s23 =	smov.u32 s22;
	s22 =	sadd.s32 $0x400, s22  }
0x74: {  	_ =	swait.ge [sflag:s26], $0x2000  }
0x75: {  	[sflag:s26] =	ssyncset.done $0x0  }
0x76: {  	s0 =	sadd.s32 $0xFFFFFFC0, s21;
	s23 =	sshra.s32 s23, $0x2;
	[sflag:s26] =	ssyncadd.s32 $0xFFFFE000  }
0x77: {  	[tilespmem:s28], [sflag:$0x2] =	stream.indirect.gather [hbm4b:s1+s25], $0x80, s0, s25, $0xb8;
	[tilespmem:$0x1F780] =	vst v63  }
0x78: {  	s0 =	sadd.s32 $0x2780, s23  }
0x79: {  	[spmem:s2] =	stream.indirect.scatter.add.f32 [tilespmem:s19], [sflag:$0x3], $0x80, s0, s25, $0xb8;
	[tilespmem:$0x1F780] =	vst v63  }
0x7a: {  	_ =	swait.ge [sflag:s20], $0x2000  }
0x7b: {  	[sflag:s20] =	ssyncset.done $0x0  }
0x7c: {  	[sflag:s20] =	ssyncadd.s32 $0xFFFFE000  }
0x7d: {  	_ =	swait.ge [sflag:s29], $0x2000  }
0x7e: {  	[sflag:s29] =	ssyncset.done $0x0  }
0x7f: {  	[sflag:s29] =	ssyncadd.s32 $0xFFFFE000  }
0x80: {  	[tilespmem:s19], [sflag:$0x1] =	stream.indirect.gather [hbm4b:s1+s25], $0x80, s21, s25, $0xb8;
	[tilespmem:$0x1F780] =	vst v63  }
.Ltmp2:
0x81: {  	_ = 	snop;
	(pc) =	sbr.rel @p1 .LBB2_6-.Ltmp2, $4  }
0x82: {  	s0 =	sadd.s32 $0x2800, s23  }
0x83: {  	[spmem:s2] =	stream.indirect.scatter.add.f32 [tilespmem:s28], [sflag:$0x3], $0x80, s0, s25, $0xb8;
	[tilespmem:$0x1F780] =	vst v63  }
0x84: {  	_ =	swait.ge [sflag:s20], $0x2000  }
0x85: {  	[sflag:s20] =	ssyncset.done $0x0  }
0x86: {  	[sflag:s20] =	ssyncadd.s32 $0xFFFFE000  }
0x87: {  	_ =	swait.ge [sflag:s26], $0x2000  }
0x88: {  	[sflag:s26] =	ssyncset.done $0x0  }
0x89: {  	[sflag:s26] =	ssyncadd.s32 $0xFFFFE000  }
0x8a: {  	[tilespmem:s28], [sflag:$0x2] =	stream.indirect.gather [hbm4b:s1+s25], $0x80, s30, s25, $0xb8;
	[tilespmem:$0x1F780] =	vst v63  }
0x8b: {  	_ = 	snop  }
0x8c: {  	[spmem:s2] =	stream.indirect.scatter.add.f32 [tilespmem:s19], [sflag:$0x3], $0x80, s31, s25, $0xb8;
	[tilespmem:$0x1F780] =	vst v63  }
0x8d: {  	_ =	swait.ge [sflag:s20], $0x2000  }
0x8e: {  	[sflag:s20] =	ssyncset.done $0x0  }
0x8f: {  	[sflag:s20] =	ssyncadd.s32 $0xFFFFE000  }
0x90: {  	_ =	swait.ge [sflag:s29], $0x2000  }
0x91: {  	[sflag:s29] =	ssyncset.done $0x0  }
0x92: {  	[sflag:s29] =	ssyncadd.s32 $0xFFFFE000  }
0x93: {  	[spmem:s2] =	stream.indirect.scatter.add.f32 [tilespmem:s28], [sflag:$0x3], $0x80, s3, s25, $0xb8;
	[tilespmem:$0x1F780] =	vst v63  }
0x94: {  	_ =	swait.ge [sflag:s20], $0x2000  }
0x95: {  	s0 =	stileid.u32;
	[sflag:s20] =	ssyncset.done $0x0  }
0x96: {  	s4 =	sadd.s32 $0x1, s4;
	s0 =	sshll.u32 @!p0 s0, $0x6;
	[sflag:s20] =	ssyncadd.s32 $0xFFFFE000  }
0x97: {  	p1 =	sne.s32 s4, s18;
	s0 =	sor.u32 @!p0 $0x1C03, s0;
	[bflag:$0x0] =	sbarrier.arrive $0xFFFF  }
0x98: {  	[hbm:s17], [sflag:s0] =	dma.local @!p0 [spmem:s24], $0x3E80  }
.Ltmp3:
0x99: {  	_ = 	snop;
	(pc) =	sbr.rel @p1 .LBB2_1-.Ltmp3, $4  }
0x9a: {  	s0 =	simm.s32 @!p0 $0x3  }
0x9b: {  	_ =	swait.ge @!p0 [sflag:s0], $0x3E80  }
0x9c: {  	[sflag:s0] =	ssyncset.done @!p0 $0x0  }
0x9d: {  	[sflag:s0] =	ssyncadd.s32 @!p0 $0xFFFFC180  }
0x9e: {  	_ =	sfence.sel $0x180000  }
0x9f: {  	[bflag:$0x0] =	sbarrier.arrive $0xFFFF  }
0xa0: {  	_ =	strace $0x9000004A  }
0xa1: {  	s0 =	stileid.u32;
	[bflag:$0x2] =	sbarrier.arrive $0xFFFF  }
0xa2: {  	p0 =	sne.s32 s0, $0x0;
	s0 =	rddreg [dreg:$0x3]  }
0xa3: {  	s0 =	sadd.s32 @!p0 $0x100000, s0  }
0xa4: {  	[sflag:s0] =	ssyncadd.tile.s32 @!p0 $0x1;
	_ =	shalt  }
.Lfunc_end2:
_tile_overlayer_lowered:
.L_overlay_start_2:
0xa5: {  	(tag) =	ssettag $0x2  }
0xa6: {  	s0 =	rddreg [dreg:$0x0];
	s2 =	stileid.u32  }
0xa7: {  	s1 =	rddreg [dreg:$0x1];
	p0 =	sne.s32 s2, $0x0  }
0xa8: {  	s3 =	rddreg [dreg:$0x2];
	[bflag:$0x3] =	sbarrier.arrive $0xFFFF;
	s2 =	simm.s32 @!p0 $0x1C03  }
0xa9: {  	[timem:s3], [sflag:s2] =	dma.local @!p0 [hbm:s0], s1  }
0xaa: {  	s0 =	simm.s32 @!p0 $0x3  }
0xab: {  	_ =	swait.ge @!p0 [sflag:s0], s1  }
0xac: {  	s1 =	ssub.s32 @!p0 $0x0, s1;
	[sflag:s0] =	ssyncset.done @!p0 $0x0  }
0xad: {  	[sflag:s0] =	ssyncadd.s32 @!p0 s1  }
0xae: {  	[bflag:$0x3] =	sbarrier.arrive $0xFFFF  }
0xaf: {  	_ =	shalt  }

// kernel: kernel.8.cloned.1.call-start
scs
__scs_entry_jumppad:
0x0: {  	(pc) =	sbr.rel $0x88, $3  }
0x1: {  	(tag) =	ssettag $0x0;
	lr =	simm.s32 $0x1  }
0x2: {  	[smem:$0x3F99] =	sst lr;
	_ =	strace $0xD0000000  }
0x3: {  	_ = 	snop  }
0x4: {  	_ = 	snop  }
0x5: {  	_ = 	snop  }
0x6: {  	_ = 	snop  }
0x7: {  	_ = 	snop  }
__scs_overlays_trampoline_lowered:
0x8: {  	[smem:$0x3FA8] =	sst s0  }
0x9: {  	[smem:$0x3FA9] =	sst s1  }
0xa: {  	[smem:$0x3FAA] =	sst s2  }
0xb: {  	[smem:$0x3FAB] =	sst s3  }
0xc: {  	[smem:$0x3FAC] =	sst s4  }
0xd: {  	[smem:$0x3FAD] =	sst s5  }
0xe: {  	[smem:$0x3FAE] =	sst s6  }
0xf: {  	[smem:$0x3FAF] =	sst s7  }
0x10: {  	[smem:$0x3FB0] =	sst s8  }
0x11: {  	[smem:$0x3FB1] =	sst s9;
	s0 =	simm.s32 @!p0 $0x0  }
0x12: {  	s1 =	sld [smem:$0x3F97];
	s0 =	simm.s32 @p0 $0x1  }
0x13: {  	[smem:$0x3FB2] =	sst s0;
	s0 =	simm.s32 @!p1 $0x0  }
0x14: {  	s2 =	sld [smem:$0x3F96];
	s0 =	simm.s32 @p1 $0x1  }
0x15: {  	[smem:$0x3FB3] =	sst s0;
	s0 =	simm.s32 @!p2 $0x0  }
0x16: {  	s3 =	sld [smem:$0x3FDB];
	s0 =	simm.s32 @p2 $0x1  }
0x17: {  	s4 =	simm.s32 $0x1BF5;
	[smem:$0x3FB5] =	sst s0  }
0x18: {  	s0 =	sld [smem:$0x3F98];
	_ =	swait.ge [sflag:s4], $0x0  }
0x19: {  	s7 =	sld [smem:$0x3F99]  }
0x1a: {  	s8 =	sadd.s32 $0xFFFFE003, lr  }
0x1b: {  	s9 =	sadd.s32 $0xFFFFFEF7, lr;
	s5 =	simm.s32 $0xFFFFFFFF;
	p2 =	slt.u32 s8, $0xFFFFF086  }
0x1c: {  	p1 =	slt.u32 s9, $0xF7A;
	s5 =	simm.s32 @!p2 $0x0  }
0x1d: {  	s5 =	simm.s32 @p1 $0x1;
	p0 =	seq.s32 s7, s2  }
0x1e: {  	s7 =	smul.u32 @!p0 $0xF7A, s2;
	p2 =	seq.s32 @!p0 s5, $0x0  }
0x1f: {  	s9 =	smul.u32 $0xF7A, s1;
	s8 =	simm.s32 @!p0 $0x1BF5;
	p2 =	por !p2, p0  }
0x20: {  	[sflag:s8] =	ssyncset.s32 @!p0 $0xFFFFF086;
	s6 =	sadd.s32 @!p0 s3, s7;
	s7 =	simm.s32 @!p0 $0x108  }
0x21: {  	s3 =	sadd.s32 s3, s9;
	s6 =	sadd.s32 @!p0 $0x88, s6;
	s7 =	simm.s32 @p2 $0x1082  }
0x22: {  	[simem:s7], [sflag:s8] =	dma.local @!p0 [hbm:s6], $0xF7A  }
0x23: {  	s9 =	sor.u32 $0xD0000000, s2;
	s6 =	simm.s32 $0x108;
	_ =	swait.ge @!p0 [sflag:s8], $0x0  }
0x24: {  	s3 =	sadd.s32 $0x88, s3;
	s6 =	simm.s32 @!p1 $0x1082;
	[sflag:s4] =	ssyncset.s32 $0xFFFFF086  }
0x25: {  	[simem:s6], [sflag:s4] =	dma.local [hbm:s3], $0xF7A  }
0x26: {  	[smem:$0x3F99] =	sst s1;
	(tag) =	ssettag s2;
	_ =	strace s9  }
0x27: {  	s1 =	sld [smem:$0x3FA9]  }
0x28: {  	s2 =	sld [smem:$0x3FAA]  }
0x29: {  	s4 =	sld [smem:$0x3FAC]  }
0x2a: {  	p0 =	seq.s32 s5, $0x0;
	s5 =	sld [smem:$0x3FAD]  }
0x2b: {  	s6 =	sld [smem:$0x3FAE]  }
0x2c: {  	s7 =	sld [smem:$0x3FAF]  }
0x2d: {  	s3 =	simm.s32 $0x108;
	s8 =	sld [smem:$0x3FB0]  }
0x2e: {  	s3 =	simm.s32 @!p0 $0x1082;
	s9 =	sld [smem:$0x3FB1]  }
0x2f: {  	lr =	sadd.s32 s0, s3;
	s0 =	sld [smem:$0x3FA8]  }
0x30: {  	s3 =	sld [smem:$0x3FAB]  }
0x31: {  	[smem:$0x3FB4] =	sst s10  }
0x32: {  	s10 =	sld [smem:$0x3FB2];
	_ =	sdelay $0x3  }
0x33: {  	p0 =	seq.s32 s10, $0x1;
	s10 =	sld [smem:$0x3FB4];
	_ =	sdelay $0x3  }
0x34: {  	[smem:$0x3FB4] =	sst s10  }
0x35: {  	s10 =	sld [smem:$0x3FB3];
	_ =	sdelay $0x3  }
0x36: {  	p1 =	seq.s32 s10, $0x1;
	s10 =	sld [smem:$0x3FB4];
	_ =	sdelay $0x3  }
0x37: {  	[smem:$0x3FB4] =	sst s10  }
0x38: {  	s10 =	sld [smem:$0x3FB5]  }
0x39: {  	_ = 	snop;
	(pc) =	sbr.ind lr, $3  }
0x3a: {  	_ = 	snop  }
0x3b: {  	_ = 	snop  }
0x3c: {  	p2 =	seq.s32 s10, $0x1;
	s10 =	sld [smem:$0x3FB4]  }
0x3d: {  	_ =	shalt  }
0x3e: {  	_ =	shalt  }
0x3f: {  	_ =	shalt  }
0x40: {  	_ =	shalt  }
0x41: {  	_ =	shalt  }
0x42: {  	_ =	shalt  }
0x43: {  	_ =	shalt  }
0x44: {  	_ =	shalt  }
0x45: {  	_ =	shalt  }
0x46: {  	_ =	shalt  }
0x47: {  	_ =	shalt  }
0x48: {  	_ =	shalt  }
0x49: {  	_ =	shalt  }
0x4a: {  	_ =	shalt  }
0x4b: {  	_ =	shalt  }
0x4c: {  	_ =	shalt  }
0x4d: {  	_ =	shalt  }
0x4e: {  	_ =	shalt  }
0x4f: {  	_ =	shalt  }
0x50: {  	_ =	shalt  }
0x51: {  	_ =	shalt  }
0x52: {  	_ =	shalt  }
0x53: {  	_ =	shalt  }
0x54: {  	_ =	shalt  }
0x55: {  	_ =	shalt  }
0x56: {  	_ =	shalt  }
0x57: {  	_ =	shalt  }
0x58: {  	_ =	shalt  }
0x59: {  	_ =	shalt  }
0x5a: {  	_ =	shalt  }
0x5b: {  	_ =	shalt  }
0x5c: {  	_ =	shalt  }
0x5d: {  	_ =	shalt  }
0x5e: {  	_ =	shalt  }
0x5f: {  	_ =	shalt  }
0x60: {  	_ =	shalt  }
0x61: {  	_ =	shalt  }
0x62: {  	_ =	shalt  }
0x63: {  	_ =	shalt  }
0x64: {  	_ =	shalt  }
0x65: {  	_ =	shalt  }
0x66: {  	_ =	shalt  }
0x67: {  	_ =	shalt  }
0x68: {  	_ =	shalt  }
0x69: {  	_ =	shalt  }
0x6a: {  	_ =	shalt  }
0x6b: {  	_ =	shalt  }
0x6c: {  	_ =	shalt  }
0x6d: {  	_ =	shalt  }
0x6e: {  	_ =	shalt  }
0x6f: {  	_ =	shalt  }
0x70: {  	_ =	shalt  }
0x71: {  	_ =	shalt  }
0x72: {  	_ =	shalt  }
0x73: {  	_ =	shalt  }
0x74: {  	_ =	shalt  }
0x75: {  	_ =	shalt  }
0x76: {  	_ =	shalt  }
0x77: {  	_ =	shalt  }
0x78: {  	_ =	shalt  }
0x79: {  	_ =	shalt  }
0x7a: {  	_ =	shalt  }
0x7b: {  	_ =	shalt  }
0x7c: {  	_ =	shalt  }
0x7d: {  	_ =	shalt  }
0x7e: {  	_ =	shalt  }
0x7f: {  	_ =	shalt  }
0x80: {  	_ =	shalt  }
0x81: {  	_ =	shalt  }
0x82: {  	_ =	shalt  }
0x83: {  	_ =	shalt  }
0x84: {  	_ =	shalt  }
0x85: {  	_ =	shalt  }
0x86: {  	_ =	shalt  }
0x87: {  	_ =	shalt  }
.Lfunc_end0:
.L_simem_size_0:
called_computation_lowered:
.L_overlay_start_0:
0x88: {  	s2 =	sld [smem:$0x3FD9]  }
0x89: {  	s3 =	sld [smem:$0x3FFE];
	_ =	sdelay $0x1  }
0x8a: {  	s1 =	srdreg.scid  }
0x8b: {  	s0 =	sand.u32 $0x1, s1  }
0x8c: {  	s17 =	sshll.u32 s0, $0xA;
	s2 =	sadd.s32 s3, s2  }
0x8d: {  	s2 =	sadd.s32 s2, s17  }
0x8e: {  	[smem:$0x3FC0] =	sst s2  }
0x8f: {  	_ = 	snop  }
0x90: {  	s2 =	sld [smem:$0x3FD0];
	(tm) =	ssettm $0x1  }
0x91: {  	s18 =	sld [smem:$0x3FFB];
	_ =	sdelay $0x3  }
0x92: {  	_ =	strace s18  }
0x93: {  	s3 =	sld [smem:$0x3FFC];
	_ =	sdelay $0x3  }
0x94: {  	_ =	strace s3  }
0x95: {  	s3 =	sld [smem:$0x3FFD];
	_ =	sdelay $0x3  }
0x96: {  	_ =	strace s3  }
0x97: {  	_ =	strace $0x8FFFFFFF  }
0x98: {  	s19 =	sld [smem:$0x3FDB];
	_ =	sdelay $0x1  }
0x99: {  	s4 =	simm.s32 $_scs_section_size  }
0x9a: {  	s5 =	simm.s32 $_size__tile_overlayer_lowered;
	s6 =	simm.s32 $_tile_overlayer_lowered  }
0x9b: {  	s22 =	simm.s32 $0x1BFF;
	s21 =	sshll.u32 s6, $0x1;
	s3 =	sadd.s32 s4, s19  }
0x9c: {  	s7 =	simm.s32 $0x0;
	s20 =	sshll.u32 s5, $0x1;
	s5 =	sadd.s32 s21, s3  }
0x9d: {  	[timem:s7], [sflag:s22] =	dma.local [hbm:s5], s20  }
0x9e: {  	_ =	swait.ge [sflag:s22], s20  }
0x9f: {  	s4 =	ssub.s32 $0x0, s20;
	[sflag:s22] =	ssyncset.done $0x0  }
0xa0: {  	[sflag:s22] =	ssyncadd.s32 s4;
	_ =	sdelay $0x1  }
0xa1: {  	s23 =	simm.s32 $0x1B8B  }
0xa2: {  	_ =	swait.ge [sflag:s23], $0x1  }
0xa3: {  	[sflag:s23] =	ssyncset.done $0x0  }
0xa4: {  	s25 =	simm.s32 $0x1B8E;
	s24 =	sld [smem:$0x3FFE];
	[sflag:s23] =	ssyncadd.s32 $0xFFFFFFFF  }
0xa5: {  	s26 =	simm.s32 $execute0_lowered;
	[smem:$0x3FD2] =	sst s25  }
0xa6: {  	s5 =	sshll.u32 s26, $0x1;
	_ =	strace $0x80000046;
	[dreg:$0x1] =	wrdreg $0xFFFFFFFF  }
0xa7: {  	s28 =	simm.s32 $_size_execute0_lowered;
	s3 =	sadd.s32 s3, s5;
	[dreg:$0x0] =	wrdreg $0x0  }
0xa8: {  	s5 =	sshll.u32 s28, $0x1;
	[dreg:$0x2] =	wrdreg s3  }
0xa9: {  	[dreg:$0x3] =	wrdreg s5  }
0xaa: {  	[dreg:$0x4] =	wrdreg $0xC0  }
0xab: {  	_ =	task [dreg:s7], $0x5FFFF  }
0xac: {  	[dreg:$0x1] =	wrdreg $0xFFFFFFFF  }
0xad: {  	[dreg:$0x0] =	wrdreg $0x60  }
0xae: {  	[dreg:$0x2] =	wrdreg s2  }
0xaf: {  	[dreg:$0x3] =	wrdreg s24  }
0xb0: {  	[dreg:$0x4] =	wrdreg $0xBC000  }
0xb1: {  	[dreg:$0x5] =	wrdreg $0x1FC000  }
0xb2: {  	[dreg:$0x6] =	wrdreg $0x9  }
0xb3: {  	_ =	task.clear_ibuf [dreg:s7], $0x7FFFF;
	_ =	strace $0x90000046  }
0xb4: {  	s29 =	simm.s32 $0x9;
	_ =	strace $0x80000048  }
0xb5: {  	_ =	swait.ge [sflag:s29], $0x1  }
0xb6: {  	[sflag:s29] =	ssyncadd.s32 $0xFFFFFFFF  }
0xb7: {  	_ =	strace $0x90000048  }
0xb8: {  	_ =	sfence  }
0xb9: {  	s30 =	sld [smem:$0x0];
	_ =	sdelay $0x2  }
0xba: {  	s31 =	sshll.u32 s1, $0xD;
	s1 =	sshrl.u32 s1, $0x2  }
0xbb: {  	s3 =	sand.u32 $0x4000, s31;
	s1 =	sadd.s32 s1, s30  }
0xbc: {  	s0 =	sor.u32 s3, s0;
	s1 =	sshll.u32 s1, $0x11  }
0xbd: {  	s0 =	sor.u32 s1, s0  }
0xbe: {  	s0 =	sadd.s32 $0x8F2B, s0  }
0xbf: {  	[sflag:s0] =	ssyncadd.remote.s32 $0x1  }
0xc0: {  	_ =	sfence.sel $0xFFFF  }
0xc1: {  	[dreg:$0x0] =	wrdreg $0xFFFFFFFF;
	(pc) =	sbr.abs _section_cstart, $3  }
0xc2: {  	[dreg:$0x1] =	wrdreg $0xFFFFFFFF  }
0xc3: {  	_ =	task.clear_ibuf [dreg:s7], $0x2FFFF;
	_ =	strace $0x9FFFFFFF  }
0xc4: {  	(tm) =	ssettm $0x7FFFFFFF  }
0xc5: {  	_ =	shalt  }
tec
execute0_lowered:
.L_overlay_start_1:
0x0: {  	(tag) =	ssettag $0x1  }
0x1: {  	s1 =	rddreg [dreg:$0x0]  }
0x2: {  	s0 =	rddreg [dreg:$0x1]  }
0x3: {  	s3 =	rddreg [dreg:$0x2];
	s24 =	stileid.u32  }
0x4: {  	s4 =	rddreg [dreg:$0x3];
	s8 =	smul.u32 $0x1F400, s24  }
0x5: {  	s5 =	srdreg.scid;
	s30 =	simm.s32 $0x40;
	s14 =	smul.u32 $0xA00, s24  }
0x6: {  	s31 =	simm.s32 $0x1;
	s29 =	simm.s32 $0xB780;
	s20 =	smul.u32 $0x3E8, s24  }
0x7: {  	s2 =	sshrl.u32 s24, $0x3;
	s23 =	sand.u32 $0x1, s5;
	s15 =	smul.u32 $0x50000, s24  }
0x8: {  	s5 =	simm.s32 $0x0;
	s6 =	sshll.u32 s24, $0x7;
	s2 =	smul.u32 $0x13C00, s2  }
0x9: {  	p1 =	slt.u32 s24, $0xA;
	p2 =	sgt.u32 s24, $0x9;
	s7 =	smul.u32 $0x138800, s23  }
0xa: {  	[smem:$0x7FF] =	sst s5;
	s6 =	sand.u32 $0x380, s6;
	s16 =	ssub.s32 $0x2, s23  }
0xb: {  	p0 =	seq.s32 s23, $0x0;
	s28 =	smul.u32 $0x2710, s23;
	_ =	strace $0x80000047  }
0xc: {  	s18 =	sadd.s32 s14, s0;
	s17 =	sshrl.u32 s20, $0x3;
	s9 =	sshrl.u32 s16, $0x1  }
0xd: {  	p0 =	por !p0, !p1;
	s20 =	sadd.s32 s20, s4;
	p1 =	sne.s32 s23, $0x0  }
0xe: {  	s23 =	simm.s32 $0x7780;
	s2 =	sor.u32 s6, s2;
	s7 =	sadd.s32 s8, s7  }
0xf: {  	s8 =	sshrl.u32 s15, $0x2;
	s22 =	ssub.s32 s16, s9;
	p0 =	por !p0, !p0  }
0x10: {  	s16 =	sshll.u32 s24, $0xA;
	s18 =	sadd.s32 $0x7800, s18;
	s2 =	sshrl.u32 s2, $0x3  }
0x11: {  	s7 =	sshrl.u32 s7, $0x3;
	s6 =	sadd.s32 s8, s3;
	s16 =	sadd.s32 s16, s4  }
0x12: {  	s22 =	smax.u32 s22, $0x1;
	p3 =	por !p0, p2;
	s2 =	sadd.s32 s2, s0  }
0x13: {  	s19 =	sadd.s32 s7, s0;
	s0 =	sadd.s32 s17, s0;
	s21 =	sadd.s32 $0x2000, s6  }
0x14: {  	s25 =	sadd.s32 $0x4000, s6;
	s9 =	sadd.s32 $0x6000, s6;
	s10 =	sadd.s32 $0x8000, s6  }
0x15: {  	s11 =	sadd.s32 $0xA000, s6;
	[dreg:$0x5] =	wrdreg s21;
	s21 =	smul.u32 $0x7D000, s24  }
.Ltmp0:
0x16: {  	s12 =	sadd.s32 $0xC000, s6;
	s13 =	sadd.s32 $0xE000, s6;
	(pc) =	sbr.rel .LBB2_1-.Ltmp0, $4  }
0x17: {  	s14 =	sadd.s32 $0x10000, s6;
	s15 =	sadd.s32 $0x12000, s6;
	[dreg:$0x6] =	wrdreg s25  }
0x18: {  	s17 =	sadd.s32 $0x2800, s2;
	s19 =	sadd.s32 $0x11E00, s19;
	s26 =	sshrl.u32 s21, $0x2  }
0x19: {  	s25 =	simm.s32 $0x3;
	s21 =	sadd.s32 $0x11800, s0;
	s2 =	sadd.s32 s26, s3  }
0x1a: {  	v1 =	vimm.f32 $0.0e+00;
	v2 =	vimm.f32 $1.000000000e+00;
	v0 =	vmov s28;
	s26 =	simm.s32 $0x2;
	s24 =	sshrl.u32 @!p2 s2, $0x3;
	s2 =	simm.s32 $0x9780  }
.LBB2_10:
0x1b: {  	[sflag:s25] =	ssyncset.done $0x0  }
0x1c: {  	[sflag:s25] =	ssyncadd.s32 $0xFFFFFFC0  }
.LBB2_11:
0x1d: {  	s0 =	stileid.u32  }
0x1e: {  	s0 =	sshll.u32 @!p2 s0, $0x6  }
0x1f: {  	[bflag:$0x0] =	sbarrier.arrive $0xFFFF;
	s0 =	sor.u32 @!p2 $0x1C03, s0  }
0x20: {  	[hbm:s19], [sflag:s0] =	dma.local @!p2 [spmem:s24], $0x3E80  }
0x21: {  	s0 =	simm.s32 @!p2 $0x3  }
0x22: {  	_ =	swait.ge @!p2 [sflag:s0], $0x3E80  }
0x23: {  	[sflag:s0] =	ssyncset.done @!p2 $0x0  }
0x24: {  	s7 =	simm.s32 @!p3 $0x3;
	[sflag:s0] =	ssyncadd.s32 @!p2 $0xFFFFC180;
	s0 =	simm.s32 @!p3 $0xB800  }
0x25: {  	[tilespmem:s0], [sflag:$0x3] =	stream.linear.gather @!p3 [spmem:s20], $0x3E8, $0x38;
	[tilespmem:$0x1FE80] =	vst v63  }
0x26: {  	s5 =	sadd.s32 $0x1, s5;
	_ =	swait.ge @!p3 [sflag:s7], $0x3E8  }
0x27: {  	p4 =	sne.s32 s5, s22;
	[sflag:s7] =	ssyncset.done @!p3 $0x0  }
.Ltmp1:
0x28: {  	s8 =	simm.s32 @!p3 $0x0;
	[sflag:s7] =	ssyncadd.s32 @!p3 $0xFFFFFC18;
	(pc) =	sbr.rel @!p4 .LBB2_12-.Ltmp1, $4  }
0x29: {  	[hbm4b:s21+s8] =	stream.linear.scatter @!p3 [tilespmem:s0], [sflag:$0x3], $0x3E8, $0x38;
	[tilespmem:$0x1FE80] =	vst v63  }
0x2a: {  	_ =	swait.ge @!p3 [sflag:s7], $0x3E8  }
0x2b: {  	[sflag:s7] =	ssyncset.done @!p3 $0x0  }
0x2c: {  	[sflag:s7] =	ssyncadd.s32 @!p3 $0xFFFFFC18  }
.LBB2_1:
0x2d: {  	s0 =	simm.s32 $0x0;
	s28 =	simm.s32 $0x200  }
.LBB2_2:
0x2e: {  	p4 =	sne.s32 s28, $0x7E00;
	[tilespmem:s0+$0x77F0] =	vst v1  }
0x2f: {  	[tilespmem:s0+$0x7780] =	vst v1  }
0x30: {  	[tilespmem:s0+$0x7790] =	vst v1  }
.Ltmp2:
0x31: {  	[tilespmem:s0+$0x77A0] =	vst v1;
	(pc) =	sbr.rel @p4 .LBB2_2-.Ltmp2, $4  }
0x32: {  	[tilespmem:s0+$0x77B0] =	vst v1  }
0x33: {  	[tilespmem:s0+$0x77C0] =	vst v1  }
0x34: {  	[tilespmem:s0+$0x77D0] =	vst v1  }
0x35: {  	[tilespmem:s0+$0x77E0] =	vst v1;
	s0 =	sshra.s32 s28, $0x2;
	s28 =	sadd.s32 $0x200, s28  }
0x36: {  	[tilespmem:s0+$0x77F0] =	vst v1  }
0x37: {  	[tilespmem:s0+$0x7780] =	vst v1  }
0x38: {  	[tilespmem:s0+$0x7790] =	vst v1  }
0x39: {  	[tilespmem:s0+$0x77A0] =	vst v1  }
0x3a: {  	[tilespmem:s0+$0x77B0] =	vst v1  }
0x3b: {  	[tilespmem:s0+$0x77C0] =	vst v1  }
0x3c: {  	[tilespmem:s0+$0x77D0] =	vst v1  }
0x3d: {  	[tilespmem:s0+$0x77E0] =	vst v1  }
0x3e: {  	[spmem:s6] =	stream.linear.scatter [tilespmem:s23], [sflag:$0x3], $0x2000, $0x38;
	[tilespmem:$0x1FE80] =	vst v63  }
0x3f: {  	_ =	swait.ge [sflag:s25], $0x2000  }
0x40: {  	[sflag:s25] =	ssyncset.done $0x0  }
0x41: {  	s7 =	rddreg [dreg:$0x5];
	[sflag:s25] =	ssyncadd.s32 $0xFFFFE000  }
0x42: {  	[spmem:s7] =	stream.linear.scatter [tilespmem:s23], [sflag:$0x3], $0x2000, $0x38;
	[tilespmem:$0x1FE80] =	vst v63  }
0x43: {  	_ =	swait.ge [sflag:s25], $0x2000  }
0x44: {  	[sflag:s25] =	ssyncset.done $0x0  }
0x45: {  	s8 =	rddreg [dreg:$0x6];
	[sflag:s25] =	ssyncadd.s32 $0xFFFFE000  }
0x46: {  	[spmem:s8] =	stream.linear.scatter [tilespmem:s23], [sflag:$0x3], $0x2000, $0x38;
	[tilespmem:$0x1FE80] =	vst v63  }
0x47: {  	_ =	swait.ge [sflag:s25], $0x2000  }
0x48: {  	[sflag:s25] =	ssyncset.done $0x0  }
0x49: {  	[sflag:s25] =	ssyncadd.s32 $0xFFFFE000  }
0x4a: {  	[spmem:s9] =	stream.linear.scatter [tilespmem:s23], [sflag:$0x3], $0x2000, $0x38;
	[tilespmem:$0x1FE80] =	vst v63  }
0x4b: {  	_ =	swait.ge [sflag:s25], $0x2000  }
0x4c: {  	[sflag:s25] =	ssyncset.done $0x0  }
0x4d: {  	[sflag:s25] =	ssyncadd.s32 $0xFFFFE000  }
0x4e: {  	[spmem:s10] =	stream.linear.scatter [tilespmem:s23], [sflag:$0x3], $0x2000, $0x38;
	[tilespmem:$0x1FE80] =	vst v63  }
0x4f: {  	_ =	swait.ge [sflag:s25], $0x2000  }
0x50: {  	[sflag:s25] =	ssyncset.done $0x0  }
0x51: {  	[sflag:s25] =	ssyncadd.s32 $0xFFFFE000  }
0x52: {  	[spmem:s11] =	stream.linear.scatter [tilespmem:s23], [sflag:$0x3], $0x2000, $0x38;
	[tilespmem:$0x1FE80] =	vst v63  }
0x53: {  	_ =	swait.ge [sflag:s25], $0x2000  }
0x54: {  	[sflag:s25] =	ssyncset.done $0x0  }
0x55: {  	[sflag:s25] =	ssyncadd.s32 $0xFFFFE000  }
0x56: {  	[spmem:s12] =	stream.linear.scatter [tilespmem:s23], [sflag:$0x3], $0x2000, $0x38;
	[tilespmem:$0x1FE80] =	vst v63  }
0x57: {  	_ =	swait.ge [sflag:s25], $0x2000  }
0x58: {  	[sflag:s25] =	ssyncset.done $0x0  }
0x59: {  	[sflag:s25] =	ssyncadd.s32 $0xFFFFE000  }
0x5a: {  	[spmem:s13] =	stream.linear.scatter [tilespmem:s23], [sflag:$0x3], $0x2000, $0x38;
	[tilespmem:$0x1FE80] =	vst v63  }
0x5b: {  	_ =	swait.ge [sflag:s25], $0x2000  }
0x5c: {  	[sflag:s25] =	ssyncset.done $0x0  }
0x5d: {  	[sflag:s25] =	ssyncadd.s32 $0xFFFFE000  }
0x5e: {  	[spmem:s14] =	stream.linear.scatter [tilespmem:s23], [sflag:$0x3], $0x2000, $0x38;
	[tilespmem:$0x1FE80] =	vst v63  }
0x5f: {  	_ =	swait.ge [sflag:s25], $0x2000  }
0x60: {  	[sflag:s25] =	ssyncset.done $0x0  }
0x61: {  	[sflag:s25] =	ssyncadd.s32 $0xFFFFE000  }
0x62: {  	[spmem:s15] =	stream.linear.scatter [tilespmem:s23], [sflag:$0x3], $0x2000, $0x38;
	[tilespmem:$0x1FE80] =	vst v63  }
0x63: {  	_ =	swait.ge [sflag:s25], $0x2000  }
0x64: {  	[sflag:s25] =	ssyncset.done $0x0  }
0x65: {  	[sflag:s25] =	ssyncadd.s32 $0xFFFFE000  }
0x66: {  	[tilespmem:$0xB800] =	vst v1  }
0x67: {  	[tilespmem:$0xB810] =	vst v1  }
0x68: {  	[tilespmem:$0xB820] =	vst v1  }
0x69: {  	[tilespmem:$0xB830] =	vst v1  }
0x6a: {  	[tilespmem:$0xB840] =	vst v1  }
0x6b: {  	[tilespmem:$0xB850] =	vst v1  }
0x6c: {  	[tilespmem:$0xB860] =	vst v1  }
0x6d: {  	[tilespmem:$0xB870] =	vst v1  }
0x6e: {  	[tilespmem:$0xB880] =	vst v1  }
0x6f: {  	[tilespmem:$0xB890] =	vst v1  }
0x70: {  	[tilespmem:$0xB8A0] =	vst v1  }
0x71: {  	[tilespmem:$0xB8B0] =	vst v1  }
0x72: {  	[tilespmem:$0xB8C0] =	vst v1  }
0x73: {  	[tilespmem:$0xB8D0] =	vst v1  }
0x74: {  	[tilespmem:$0xB8E0] =	vst v1  }
0x75: {  	[tilespmem:$0xB8F0] =	vst v1  }
0x76: {  	[tilespmem:$0xB900] =	vst v1  }
0x77: {  	[tilespmem:$0xB910] =	vst v1  }
0x78: {  	[tilespmem:$0xB920] =	vst v1  }
0x79: {  	[tilespmem:$0xB930] =	vst v1  }
0x7a: {  	[tilespmem:$0xB940] =	vst v1  }
0x7b: {  	[tilespmem:$0xB950] =	vst v1  }
0x7c: {  	[tilespmem:$0xB960] =	vst v1  }
0x7d: {  	[tilespmem:$0xB970] =	vst v1  }
0x7e: {  	[tilespmem:$0xB980] =	vst v1  }
0x7f: {  	[tilespmem:$0xB990] =	vst v1  }
0x80: {  	[tilespmem:$0xB9A0] =	vst v1  }
0x81: {  	[tilespmem:$0xB9B0] =	vst v1  }
0x82: {  	[tilespmem:$0xB9C0] =	vst v1  }
0x83: {  	[tilespmem:$0xB9D0] =	vst v1  }
0x84: {  	[tilespmem:$0xB9E0] =	vst v1  }
0x85: {  	[tilespmem:$0xB9F0] =	vst v1  }
0x86: {  	[tilespmem:$0xBA00] =	vst v1  }
0x87: {  	[tilespmem:$0xBA10] =	vst v1  }
0x88: {  	[tilespmem:$0xBA20] =	vst v1  }
0x89: {  	[tilespmem:$0xBA30] =	vst v1  }
0x8a: {  	[tilespmem:$0xBA40] =	vst v1  }
0x8b: {  	[tilespmem:$0xBA50] =	vst v1  }
0x8c: {  	[tilespmem:$0xBA60] =	vst v1  }
0x8d: {  	[tilespmem:$0xBA70] =	vst v1  }
0x8e: {  	[tilespmem:$0xBA80] =	vst v1  }
0x8f: {  	[tilespmem:$0xBA90] =	vst v1  }
0x90: {  	[tilespmem:$0xBAA0] =	vst v1  }
0x91: {  	[tilespmem:$0xBAB0] =	vst v1  }
0x92: {  	[tilespmem:$0xBAC0] =	vst v1  }
0x93: {  	[tilespmem:$0xBAD0] =	vst v1  }
0x94: {  	[tilespmem:$0xBAE0] =	vst v1  }
0x95: {  	[tilespmem:$0xBAF0] =	vst v1  }
0x96: {  	[tilespmem:$0xBB00] =	vst v1  }
0x97: {  	[tilespmem:$0xBB10] =	vst v1  }
0x98: {  	[tilespmem:$0xBB20] =	vst v1  }
0x99: {  	[tilespmem:$0xBB30] =	vst v1  }
0x9a: {  	[tilespmem:$0xBB40] =	vst v1  }
0x9b: {  	[tilespmem:$0xBB50] =	vst v1  }
0x9c: {  	[tilespmem:$0xBB60] =	vst v1  }
0x9d: {  	[tilespmem:$0xBB70] =	vst v1  }
0x9e: {  	[tilespmem:$0xBB80] =	vst v1  }
0x9f: {  	[tilespmem:$0xBB90] =	vst v1  }
0xa0: {  	[tilespmem:$0xBBA0] =	vst v1  }
0xa1: {  	[tilespmem:$0xBBB0] =	vst v1  }
0xa2: {  	[tilespmem:$0xBBC0] =	vst v1  }
0xa3: {  	[tilespmem:$0xBBD0] =	vst v1  }
0xa4: {  	[tilespmem:$0xBBE0] =	vst v1  }
0xa5: {  	s0 =	simm.s32 @p0 $0xB800;
	[tilespmem:$0xBBF0] =	vst v1  }
0xa6: {  	[spmem:s16] =	stream.linear.scatter @p0 [tilespmem:s0], [sflag:$0x3], $0x400, $0x38;
	[tilespmem:$0x1FE80] =	vst v63  }
0xa7: {  	s0 =	simm.s32 @p0 $0x3  }
0xa8: {  	_ =	swait.ge @p0 [sflag:s0], $0x400  }
0xa9: {  	s7 =	simm.s32 $0x80;
	[sflag:s0] =	ssyncset.done @p0 $0x0  }
0xaa: {  	s8 =	simm.s32 $0x400;
	[sflag:s0] =	ssyncadd.s32 @p0 $0xFFFFFC00;
	s0 =	simm.s32 $0x0  }
0xab: {  	[tilespmem:s0], [sflag:$0x3] =	stream.strided.gather [hbm4b:s17+s7], $0x2780, s8, s7, $0x38;
	[tilespmem:$0x1FE80] =	vst v63  }
0xac: {  	_ =	swait.ge [sflag:s25], $0x2780  }
0xad: {  	[sflag:s25] =	ssyncset.done $0x0  }
0xae: {  	s28 =	simm.s32 $0x40;
	s0 =	simm.s32 $0x0;
	[sflag:s25] =	ssyncadd.s32 $0xFFFFD880  }
.LBB2_4:
0xaf: {  	p4 =	sne.s32 s28, $0x9DC0;
	v3 =	vld [tilespmem:s0+$0x0];
	_ =	sdelay $0x1  }
.Ltmp3:
0xb0: {  	(pc) =	sbr.rel @p4 .LBB2_4-.Ltmp3, $3  }
0xb1: {  	_ =	sdelay $0x1  }
0xb2: {  	v3 =	vadd.s32 v0, v3  }
0xb3: {  	[tilespmem:s0+$0x0] =	vst v3;
	s0 =	sshra.s32 s28, $0x2;
	s28 =	sadd.s32 $0x40, s28  }
0xb4: {  	v3 =	vld [tilespmem:s0+$0x0];
	_ =	sdelay $0x4  }
0xb5: {  	v3 =	vadd.s32 v0, v3  }
0xb6: {  	[tilespmem:s0+$0x0] =	vst v3  }
0xb7: {  	[tilespmem:$0xB780] =	vst v2  }
0xb8: {  	[tilespmem:$0xB790] =	vst v2  }
0xb9: {  	[tilespmem:$0xB7A0] =	vst v2  }
0xba: {  	[tilespmem:$0xB7B0] =	vst v2  }
0xbb: {  	s8 =	simm.s32 $0x0;
	s7 =	simm.s32 $0x2780;
	[bflag:$0x0] =	sbarrier.arrive $0xFFFF  }
0xbc: {  	[tilespmem:s7], [sflag:$0x3] =	stream.linear.gather [hbm4b:s18+s8], $0x4F00, $0x38;
	[tilespmem:$0x1FE80] =	vst v63  }
0xbd: {  	_ =	swait.ge [sflag:s25], $0x4F00  }
0xbe: {  	[sflag:s25] =	ssyncset.done $0x0  }
0xbf: {  	[sflag:s25] =	ssyncadd.s32 $0xFFFFB100  }
0xc0: {  	[tilespmem:s23], [sflag:$0x1] =	stream.indirect.gather [hbm4b:s1+s30], $0x80, s8, s30, $0xb8;
	[tilespmem:$0x1FE80] =	vst v63  }
0xc1: {  	_ =	swait.ge [sflag:s31], $0x2000  }
0xc2: {  	[sflag:s31] =	ssyncset.done $0x0  }
0xc3: {  	s8 =	simm.s32 $0x40;
	[sflag:s31] =	ssyncadd.s32 $0xFFFFE000  }
0xc4: {  	[tilespmem:s2], [sflag:$0x2] =	stream.indirect.gather [hbm4b:s1+s30], $0x80, s8, s30, $0xb8;
	[tilespmem:$0x1FE80] =	vst v63  }
0xc5: {  	s7 =	simm.s32 $0x2780  }
0xc6: {  	[spmem:s3] =	stream.indirect.scatter.add.f32 [tilespmem:s23], [sflag:$0x3], $0x80, s7, s30, $0xb8;
	[tilespmem:$0x1FE80] =	vst v63  }
0xc7: {  	_ =	swait.ge [sflag:s25], $0x2000  }
0xc8: {  	[sflag:s25] =	ssyncset.done $0x0  }
0xc9: {  	[sflag:s25] =	ssyncadd.s32 $0xFFFFE000  }
0xca: {  	_ =	swait.ge [sflag:s26], $0x2000  }
0xcb: {  	[sflag:s26] =	ssyncset.done $0x0  }
0xcc: {  	s28 =	simm.s32 $0x80;
	[sflag:s26] =	ssyncadd.s32 $0xFFFFE000  }
0xcd: {  	[tilespmem:s23], [sflag:$0x1] =	stream.indirect.gather [hbm4b:s1+s30], $0x80, s28, s30, $0xb8;
	[tilespmem:$0x1FE80] =	vst v63  }
0xce: {  	s8 =	simm.s32 $0x2800  }
0xcf: {  	[spmem:s3] =	stream.indirect.scatter.add.f32 [tilespmem:s2], [sflag:$0x3], $0x80, s8, s30, $0xb8;
	[tilespmem:$0x1FE80] =	vst v63  }
0xd0: {  	_ =	swait.ge [sflag:s25], $0x2000  }
0xd1: {  	s0 =	simm.s32 $0x400;
	[sflag:s25] =	ssyncset.done $0x0  }
.LBB2_6:
0xd2: {  	p4 =	sne.s32 s0, $0x13400;
	[sflag:s25] =	ssyncadd.s32 $0xFFFFE000;
	s28 =	sadd.s32 $0x80, s28  }
0xd3: {  	s7 =	smov.u32 s0;
	s0 =	sadd.s32 $0x400, s0  }
0xd4: {  	_ =	swait.ge [sflag:s31], $0x2000  }
0xd5: {  	[sflag:s31] =	ssyncset.done $0x0  }
0xd6: {  	s8 =	sadd.s32 $0xFFFFFFC0, s28;
	s7 =	sshra.s32 s7, $0x2;
	[sflag:s31] =	ssyncadd.s32 $0xFFFFE000  }
0xd7: {  	[tilespmem:s2], [sflag:$0x2] =	stream.indirect.gather [hbm4b:s1+s30], $0x80, s8, s30, $0xb8;
	[tilespmem:$0x1FE80] =	vst v63  }
0xd8: {  	s8 =	sadd.s32 $0x2780, s7  }
0xd9: {  	[spmem:s3] =	stream.indirect.scatter.add.f32 [tilespmem:s23], [sflag:$0x3], $0x80, s8, s30, $0xb8;
	[tilespmem:$0x1FE80] =	vst v63  }
0xda: {  	_ =	swait.ge [sflag:s25], $0x2000  }
0xdb: {  	[sflag:s25] =	ssyncset.done $0x0  }
0xdc: {  	[sflag:s25] =	ssyncadd.s32 $0xFFFFE000  }
0xdd: {  	_ =	swait.ge [sflag:s26], $0x2000  }
0xde: {  	[sflag:s26] =	ssyncset.done $0x0  }
0xdf: {  	[sflag:s26] =	ssyncadd.s32 $0xFFFFE000  }
0xe0: {  	[tilespmem:s23], [sflag:$0x1] =	stream.indirect.gather [hbm4b:s1+s30], $0x80, s28, s30, $0xb8;
	[tilespmem:$0x1FE80] =	vst v63  }
.Ltmp4:
0xe1: {  	_ = 	snop;
	(pc) =	sbr.rel @p4 .LBB2_6-.Ltmp4, $4  }
0xe2: {  	s7 =	sadd.s32 $0x2800, s7  }
0xe3: {  	[spmem:s3] =	stream.indirect.scatter.add.f32 [tilespmem:s2], [sflag:$0x3], $0x80, s7, s30, $0xb8;
	[tilespmem:$0x1FE80] =	vst v63  }
0xe4: {  	_ =	swait.ge [sflag:s25], $0x2000  }
0xe5: {  	[sflag:s25] =	ssyncset.done $0x0  }
0xe6: {  	[sflag:s25] =	ssyncadd.s32 $0xFFFFE000  }
0xe7: {  	_ =	swait.ge [sflag:s31], $0x2000  }
0xe8: {  	[sflag:s31] =	ssyncset.done $0x0  }
0xe9: {  	s0 =	simm.s32 $0x2740;
	[sflag:s31] =	ssyncadd.s32 $0xFFFFE000  }
0xea: {  	[tilespmem:s2], [sflag:$0x2] =	stream.indirect.gather [hbm4b:s1+s30], $0x80, s0, s30, $0xb8;
	[tilespmem:$0x1FE80] =	vst v63  }
0xeb: {  	s8 =	simm.s32 $0x7580  }
0xec: {  	[spmem:s3] =	stream.indirect.scatter.add.f32 [tilespmem:s23], [sflag:$0x3], $0x80, s8, s30, $0xb8;
	[tilespmem:$0x1FE80] =	vst v63  }
0xed: {  	_ =	swait.ge [sflag:s25], $0x2000  }
0xee: {  	[sflag:s25] =	ssyncset.done $0x0  }
0xef: {  	[sflag:s25] =	ssyncadd.s32 $0xFFFFE000  }
0xf0: {  	_ =	swait.ge [sflag:s26], $0x2000  }
0xf1: {  	[sflag:s26] =	ssyncset.done $0x0  }
.Ltmp5:
0xf2: {  	s28 =	simm.s32 $0x7600;
	[sflag:s26] =	ssyncadd.s32 $0xFFFFE000;
	(pc) =	sbr.rel @p1 .LBB2_11-.Ltmp5, $4  }
0xf3: {  	[spmem:s3] =	stream.indirect.scatter.add.f32 [tilespmem:s2], [sflag:$0x3], $0x80, s28, s30, $0xb8;
	[tilespmem:$0x1FE80] =	vst v63  }
0xf4: {  	_ =	swait.ge [sflag:s25], $0x2000  }
0xf5: {  	[sflag:s25] =	ssyncset.done $0x0  }
0xf6: {  	s0 =	simm.s32 $0x0;
	[sflag:s25] =	ssyncadd.s32 $0xFFFFE000  }
0xf7: {  	s7 =	sshra.s32 s0, $0x2  }
0xf8: {  	s7 =	sadd.s32 $0x2780, s7  }
0xf9: {  	[spmem:s4] =	stream.indirect.scatter.add.f32 [tilespmem:s29], [sflag:$0x3], $0x1, s7, s30, $0xb8;
	[tilespmem:$0x1FE80] =	vst v63  }
0xfa: {  	s0 =	sadd.s32 $0x200, s0;
	_ =	swait.ge [sflag:s25], $0x40  }
.LBB2_9:
0xfb: {  	s7 =	sshra.s32 s0, $0x2;
	[sflag:s25] =	ssyncset.done $0x0;
	p4 =	sne.s32 s0, $0x13A00  }
.Ltmp6:
0xfc: {  	s7 =	sadd.s32 $0x2780, s7;
	[sflag:s25] =	ssyncadd.s32 $0xFFFFFFC0;
	(pc) =	sbr.rel @p4 .LBB2_9-.Ltmp6, $3  }
0xfd: {  	[spmem:s4] =	stream.indirect.scatter.add.f32 [tilespmem:s29], [sflag:$0x3], $0x1, s7, s30, $0xb8;
	[tilespmem:$0x1FE80] =	vst v63  }
0xfe: {  	s0 =	sadd.s32 $0x200, s0;
	_ =	sdelay $0x1  }
0xff: {  	_ =	swait.ge [sflag:s25], $0x40  }
.Ltmp7:
0x100: {  	_ = 	snop;
	(pc) =	sbr.rel .LBB2_10-.Ltmp7, $1  }
0x101: {  	_ =	sdelay $0x3  }
.LBB2_12:
0x102: {  	_ =	sfence.sel $0x180000  }
0x103: {  	[bflag:$0x0] =	sbarrier.arrive $0xFFFF  }
0x104: {  	_ =	strace $0x90000047  }
0x105: {  	s0 =	stileid.u32;
	[bflag:$0x2] =	sbarrier.arrive $0xFFFF  }
0x106: {  	p0 =	sne.s32 s0, $0x0;
	s0 =	rddreg [dreg:$0x4]  }
0x107: {  	s0 =	sadd.s32 @!p0 $0x100000, s0  }
0x108: {  	[sflag:s0] =	ssyncadd.tile.s32 @!p0 $0x1;
	_ =	shalt  }
.Lfunc_end2:
_tile_overlayer_lowered:
.L_overlay_start_2:
0x109: {  	(tag) =	ssettag $0x2  }
0x10a: {  	s0 =	rddreg [dreg:$0x0];
	s2 =	stileid.u32  }
0x10b: {  	s1 =	rddreg [dreg:$0x1];
	p0 =	sne.s32 s2, $0x0  }
0x10c: {  	s3 =	rddreg [dreg:$0x2];
	[bflag:$0x3] =	sbarrier.arrive $0xFFFF;
	s2 =	simm.s32 @!p0 $0x1C03  }
0x10d: {  	[timem:s3], [sflag:s2] =	dma.local @!p0 [hbm:s0], s1  }
0x10e: {  	s0 =	simm.s32 @!p0 $0x3  }
0x10f: {  	_ =	swait.ge @!p0 [sflag:s0], s1  }
0x110: {  	s1 =	ssub.s32 @!p0 $0x0, s1;
	[sflag:s0] =	ssyncset.done @!p0 $0x0  }
0x111: {  	[sflag:s0] =	ssyncadd.s32 @!p0 s1  }
0x112: {  	[bflag:$0x3] =	sbarrier.arrive $0xFFFF  }
0x113: {  	_ =	shalt  }

</sc_bundles>
